<compile_context>
chip_gen: v7x
topology: tpu7x:2x2x1
jax: 0.10.2.dev20260603
libtpu: 0.0.44.dev20260713+nightly
codegen_flags: <defaults>
</compile_context>

<pallas_src>
import functools

import jax
import jax.numpy as jnp
from jax import lax
from jax.experimental import pallas as pl
from jax.experimental.pallas import tpu as pltpu
from jax.experimental.pallas import tpu_sc as plsc

_WAVE = 16
_NBUF = 3
_LANES = 128


@functools.lru_cache(maxsize=None)
def _build(batch, dim):
    info = plsc.get_sparse_core_info()
    nc = info.num_cores
    nw = nc * info.num_subcores
    chunk = batch // nw
    n_waves = chunk // _WAVE
    assert n_waves % 2 == 0 and n_waves >= 2 * _NBUF
    mesh = plsc.VectorSubcoreMesh(core_axis_name="c", subcore_axis_name="s")

    @functools.partial(
        pl.kernel,
        mesh=mesh,
        out_type=jax.ShapeDtypeStruct((dim, batch), jnp.float32),
        scratch_types=[
            pltpu.VMEM((chunk,), jnp.int32),
            pltpu.VMEM((dim, _NBUF * _WAVE * _LANES), jnp.float32),
            pltpu.VMEM((dim, chunk), jnp.float32),
            pltpu.SemaphoreType.DMA,
            pltpu.SemaphoreType.DMA,
            pltpu.SemaphoreType.DMA,
        ],
        compiler_params=pltpu.CompilerParams(
            needs_layout_passes=False, skip_device_barrier=True),
    )
    def gather_kernel(idx_hbm, zt_hbm, out_hbm, idx_v, tiles_v, cols_v,
                      sem0, sem1, sem2):
        wid = lax.axis_index("s") * nc + lax.axis_index("c")
        base = pl.multiple_of(wid * chunk, _LANES)
        pltpu.sync_copy(idx_hbm.at[pl.ds(base, chunk)], idx_v)

        iota = lax.broadcasted_iota(jnp.int32, (_WAVE,), 0)
        sems = (sem0, sem1, sem2)

        def fire(g, buf):
            idx16 = idx_v[pl.ds(g * _WAVE, _WAVE)]
            for k in range(_WAVE):
                lt = pl.multiple_of(
                    lax.shift_right_logical(idx16[k], 7) * _LANES, _LANES)
                pltpu.async_copy(
                    zt_hbm.at[:, pl.ds(lt, _LANES)],
                    tiles_v.at[:, pl.ds((buf * _WAVE + k) * _LANES, _LANES)],
                    sems[buf])

        def drain_extract(g, buf):
            pltpu.make_async_copy(
                zt_hbm.at[:, pl.ds(0, _WAVE * _LANES)],
                tiles_v.at[:, pl.ds(buf * _WAVE * _LANES, _WAVE * _LANES)],
                sems[buf]).wait()
            idx16 = idx_v[pl.ds(g * _WAVE, _WAVE)]
            col16 = (buf * _WAVE + iota) * _LANES + (idx16 & (_LANES - 1))
            for j in range(dim):
                row_j = jnp.full((_WAVE,), j, jnp.int32)
                vals = plsc.load_gather(tiles_v, [row_j, col16])
                cols_v[j, pl.ds(g * _WAVE, _WAVE)] = vals

        fire(0, 0)
        fire(1, 1)
        n_main = (n_waves // _NBUF) * _NBUF

        def trio_body(p, _):
            g = _NBUF * p
            for q in range(_NBUF):
                nxt = g + q + _NBUF - 1
                nxt_buf = (q + _NBUF - 1) % _NBUF

                @pl.when(nxt < n_waves)
                def _fire_next():
                    fire(nxt, nxt_buf)

                drain_extract(g + q, q)
            return _

        lax.fori_loop(0, n_main // _NBUF, trio_body, None)
        for g in range(n_main, n_waves):
            drain_extract(g, g % _NBUF)
        pltpu.sync_copy(cols_v, out_hbm.at[:, pl.ds(base, chunk)])

    return gather_kernel


def kernel(ixs, z):
    n, dim = z.shape
    batch = ixs.shape[0]
    out_t = _build(batch, dim)(ixs, z.T)
    return out_t.T

# --- scband reference (transcript-rebuilt; emitter-appended) ---
"""Pipeline reference for scband-representation-layer-53077205844025 (READ-ONLY COPY).

The authoritative reference and input builder live on the scoring server;
editing this copy changes nothing except your own understanding.
"""

import jax, jax.numpy as jnp
import numpy as np

N_SAMPLES = 1000000
DIM = 16
BATCH = 16384


def setup_inputs(seed: int = 0) -> dict:
    key = jax.random.key(seed)
    k_table, k_idx = jax.random.split(key)
    # Learned representation table, initialized ~ N(0, 1) like the torch module's
    # 'normal' dist initialization (mean=0.0, stddev=1.0).
    z = jax.random.normal(k_table, (N_SAMPLES, DIM), dtype=jnp.float32)
    ixs = jax.random.randint(k_idx, (BATCH,), 0, N_SAMPLES, dtype=jnp.int32)
    return {"ixs": ixs, "z": z}


def reference(ixs, z):
    # RepresentationLayer.forward(ixs): gather the learned representations
    # for the given sample indices (embedding lookup on the parameter table).
    return jnp.take(z, ixs, axis=0)

if __name__ == "__main__":
    import jax
    _d = setup_inputs()
    print(jax.jit(kernel)(*tuple(_d.values())))

</pallas_src>

<mosaic_0001>
#map = affine_map<(d0, d1) -> (0)>
#map1 = affine_map<(d0, d1) -> (0, 0)>
module attributes {stable_mosaic.version = 14 : i64} {
  func.func @gather_kernel(%arg0: i32, %arg1: i32, %arg2: memref<16384xi32, #tpu.memory_space<hbm>>, %arg3: memref<16x1000000xf32, #tpu.memory_space<hbm>>, %arg4: memref<16x16384xf32, #tpu.memory_space<hbm>>, %arg5: memref<512xi32, #tpu.memory_space<vmem>>, %arg6: memref<16x6144xf32, #tpu.memory_space<vmem>>, %arg7: memref<16x512xf32, #tpu.memory_space<vmem>>, %arg8: memref<!tpu.dma_semaphore, #tpu.memory_space<semaphore_mem>>, %arg9: memref<!tpu.dma_semaphore, #tpu.memory_space<semaphore_mem>>, %arg10: memref<!tpu.dma_semaphore, #tpu.memory_space<semaphore_mem>>) attributes {dimension_semantics = [#tpu.dimension_semantics<core_parallel>, #tpu.dimension_semantics<subcore_parallel>], iteration_bounds = array<i64: 2, 16>, scalar_prefetch = 0 : i64, scratch_operands = 6 : i64, tpu.core_type = #tpu.core_type<sc_vector_subcore>, window_params = [{transform_indices = #map}, {transform_indices = #map1}, {transform_indices = #map1}]} {
    %mul3A = arith.constant 2 : i32
    %mul3A_0 = arith.muli %arg1, %mul3A : i32
    %add3A = arith.addi %mul3A_0, %arg0 : i32
    %mul3A_1 = arith.constant 512 : i32
    %mul3A_2 = arith.muli %add3A, %mul3A_1 : i32
    %multiple_of3A = tpu.assume_multiple %mul3A_2, 128 : i32
    "tpu.region"() ({
      %run_scoped3A = tpu.sem_alloc : memref<!tpu.dma_semaphore, #tpu.memory_space<semaphore_mem>>
      %dma_start3A_817 = tpu.memref_slice %arg2[%multiple_of3A] : memref<16384xi32, #tpu.memory_space<hbm>> -> memref<512xi32, #tpu.memory_space<hbm>>
      %dma_start3A_818 = tpu.memref_slice %arg2[%multiple_of3A] : memref<16384xi32, #tpu.memory_space<hbm>> -> memref<512xi32, #tpu.memory_space<hbm>>
      tpu.enqueue_dma source(%dma_start3A_818 : memref<512xi32, #tpu.memory_space<hbm>>) target(%arg5 : memref<512xi32, #tpu.memory_space<vmem>>) target_semaphore(%run_scoped3A : memref<!tpu.dma_semaphore, #tpu.memory_space<semaphore_mem>>)
      %dma_wait3A_819 = tpu.memref_slice %arg2[%multiple_of3A] : memref<16384xi32, #tpu.memory_space<hbm>> -> memref<512xi32, #tpu.memory_space<hbm>>
      %dma_wait3A_820 = tpu.memref_slice %arg2[%multiple_of3A] : memref<16384xi32, #tpu.memory_space<hbm>> -> memref<512xi32, #tpu.memory_space<hbm>>
      tpu.wait_dma2 semaphore(%run_scoped3A : memref<!tpu.dma_semaphore, #tpu.memory_space<semaphore_mem>>) src(%dma_wait3A_820 : memref<512xi32, #tpu.memory_space<hbm>>) dst(%arg5 : memref<512xi32, #tpu.memory_space<vmem>>)
      tpu.yield
    }) : () -> ()
    %iota3A = tpu.iota {dimensions = array<i32: 0>} : vector<16xi32>
    %get3A = arith.constant 0 : index
    %get3A_3 = tpu.vector_load %arg5[%get3A] {strides = array<i32>} : memref<512xi32, #tpu.memory_space<vmem>>, vector<16xi32>,
    %slice3A = vector.extract_strided_slice %get3A_3 {offsets = [0], sizes = [1], strides = [1]} : vector<16xi32> to vector<1xi32>
    %squeeze3A = vector.extract %slice3A[0] : i32 from vector<1xi32>
    %shift_right_logical3A = arith.constant 7 : i32
    %shift_right_logical3A_4 = arith.shrui %squeeze3A, %shift_right_logical3A : i32
    %mul3A_5 = arith.constant 128 : i32
    %mul3A_6 = arith.muli %shift_right_logical3A_4, %mul3A_5 : i32
    %multiple_of3A_7 = tpu.assume_multiple %mul3A_6, 128 : i32
    %dma_start3A = arith.constant 0 : i32
    %dma_start3A_8 = arith.constant 0 : i32
    %dma_start3A_9 = tpu.memref_slice %arg6[%dma_start3A, %dma_start3A_8] : memref<16x6144xf32, #tpu.memory_space<vmem>> -> memref<16x128xf32, #tpu.memory_space<vmem>>
    %dma_start3A_10 = arith.constant 0 : i32
    %dma_start3A_11 = tpu.memref_slice %arg3[%dma_start3A_10, %multiple_of3A_7] : memref<16x1000000xf32, #tpu.memory_space<hbm>> -> memref<16x128xf32, #tpu.memory_space<hbm>>
    %dma_start3A_12 = arith.constant 0 : i32
    %dma_start3A_13 = arith.constant 0 : i32
    %dma_start3A_14 = tpu.memref_slice %arg6[%dma_start3A_12, %dma_start3A_13] : memref<16x6144xf32, #tpu.memory_space<vmem>> -> memref<16x128xf32, #tpu.memory_space<vmem>>
    %dma_start3A_15 = arith.constant 0 : i32
    %dma_start3A_16 = tpu.memref_slice %arg3[%dma_start3A_15, %multiple_of3A_7] : memref<16x1000000xf32, #tpu.memory_space<hbm>> -> memref<16x128xf32, #tpu.memory_space<hbm>>
    tpu.enqueue_dma source(%dma_start3A_16 : memref<16x128xf32, #tpu.memory_space<hbm>>) target(%dma_start3A_14 : memref<16x128xf32, #tpu.memory_space<vmem>>) target_semaphore(%arg8 : memref<!tpu.dma_semaphore, #tpu.memory_space<semaphore_mem>>)
    %slice3A_17 = vector.extract_strided_slice %get3A_3 {offsets = [1], sizes = [1], strides = [1]} : vector<16xi32> to vector<1xi32>
    %squeeze3A_18 = vector.extract %slice3A_17[0] : i32 from vector<1xi32>
    %shift_right_logical3A_19 = arith.constant 7 : i32
    %shift_right_logical3A_20 = arith.shrui %squeeze3A_18, %shift_right_logical3A_19 : i32
    %mul3A_21 = arith.constant 128 : i32
    %mul3A_22 = arith.muli %shift_right_logical3A_20, %mul3A_21 : i32
    %multiple_of3A_23 = tpu.assume_multiple %mul3A_22, 128 : i32
    %dma_start3A_24 = arith.constant 0 : i32
    %dma_start3A_25 = arith.constant 128 : i32
    %dma_start3A_26 = tpu.memref_slice %arg6[%dma_start3A_24, %dma_start3A_25] : memref<16x6144xf32, #tpu.memory_space<vmem>> -> memref<16x128xf32, #tpu.memory_space<vmem>>
    %dma_start3A_27 = arith.constant 0 : i32
    %dma_start3A_28 = tpu.memref_slice %arg3[%dma_start3A_27, %multiple_of3A_23] : memref<16x1000000xf32, #tpu.memory_space<hbm>> -> memref<16x128xf32, #tpu.memory_space<hbm>>
    %dma_start3A_29 = arith.constant 0 : i32
    %dma_start3A_30 = arith.constant 128 : i32
    %dma_start3A_31 = tpu.memref_slice %arg6[%dma_start3A_29, %dma_start3A_30] : memref<16x6144xf32, #tpu.memory_space<vmem>> -> memref<16x128xf32, #tpu.memory_space<vmem>>
    %dma_start3A_32 = arith.constant 0 : i32
    %dma_start3A_33 = tpu.memref_slice %arg3[%dma_start3A_32, %multiple_of3A_23] : memref<16x1000000xf32, #tpu.memory_space<hbm>> -> memref<16x128xf32, #tpu.memory_space<hbm>>
    tpu.enqueue_dma source(%dma_start3A_33 : memref<16x128xf32, #tpu.memory_space<hbm>>) target(%dma_start3A_31 : memref<16x128xf32, #tpu.memory_space<vmem>>) target_semaphore(%arg8 : memref<!tpu.dma_semaphore, #tpu.memory_space<semaphore_mem>>)
    %slice3A_34 = vector.extract_strided_slice %get3A_3 {offsets = [2], sizes = [1], strides = [1]} : vector<16xi32> to vector<1xi32>
    %squeeze3A_35 = vector.extract %slice3A_34[0] : i32 from vector<1xi32>
    %shift_right_logical3A_36 = arith.constant 7 : i32
    %shift_right_logical3A_37 = arith.shrui %squeeze3A_35, %shift_right_logical3A_36 : i32
    %mul3A_38 = arith.constant 128 : i32
    %mul3A_39 = arith.muli %shift_right_logical3A_37, %mul3A_38 : i32
    %multiple_of3A_40 = tpu.assume_multiple %mul3A_39, 128 : i32
    %dma_start3A_41 = arith.constant 0 : i32
    %dma_start3A_42 = arith.constant 256 : i32
    %dma_start3A_43 = tpu.memref_slice %arg6[%dma_start3A_41, %dma_start3A_42] : memref<16x6144xf32, #tpu.memory_space<vmem>> -> memref<16x128xf32, #tpu.memory_space<vmem>>
    %dma_start3A_44 = arith.constant 0 : i32
    %dma_start3A_45 = tpu.memref_slice %arg3[%dma_start3A_44, %multiple_of3A_40] : memref<16x1000000xf32, #tpu.memory_space<hbm>> -> memref<16x128xf32, #tpu.memory_space<hbm>>
    %dma_start3A_46 = arith.constant 0 : i32
    %dma_start3A_47 = arith.constant 256 : i32
    %dma_start3A_48 = tpu.memref_slice %arg6[%dma_start3A_46, %dma_start3A_47] : memref<16x6144xf32, #tpu.memory_space<vmem>> -> memref<16x128xf32, #tpu.memory_space<vmem>>
    %dma_start3A_49 = arith.constant 0 : i32
    %dma_start3A_50 = tpu.memref_slice %arg3[%dma_start3A_49, %multiple_of3A_40] : memref<16x1000000xf32, #tpu.memory_space<hbm>> -> memref<16x128xf32, #tpu.memory_space<hbm>>
    tpu.enqueue_dma source(%dma_start3A_50 : memref<16x128xf32, #tpu.memory_space<hbm>>) target(%dma_start3A_48 : memref<16x128xf32, #tpu.memory_space<vmem>>) target_semaphore(%arg8 : memref<!tpu.dma_semaphore, #tpu.memory_space<semaphore_mem>>)
    %slice3A_51 = vector.extract_strided_slice %get3A_3 {offsets = [3], sizes = [1], strides = [1]} : vector<16xi32> to vector<1xi32>
    %squeeze3A_52 = vector.extract %slice3A_51[0] : i32 from vector<1xi32>
    %shift_right_logical3A_53 = arith.constant 7 : i32
    %shift_right_logical3A_54 = arith.shrui %squeeze3A_52, %shift_right_logical3A_53 : i32
    %mul3A_55 = arith.constant 128 : i32
    %mul3A_56 = arith.muli %shift_right_logical3A_54, %mul3A_55 : i32
    %multiple_of3A_57 = tpu.assume_multiple %mul3A_56, 128 : i32
    %dma_start3A_58 = arith.constant 0 : i32
    %dma_start3A_59 = arith.constant 384 : i32
    %dma_start3A_60 = tpu.memref_slice %arg6[%dma_start3A_58, %dma_start3A_59] : memref<16x6144xf32, #tpu.memory_space<vmem>> -> memref<16x128xf32, #tpu.memory_space<vmem>>
    %dma_start3A_61 = arith.constant 0 : i32
    %dma_start3A_62 = tpu.memref_slice %arg3[%dma_start3A_61, %multiple_of3A_57] : memref<16x1000000xf32, #tpu.memory_space<hbm>> -> memref<16x128xf32, #tpu.memory_space<hbm>>
    %dma_start3A_63 = arith.constant 0 : i32
    %dma_start3A_64 = arith.constant 384 : i32
    %dma_start3A_65 = tpu.memref_slice %arg6[%dma_start3A_63, %dma_start3A_64] : memref<16x6144xf32, #tpu.memory_space<vmem>> -> memref<16x128xf32, #tpu.memory_space<vmem>>
    %dma_start3A_66 = arith.constant 0 : i32
    %dma_start3A_67 = tpu.memref_slice %arg3[%dma_start3A_66, %multiple_of3A_57] : memref<16x1000000xf32, #tpu.memory_space<hbm>> -> memref<16x128xf32, #tpu.memory_space<hbm>>
    tpu.enqueue_dma source(%dma_start3A_67 : memref<16x128xf32, #tpu.memory_space<hbm>>) target(%dma_start3A_65 : memref<16x128xf32, #tpu.memory_space<vmem>>) target_semaphore(%arg8 : memref<!tpu.dma_semaphore, #tpu.memory_space<semaphore_mem>>)
    %slice3A_68 = vector.extract_strided_slice %get3A_3 {offsets = [4], sizes = [1], strides = [1]} : vector<16xi32> to vector<1xi32>
    %squeeze3A_69 = vector.extract %slice3A_68[0] : i32 from vector<1xi32>
    %shift_right_logical3A_70 = arith.constant 7 : i32
    %shift_right_logical3A_71 = arith.shrui %squeeze3A_69, %shift_right_logical3A_70 : i32
    %mul3A_72 = arith.constant 128 : i32
    %mul3A_73 = arith.muli %shift_right_logical3A_71, %mul3A_72 : i32
    %multiple_of3A_74 = tpu.assume_multiple %mul3A_73, 128 : i32
    %dma_start3A_75 = arith.constant 0 : i32
    %dma_start3A_76 = arith.constant 512 : i32
    %dma_start3A_77 = tpu.memref_slice %arg6[%dma_start3A_75, %dma_start3A_76] : memref<16x6144xf32, #tpu.memory_space<vmem>> -> memref<16x128xf32, #tpu.memory_space<vmem>>
    %dma_start3A_78 = arith.constant 0 : i32
    %dma_start3A_79 = tpu.memref_slice %arg3[%dma_start3A_78, %multiple_of3A_74] : memref<16x1000000xf32, #tpu.memory_space<hbm>> -> memref<16x128xf32, #tpu.memory_space<hbm>>
    %dma_start3A_80 = arith.constant 0 : i32
    %dma_start3A_81 = arith.constant 512 : i32
    %dma_start3A_82 = tpu.memref_slice %arg6[%dma_start3A_80, %dma_start3A_81] : memref<16x6144xf32, #tpu.memory_space<vmem>> -> memref<16x128xf32, #tpu.memory_space<vmem>>
    %dma_start3A_83 = arith.constant 0 : i32
    %dma_start3A_84 = tpu.memref_slice %arg3[%dma_start3A_83, %multiple_of3A_74] : memref<16x1000000xf32, #tpu.memory_space<hbm>> -> memref<16x128xf32, #tpu.memory_space<hbm>>
    tpu.enqueue_dma source(%dma_start3A_84 : memref<16x128xf32, #tpu.memory_space<hbm>>) target(%dma_start3A_82 : memref<16x128xf32, #tpu.memory_space<vmem>>) target_semaphore(%arg8 : memref<!tpu.dma_semaphore, #tpu.memory_space<semaphore_mem>>)
    %slice3A_85 = vector.extract_strided_slice %get3A_3 {offsets = [5], sizes = [1], strides = [1]} : vector<16xi32> to vector<1xi32>
    %squeeze3A_86 = vector.extract %slice3A_85[0] : i32 from vector<1xi32>
    %shift_right_logical3A_87 = arith.constant 7 : i32
    %shift_right_logical3A_88 = arith.shrui %squeeze3A_86, %shift_right_logical3A_87 : i32
    %mul3A_89 = arith.constant 128 : i32
    %mul3A_90 = arith.muli %shift_right_logical3A_88, %mul3A_89 : i32
    %multiple_of3A_91 = tpu.assume_multiple %mul3A_90, 128 : i32
    %dma_start3A_92 = arith.constant 0 : i32
    %dma_start3A_93 = arith.constant 640 : i32
    %dma_start3A_94 = tpu.memref_slice %arg6[%dma_start3A_92, %dma_start3A_93] : memref<16x6144xf32, #tpu.memory_space<vmem>> -> memref<16x128xf32, #tpu.memory_space<vmem>>
    %dma_start3A_95 = arith.constant 0 : i32
    %dma_start3A_96 = tpu.memref_slice %arg3[%dma_start3A_95, %multiple_of3A_91] : memref<16x1000000xf32, #tpu.memory_space<hbm>> -> memref<16x128xf32, #tpu.memory_space<hbm>>
    %dma_start3A_97 = arith.constant 0 : i32
    %dma_start3A_98 = arith.constant 640 : i32
    %dma_start3A_99 = tpu.memref_slice %arg6[%dma_start3A_97, %dma_start3A_98] : memref<16x6144xf32, #tpu.memory_space<vmem>> -> memref<16x128xf32, #tpu.memory_space<vmem>>
    %dma_start3A_100 = arith.constant 0 : i32
    %dma_start3A_101 = tpu.memref_slice %arg3[%dma_start3A_100, %multiple_of3A_91] : memref<16x1000000xf32, #tpu.memory_space<hbm>> -> memref<16x128xf32, #tpu.memory_space<hbm>>
    tpu.enqueue_dma source(%dma_start3A_101 : memref<16x128xf32, #tpu.memory_space<hbm>>) target(%dma_start3A_99 : memref<16x128xf32, #tpu.memory_space<vmem>>) target_semaphore(%arg8 : memref<!tpu.dma_semaphore, #tpu.memory_space<semaphore_mem>>)
    %slice3A_102 = vector.extract_strided_slice %get3A_3 {offsets = [6], sizes = [1], strides = [1]} : vector<16xi32> to vector<1xi32>
    %squeeze3A_103 = vector.extract %slice3A_102[0] : i32 from vector<1xi32>
    %shift_right_logical3A_104 = arith.constant 7 : i32
    %shift_right_logical3A_105 = arith.shrui %squeeze3A_103, %shift_right_logical3A_104 : i32
    %mul3A_106 = arith.constant 128 : i32
    %mul3A_107 = arith.muli %shift_right_logical3A_105, %mul3A_106 : i32
    %multiple_of3A_108 = tpu.assume_multiple %mul3A_107, 128 : i32
    %dma_start3A_109 = arith.constant 0 : i32
    %dma_start3A_110 = arith.constant 768 : i32
    %dma_start3A_111 = tpu.memref_slice %arg6[%dma_start3A_109, %dma_start3A_110] : memref<16x6144xf32, #tpu.memory_space<vmem>> -> memref<16x128xf32, #tpu.memory_space<vmem>>
    %dma_start3A_112 = arith.constant 0 : i32
    %dma_start3A_113 = tpu.memref_slice %arg3[%dma_start3A_112, %multiple_of3A_108] : memref<16x1000000xf32, #tpu.memory_space<hbm>> -> memref<16x128xf32, #tpu.memory_space<hbm>>
    %dma_start3A_114 = arith.constant 0 : i32
    %dma_start3A_115 = arith.constant 768 : i32
    %dma_start3A_116 = tpu.memref_slice %arg6[%dma_start3A_114, %dma_start3A_115] : memref<16x6144xf32, #tpu.memory_space<vmem>> -> memref<16x128xf32, #tpu.memory_space<vmem>>
    %dma_start3A_117 = arith.constant 0 : i32
    %dma_start3A_118 = tpu.memref_slice %arg3[%dma_start3A_117, %multiple_of3A_108] : memref<16x1000000xf32, #tpu.memory_space<hbm>> -> memref<16x128xf32, #tpu.memory_space<hbm>>
    tpu.enqueue_dma source(%dma_start3A_118 : memref<16x128xf32, #tpu.memory_space<hbm>>) target(%dma_start3A_116 : memref<16x128xf32, #tpu.memory_space<vmem>>) target_semaphore(%arg8 : memref<!tpu.dma_semaphore, #tpu.memory_space<semaphore_mem>>)
    %slice3A_119 = vector.extract_strided_slice %get3A_3 {offsets = [7], sizes = [1], strides = [1]} : vector<16xi32> to vector<1xi32>
    %squeeze3A_120 = vector.extract %slice3A_119[0] : i32 from vector<1xi32>
    %shift_right_logical3A_121 = arith.constant 7 : i32
    %shift_right_logical3A_122 = arith.shrui %squeeze3A_120, %shift_right_logical3A_121 : i32
    %mul3A_123 = arith.constant 128 : i32
    %mul3A_124 = arith.muli %shift_right_logical3A_122, %mul3A_123 : i32
    %multiple_of3A_125 = tpu.assume_multiple %mul3A_124, 128 : i32
    %dma_start3A_126 = arith.constant 0 : i32
    %dma_start3A_127 = arith.constant 896 : i32
    %dma_start3A_128 = tpu.memref_slice %arg6[%dma_start3A_126, %dma_start3A_127] : memref<16x6144xf32, #tpu.memory_space<vmem>> -> memref<16x128xf32, #tpu.memory_space<vmem>>
    %dma_start3A_129 = arith.constant 0 : i32
    %dma_start3A_130 = tpu.memref_slice %arg3[%dma_start3A_129, %multiple_of3A_125] : memref<16x1000000xf32, #tpu.memory_space<hbm>> -> memref<16x128xf32, #tpu.memory_space<hbm>>
    %dma_start3A_131 = arith.constant 0 : i32
    %dma_start3A_132 = arith.constant 896 : i32
    %dma_start3A_133 = tpu.memref_slice %arg6[%dma_start3A_131, %dma_start3A_132] : memref<16x6144xf32, #tpu.memory_space<vmem>> -> memref<16x128xf32, #tpu.memory_space<vmem>>
    %dma_start3A_134 = arith.constant 0 : i32
    %dma_start3A_135 = tpu.memref_slice %arg3[%dma_start3A_134, %multiple_of3A_125] : memref<16x1000000xf32, #tpu.memory_space<hbm>> -> memref<16x128xf32, #tpu.memory_space<hbm>>
    tpu.enqueue_dma source(%dma_start3A_135 : memref<16x128xf32, #tpu.memory_space<hbm>>) target(%dma_start3A_133 : memref<16x128xf32, #tpu.memory_space<vmem>>) target_semaphore(%arg8 : memref<!tpu.dma_semaphore, #tpu.memory_space<semaphore_mem>>)
    %slice3A_136 = vector.extract_strided_slice %get3A_3 {offsets = [8], sizes = [1], strides = [1]} : vector<16xi32> to vector<1xi32>
    %squeeze3A_137 = vector.extract %slice3A_136[0] : i32 from vector<1xi32>
    %shift_right_logical3A_138 = arith.constant 7 : i32
    %shift_right_logical3A_139 = arith.shrui %squeeze3A_137, %shift_right_logical3A_138 : i32
    %mul3A_140 = arith.constant 128 : i32
    %mul3A_141 = arith.muli %shift_right_logical3A_139, %mul3A_140 : i32
    %multiple_of3A_142 = tpu.assume_multiple %mul3A_141, 128 : i32
    %dma_start3A_143 = arith.constant 0 : i32
    %dma_start3A_144 = arith.constant 1024 : i32
    %dma_start3A_145 = tpu.memref_slice %arg6[%dma_start3A_143, %dma_start3A_144] : memref<16x6144xf32, #tpu.memory_space<vmem>> -> memref<16x128xf32, #tpu.memory_space<vmem>>
    %dma_start3A_146 = arith.constant 0 : i32
    %dma_start3A_147 = tpu.memref_slice %arg3[%dma_start3A_146, %multiple_of3A_142] : memref<16x1000000xf32, #tpu.memory_space<hbm>> -> memref<16x128xf32, #tpu.memory_space<hbm>>
    %dma_start3A_148 = arith.constant 0 : i32
    %dma_start3A_149 = arith.constant 1024 : i32
    %dma_start3A_150 = tpu.memref_slice %arg6[%dma_start3A_148, %dma_start3A_149] : memref<16x6144xf32, #tpu.memory_space<vmem>> -> memref<16x128xf32, #tpu.memory_space<vmem>>
    %dma_start3A_151 = arith.constant 0 : i32
    %dma_start3A_152 = tpu.memref_slice %arg3[%dma_start3A_151, %multiple_of3A_142] : memref<16x1000000xf32, #tpu.memory_space<hbm>> -> memref<16x128xf32, #tpu.memory_space<hbm>>
    tpu.enqueue_dma source(%dma_start3A_152 : memref<16x128xf32, #tpu.memory_space<hbm>>) target(%dma_start3A_150 : memref<16x128xf32, #tpu.memory_space<vmem>>) target_semaphore(%arg8 : memref<!tpu.dma_semaphore, #tpu.memory_space<semaphore_mem>>)
    %slice3A_153 = vector.extract_strided_slice %get3A_3 {offsets = [9], sizes = [1], strides = [1]} : vector<16xi32> to vector<1xi32>
    %squeeze3A_154 = vector.extract %slice3A_153[0] : i32 from vector<1xi32>
    %shift_right_logical3A_155 = arith.constant 7 : i32
    %shift_right_logical3A_156 = arith.shrui %squeeze3A_154, %shift_right_logical3A_155 : i32
    %mul3A_157 = arith.constant 128 : i32
    %mul3A_158 = arith.muli %shift_right_logical3A_156, %mul3A_157 : i32
    %multiple_of3A_159 = tpu.assume_multiple %mul3A_158, 128 : i32
    %dma_start3A_160 = arith.constant 0 : i32
    %dma_start3A_161 = arith.constant 1152 : i32
    %dma_start3A_162 = tpu.memref_slice %arg6[%dma_start3A_160, %dma_start3A_161] : memref<16x6144xf32, #tpu.memory_space<vmem>> -> memref<16x128xf32, #tpu.memory_space<vmem>>
    %dma_start3A_163 = arith.constant 0 : i32
    %dma_start3A_164 = tpu.memref_slice %arg3[%dma_start3A_163, %multiple_of3A_159] : memref<16x1000000xf32, #tpu.memory_space<hbm>> -> memref<16x128xf32, #tpu.memory_space<hbm>>
    %dma_start3A_165 = arith.constant 0 : i32
    %dma_start3A_166 = arith.constant 1152 : i32
    %dma_start3A_167 = tpu.memref_slice %arg6[%dma_start3A_165, %dma_start3A_166] : memref<16x6144xf32, #tpu.memory_space<vmem>> -> memref<16x128xf32, #tpu.memory_space<vmem>>
    %dma_start3A_168 = arith.constant 0 : i32
    %dma_start3A_169 = tpu.memref_slice %arg3[%dma_start3A_168, %multiple_of3A_159] : memref<16x1000000xf32, #tpu.memory_space<hbm>> -> memref<16x128xf32, #tpu.memory_space<hbm>>
    tpu.enqueue_dma source(%dma_start3A_169 : memref<16x128xf32, #tpu.memory_space<hbm>>) target(%dma_start3A_167 : memref<16x128xf32, #tpu.memory_space<vmem>>) target_semaphore(%arg8 : memref<!tpu.dma_semaphore, #tpu.memory_space<semaphore_mem>>)
    %slice3A_170 = vector.extract_strided_slice %get3A_3 {offsets = [10], sizes = [1], strides = [1]} : vector<16xi32> to vector<1xi32>
    %squeeze3A_171 = vector.extract %slice3A_170[0] : i32 from vector<1xi32>
    %shift_right_logical3A_172 = arith.constant 7 : i32
    %shift_right_logical3A_173 = arith.shrui %squeeze3A_171, %shift_right_logical3A_172 : i32
    %mul3A_174 = arith.constant 128 : i32
    %mul3A_175 = arith.muli %shift_right_logical3A_173, %mul3A_174 : i32
    %multiple_of3A_176 = tpu.assume_multiple %mul3A_175, 128 : i32
    %dma_start3A_177 = arith.constant 0 : i32
    %dma_start3A_178 = arith.constant 1280 : i32
    %dma_start3A_179 = tpu.memref_slice %arg6[%dma_start3A_177, %dma_start3A_178] : memref<16x6144xf32, #tpu.memory_space<vmem>> -> memref<16x128xf32, #tpu.memory_space<vmem>>
    %dma_start3A_180 = arith.constant 0 : i32
    %dma_start3A_181 = tpu.memref_slice %arg3[%dma_start3A_180, %multiple_of3A_176] : memref<16x1000000xf32, #tpu.memory_space<hbm>> -> memref<16x128xf32, #tpu.memory_space<hbm>>
    %dma_start3A_182 = arith.constant 0 : i32
    %dma_start3A_183 = arith.constant 1280 : i32
    %dma_start3A_184 = tpu.memref_slice %arg6[%dma_start3A_182, %dma_start3A_183] : memref<16x6144xf32, #tpu.memory_space<vmem>> -> memref<16x128xf32, #tpu.memory_space<vmem>>
    %dma_start3A_185 = arith.constant 0 : i32
    %dma_start3A_186 = tpu.memref_slice %arg3[%dma_start3A_185, %multiple_of3A_176] : memref<16x1000000xf32, #tpu.memory_space<hbm>> -> memref<16x128xf32, #tpu.memory_space<hbm>>
    tpu.enqueue_dma source(%dma_start3A_186 : memref<16x128xf32, #tpu.memory_space<hbm>>) target(%dma_start3A_184 : memref<16x128xf32, #tpu.memory_space<vmem>>) target_semaphore(%arg8 : memref<!tpu.dma_semaphore, #tpu.memory_space<semaphore_mem>>)
    %slice3A_187 = vector.extract_strided_slice %get3A_3 {offsets = [11], sizes = [1], strides = [1]} : vector<16xi32> to vector<1xi32>
    %squeeze3A_188 = vector.extract %slice3A_187[0] : i32 from vector<1xi32>
    %shift_right_logical3A_189 = arith.constant 7 : i32
    %shift_right_logical3A_190 = arith.shrui %squeeze3A_188, %shift_right_logical3A_189 : i32
    %mul3A_191 = arith.constant 128 : i32
    %mul3A_192 = arith.muli %shift_right_logical3A_190, %mul3A_191 : i32
    %multiple_of3A_193 = tpu.assume_multiple %mul3A_192, 128 : i32
    %dma_start3A_194 = arith.constant 0 : i32
    %dma_start3A_195 = arith.constant 1408 : i32
    %dma_start3A_196 = tpu.memref_slice %arg6[%dma_start3A_194, %dma_start3A_195] : memref<16x6144xf32, #tpu.memory_space<vmem>> -> memref<16x128xf32, #tpu.memory_space<vmem>>
    %dma_start3A_197 = arith.constant 0 : i32
    %dma_start3A_198 = tpu.memref_slice %arg3[%dma_start3A_197, %multiple_of3A_193] : memref<16x1000000xf32, #tpu.memory_space<hbm>> -> memref<16x128xf32, #tpu.memory_space<hbm>>
    %dma_start3A_199 = arith.constant 0 : i32
    %dma_start3A_200 = arith.constant 1408 : i32
    %dma_start3A_201 = tpu.memref_slice %arg6[%dma_start3A_199, %dma_start3A_200] : memref<16x6144xf32, #tpu.memory_space<vmem>> -> memref<16x128xf32, #tpu.memory_space<vmem>>
    %dma_start3A_202 = arith.constant 0 : i32
    %dma_start3A_203 = tpu.memref_slice %arg3[%dma_start3A_202, %multiple_of3A_193] : memref<16x1000000xf32, #tpu.memory_space<hbm>> -> memref<16x128xf32, #tpu.memory_space<hbm>>
    tpu.enqueue_dma source(%dma_start3A_203 : memref<16x128xf32, #tpu.memory_space<hbm>>) target(%dma_start3A_201 : memref<16x128xf32, #tpu.memory_space<vmem>>) target_semaphore(%arg8 : memref<!tpu.dma_semaphore, #tpu.memory_space<semaphore_mem>>)
    %slice3A_204 = vector.extract_strided_slice %get3A_3 {offsets = [12], sizes = [1], strides = [1]} : vector<16xi32> to vector<1xi32>
    %squeeze3A_205 = vector.extract %slice3A_204[0] : i32 from vector<1xi32>
    %shift_right_logical3A_206 = arith.constant 7 : i32
    %shift_right_logical3A_207 = arith.shrui %squeeze3A_205, %shift_right_logical3A_206 : i32
    %mul3A_208 = arith.constant 128 : i32
    %mul3A_209 = arith.muli %shift_right_logical3A_207, %mul3A_208 : i32
    %multiple_of3A_210 = tpu.assume_multiple %mul3A_209, 128 : i32
    %dma_start3A_211 = arith.constant 0 : i32
    %dma_start3A_212 = arith.constant 1536 : i32
    %dma_start3A_213 = tpu.memref_slice %arg6[%dma_start3A_211, %dma_start3A_212] : memref<16x6144xf32, #tpu.memory_space<vmem>> -> memref<16x128xf32, #tpu.memory_space<vmem>>
    %dma_start3A_214 = arith.constant 0 : i32
    %dma_start3A_215 = tpu.memref_slice %arg3[%dma_start3A_214, %multiple_of3A_210] : memref<16x1000000xf32, #tpu.memory_space<hbm>> -> memref<16x128xf32, #tpu.memory_space<hbm>>
    %dma_start3A_216 = arith.constant 0 : i32
    %dma_start3A_217 = arith.constant 1536 : i32
    %dma_start3A_218 = tpu.memref_slice %arg6[%dma_start3A_216, %dma_start3A_217] : memref<16x6144xf32, #tpu.memory_space<vmem>> -> memref<16x128xf32, #tpu.memory_space<vmem>>
    %dma_start3A_219 = arith.constant 0 : i32
    %dma_start3A_220 = tpu.memref_slice %arg3[%dma_start3A_219, %multiple_of3A_210] : memref<16x1000000xf32, #tpu.memory_space<hbm>> -> memref<16x128xf32, #tpu.memory_space<hbm>>
    tpu.enqueue_dma source(%dma_start3A_220 : memref<16x128xf32, #tpu.memory_space<hbm>>) target(%dma_start3A_218 : memref<16x128xf32, #tpu.memory_space<vmem>>) target_semaphore(%arg8 : memref<!tpu.dma_semaphore, #tpu.memory_space<semaphore_mem>>)
    %slice3A_221 = vector.extract_strided_slice %get3A_3 {offsets = [13], sizes = [1], strides = [1]} : vector<16xi32> to vector<1xi32>
    %squeeze3A_222 = vector.extract %slice3A_221[0] : i32 from vector<1xi32>
    %shift_right_logical3A_223 = arith.constant 7 : i32
    %shift_right_logical3A_224 = arith.shrui %squeeze3A_222, %shift_right_logical3A_223 : i32
    %mul3A_225 = arith.constant 128 : i32
    %mul3A_226 = arith.muli %shift_right_logical3A_224, %mul3A_225 : i32
    %multiple_of3A_227 = tpu.assume_multiple %mul3A_226, 128 : i32
    %dma_start3A_228 = arith.constant 0 : i32
    %dma_start3A_229 = arith.constant 1664 : i32
    %dma_start3A_230 = tpu.memref_slice %arg6[%dma_start3A_228, %dma_start3A_229] : memref<16x6144xf32, #tpu.memory_space<vmem>> -> memref<16x128xf32, #tpu.memory_space<vmem>>
    %dma_start3A_231 = arith.constant 0 : i32
    %dma_start3A_232 = tpu.memref_slice %arg3[%dma_start3A_231, %multiple_of3A_227] : memref<16x1000000xf32, #tpu.memory_space<hbm>> -> memref<16x128xf32, #tpu.memory_space<hbm>>
    %dma_start3A_233 = arith.constant 0 : i32
    %dma_start3A_234 = arith.constant 1664 : i32
    %dma_start3A_235 = tpu.memref_slice %arg6[%dma_start3A_233, %dma_start3A_234] : memref<16x6144xf32, #tpu.memory_space<vmem>> -> memref<16x128xf32, #tpu.memory_space<vmem>>
    %dma_start3A_236 = arith.constant 0 : i32
    %dma_start3A_237 = tpu.memref_slice %arg3[%dma_start3A_236, %multiple_of3A_227] : memref<16x1000000xf32, #tpu.memory_space<hbm>> -> memref<16x128xf32, #tpu.memory_space<hbm>>
    tpu.enqueue_dma source(%dma_start3A_237 : memref<16x128xf32, #tpu.memory_space<hbm>>) target(%dma_start3A_235 : memref<16x128xf32, #tpu.memory_space<vmem>>) target_semaphore(%arg8 : memref<!tpu.dma_semaphore, #tpu.memory_space<semaphore_mem>>)
    %slice3A_238 = vector.extract_strided_slice %get3A_3 {offsets = [14], sizes = [1], strides = [1]} : vector<16xi32> to vector<1xi32>
    %squeeze3A_239 = vector.extract %slice3A_238[0] : i32 from vector<1xi32>
    %shift_right_logical3A_240 = arith.constant 7 : i32
    %shift_right_logical3A_241 = arith.shrui %squeeze3A_239, %shift_right_logical3A_240 : i32
    %mul3A_242 = arith.constant 128 : i32
    %mul3A_243 = arith.muli %shift_right_logical3A_241, %mul3A_242 : i32
    %multiple_of3A_244 = tpu.assume_multiple %mul3A_243, 128 : i32
    %dma_start3A_245 = arith.constant 0 : i32
    %dma_start3A_246 = arith.constant 1792 : i32
    %dma_start3A_247 = tpu.memref_slice %arg6[%dma_start3A_245, %dma_start3A_246] : memref<16x6144xf32, #tpu.memory_space<vmem>> -> memref<16x128xf32, #tpu.memory_space<vmem>>
    %dma_start3A_248 = arith.constant 0 : i32
    %dma_start3A_249 = tpu.memref_slice %arg3[%dma_start3A_248, %multiple_of3A_244] : memref<16x1000000xf32, #tpu.memory_space<hbm>> -> memref<16x128xf32, #tpu.memory_space<hbm>>
    %dma_start3A_250 = arith.constant 0 : i32
    %dma_start3A_251 = arith.constant 1792 : i32
    %dma_start3A_252 = tpu.memref_slice %arg6[%dma_start3A_250, %dma_start3A_251] : memref<16x6144xf32, #tpu.memory_space<vmem>> -> memref<16x128xf32, #tpu.memory_space<vmem>>
    %dma_start3A_253 = arith.constant 0 : i32
    %dma_start3A_254 = tpu.memref_slice %arg3[%dma_start3A_253, %multiple_of3A_244] : memref<16x1000000xf32, #tpu.memory_space<hbm>> -> memref<16x128xf32, #tpu.memory_space<hbm>>
    tpu.enqueue_dma source(%dma_start3A_254 : memref<16x128xf32, #tpu.memory_space<hbm>>) target(%dma_start3A_252 : memref<16x128xf32, #tpu.memory_space<vmem>>) target_semaphore(%arg8 : memref<!tpu.dma_semaphore, #tpu.memory_space<semaphore_mem>>)
    %slice3A_255 = vector.extract_strided_slice %get3A_3 {offsets = [15], sizes = [1], strides = [1]} : vector<16xi32> to vector<1xi32>
    %squeeze3A_256 = vector.extract %slice3A_255[0] : i32 from vector<1xi32>
    %shift_right_logical3A_257 = arith.constant 7 : i32
    %shift_right_logical3A_258 = arith.shrui %squeeze3A_256, %shift_right_logical3A_257 : i32
    %mul3A_259 = arith.constant 128 : i32
    %mul3A_260 = arith.muli %shift_right_logical3A_258, %mul3A_259 : i32
    %multiple_of3A_261 = tpu.assume_multiple %mul3A_260, 128 : i32
    %dma_start3A_262 = arith.constant 0 : i32
    %dma_start3A_263 = arith.constant 1920 : i32
    %dma_start3A_264 = tpu.memref_slice %arg6[%dma_start3A_262, %dma_start3A_263] : memref<16x6144xf32, #tpu.memory_space<vmem>> -> memref<16x128xf32, #tpu.memory_space<vmem>>
    %dma_start3A_265 = arith.constant 0 : i32
    %dma_start3A_266 = tpu.memref_slice %arg3[%dma_start3A_265, %multiple_of3A_261] : memref<16x1000000xf32, #tpu.memory_space<hbm>> -> memref<16x128xf32, #tpu.memory_space<hbm>>
    %dma_start3A_267 = arith.constant 0 : i32
    %dma_start3A_268 = arith.constant 1920 : i32
    %dma_start3A_269 = tpu.memref_slice %arg6[%dma_start3A_267, %dma_start3A_268] : memref<16x6144xf32, #tpu.memory_space<vmem>> -> memref<16x128xf32, #tpu.memory_space<vmem>>
    %dma_start3A_270 = arith.constant 0 : i32
    %dma_start3A_271 = tpu.memref_slice %arg3[%dma_start3A_270, %multiple_of3A_261] : memref<16x1000000xf32, #tpu.memory_space<hbm>> -> memref<16x128xf32, #tpu.memory_space<hbm>>
    tpu.enqueue_dma source(%dma_start3A_271 : memref<16x128xf32, #tpu.memory_space<hbm>>) target(%dma_start3A_269 : memref<16x128xf32, #tpu.memory_space<vmem>>) target_semaphore(%arg8 : memref<!tpu.dma_semaphore, #tpu.memory_space<semaphore_mem>>)
    %get3A_272 = arith.constant 16 : index
    %get3A_273 = tpu.vector_load %arg5[%get3A_272] {strides = array<i32>} : memref<512xi32, #tpu.memory_space<vmem>>, vector<16xi32>,
    %slice3A_274 = vector.extract_strided_slice %get3A_273 {offsets = [0], sizes = [1], strides = [1]} : vector<16xi32> to vector<1xi32>
    %squeeze3A_275 = vector.extract %slice3A_274[0] : i32 from vector<1xi32>
    %shift_right_logical3A_276 = arith.constant 7 : i32
    %shift_right_logical3A_277 = arith.shrui %squeeze3A_275, %shift_right_logical3A_276 : i32
    %mul3A_278 = arith.constant 128 : i32
    %mul3A_279 = arith.muli %shift_right_logical3A_277, %mul3A_278 : i32
    %multiple_of3A_280 = tpu.assume_multiple %mul3A_279, 128 : i32
    %dma_start3A_281 = arith.constant 0 : i32
    %dma_start3A_282 = arith.constant 2048 : i32
    %dma_start3A_283 = tpu.memref_slice %arg6[%dma_start3A_281, %dma_start3A_282] : memref<16x6144xf32, #tpu.memory_space<vmem>> -> memref<16x128xf32, #tpu.memory_space<vmem>>
    %dma_start3A_284 = arith.constant 0 : i32
    %dma_start3A_285 = tpu.memref_slice %arg3[%dma_start3A_284, %multiple_of3A_280] : memref<16x1000000xf32, #tpu.memory_space<hbm>> -> memref<16x128xf32, #tpu.memory_space<hbm>>
    %dma_start3A_286 = arith.constant 0 : i32
    %dma_start3A_287 = arith.constant 2048 : i32
    %dma_start3A_288 = tpu.memref_slice %arg6[%dma_start3A_286, %dma_start3A_287] : memref<16x6144xf32, #tpu.memory_space<vmem>> -> memref<16x128xf32, #tpu.memory_space<vmem>>
    %dma_start3A_289 = arith.constant 0 : i32
    %dma_start3A_290 = tpu.memref_slice %arg3[%dma_start3A_289, %multiple_of3A_280] : memref<16x1000000xf32, #tpu.memory_space<hbm>> -> memref<16x128xf32, #tpu.memory_space<hbm>>
    tpu.enqueue_dma source(%dma_start3A_290 : memref<16x128xf32, #tpu.memory_space<hbm>>) target(%dma_start3A_288 : memref<16x128xf32, #tpu.memory_space<vmem>>) target_semaphore(%arg9 : memref<!tpu.dma_semaphore, #tpu.memory_space<semaphore_mem>>)
    %slice3A_291 = vector.extract_strided_slice %get3A_273 {offsets = [1], sizes = [1], strides = [1]} : vector<16xi32> to vector<1xi32>
    %squeeze3A_292 = vector.extract %slice3A_291[0] : i32 from vector<1xi32>
    %shift_right_logical3A_293 = arith.constant 7 : i32
    %shift_right_logical3A_294 = arith.shrui %squeeze3A_292, %shift_right_logical3A_293 : i32
    %mul3A_295 = arith.constant 128 : i32
    %mul3A_296 = arith.muli %shift_right_logical3A_294, %mul3A_295 : i32
    %multiple_of3A_297 = tpu.assume_multiple %mul3A_296, 128 : i32
    %dma_start3A_298 = arith.constant 0 : i32
    %dma_start3A_299 = arith.constant 2176 : i32
    %dma_start3A_300 = tpu.memref_slice %arg6[%dma_start3A_298, %dma_start3A_299] : memref<16x6144xf32, #tpu.memory_space<vmem>> -> memref<16x128xf32, #tpu.memory_space<vmem>>
    %dma_start3A_301 = arith.constant 0 : i32
    %dma_start3A_302 = tpu.memref_slice %arg3[%dma_start3A_301, %multiple_of3A_297] : memref<16x1000000xf32, #tpu.memory_space<hbm>> -> memref<16x128xf32, #tpu.memory_space<hbm>>
    %dma_start3A_303 = arith.constant 0 : i32
    %dma_start3A_304 = arith.constant 2176 : i32
    %dma_start3A_305 = tpu.memref_slice %arg6[%dma_start3A_303, %dma_start3A_304] : memref<16x6144xf32, #tpu.memory_space<vmem>> -> memref<16x128xf32, #tpu.memory_space<vmem>>
    %dma_start3A_306 = arith.constant 0 : i32
    %dma_start3A_307 = tpu.memref_slice %arg3[%dma_start3A_306, %multiple_of3A_297] : memref<16x1000000xf32, #tpu.memory_space<hbm>> -> memref<16x128xf32, #tpu.memory_space<hbm>>
    tpu.enqueue_dma source(%dma_start3A_307 : memref<16x128xf32, #tpu.memory_space<hbm>>) target(%dma_start3A_305 : memref<16x128xf32, #tpu.memory_space<vmem>>) target_semaphore(%arg9 : memref<!tpu.dma_semaphore, #tpu.memory_space<semaphore_mem>>)
    %slice3A_308 = vector.extract_strided_slice %get3A_273 {offsets = [2], sizes = [1], strides = [1]} : vector<16xi32> to vector<1xi32>
    %squeeze3A_309 = vector.extract %slice3A_308[0] : i32 from vector<1xi32>
    %shift_right_logical3A_310 = arith.constant 7 : i32
    %shift_right_logical3A_311 = arith.shrui %squeeze3A_309, %shift_right_logical3A_310 : i32
    %mul3A_312 = arith.constant 128 : i32
    %mul3A_313 = arith.muli %shift_right_logical3A_311, %mul3A_312 : i32
    %multiple_of3A_314 = tpu.assume_multiple %mul3A_313, 128 : i32
    %dma_start3A_315 = arith.constant 0 : i32
    %dma_start3A_316 = arith.constant 2304 : i32
    %dma_start3A_317 = tpu.memref_slice %arg6[%dma_start3A_315, %dma_start3A_316] : memref<16x6144xf32, #tpu.memory_space<vmem>> -> memref<16x128xf32, #tpu.memory_space<vmem>>
    %dma_start3A_318 = arith.constant 0 : i32
    %dma_start3A_319 = tpu.memref_slice %arg3[%dma_start3A_318, %multiple_of3A_314] : memref<16x1000000xf32, #tpu.memory_space<hbm>> -> memref<16x128xf32, #tpu.memory_space<hbm>>
    %dma_start3A_320 = arith.constant 0 : i32
    %dma_start3A_321 = arith.constant 2304 : i32
    %dma_start3A_322 = tpu.memref_slice %arg6[%dma_start3A_320, %dma_start3A_321] : memref<16x6144xf32, #tpu.memory_space<vmem>> -> memref<16x128xf32, #tpu.memory_space<vmem>>
    %dma_start3A_323 = arith.constant 0 : i32
    %dma_start3A_324 = tpu.memref_slice %arg3[%dma_start3A_323, %multiple_of3A_314] : memref<16x1000000xf32, #tpu.memory_space<hbm>> -> memref<16x128xf32, #tpu.memory_space<hbm>>
    tpu.enqueue_dma source(%dma_start3A_324 : memref<16x128xf32, #tpu.memory_space<hbm>>) target(%dma_start3A_322 : memref<16x128xf32, #tpu.memory_space<vmem>>) target_semaphore(%arg9 : memref<!tpu.dma_semaphore, #tpu.memory_space<semaphore_mem>>)
    %slice3A_325 = vector.extract_strided_slice %get3A_273 {offsets = [3], sizes = [1], strides = [1]} : vector<16xi32> to vector<1xi32>
    %squeeze3A_326 = vector.extract %slice3A_325[0] : i32 from vector<1xi32>
    %shift_right_logical3A_327 = arith.constant 7 : i32
    %shift_right_logical3A_328 = arith.shrui %squeeze3A_326, %shift_right_logical3A_327 : i32
    %mul3A_329 = arith.constant 128 : i32
    %mul3A_330 = arith.muli %shift_right_logical3A_328, %mul3A_329 : i32
    %multiple_of3A_331 = tpu.assume_multiple %mul3A_330, 128 : i32
    %dma_start3A_332 = arith.constant 0 : i32
    %dma_start3A_333 = arith.constant 2432 : i32
    %dma_start3A_334 = tpu.memref_slice %arg6[%dma_start3A_332, %dma_start3A_333] : memref<16x6144xf32, #tpu.memory_space<vmem>> -> memref<16x128xf32, #tpu.memory_space<vmem>>
    %dma_start3A_335 = arith.constant 0 : i32
    %dma_start3A_336 = tpu.memref_slice %arg3[%dma_start3A_335, %multiple_of3A_331] : memref<16x1000000xf32, #tpu.memory_space<hbm>> -> memref<16x128xf32, #tpu.memory_space<hbm>>
    %dma_start3A_337 = arith.constant 0 : i32
    %dma_start3A_338 = arith.constant 2432 : i32
    %dma_start3A_339 = tpu.memref_slice %arg6[%dma_start3A_337, %dma_start3A_338] : memref<16x6144xf32, #tpu.memory_space<vmem>> -> memref<16x128xf32, #tpu.memory_space<vmem>>
    %dma_start3A_340 = arith.constant 0 : i32
    %dma_start3A_341 = tpu.memref_slice %arg3[%dma_start3A_340, %multiple_of3A_331] : memref<16x1000000xf32, #tpu.memory_space<hbm>> -> memref<16x128xf32, #tpu.memory_space<hbm>>
    tpu.enqueue_dma source(%dma_start3A_341 : memref<16x128xf32, #tpu.memory_space<hbm>>) target(%dma_start3A_339 : memref<16x128xf32, #tpu.memory_space<vmem>>) target_semaphore(%arg9 : memref<!tpu.dma_semaphore, #tpu.memory_space<semaphore_mem>>)
    %slice3A_342 = vector.extract_strided_slice %get3A_273 {offsets = [4], sizes = [1], strides = [1]} : vector<16xi32> to vector<1xi32>
    %squeeze3A_343 = vector.extract %slice3A_342[0] : i32 from vector<1xi32>
    %shift_right_logical3A_344 = arith.constant 7 : i32
    %shift_right_logical3A_345 = arith.shrui %squeeze3A_343, %shift_right_logical3A_344 : i32
    %mul3A_346 = arith.constant 128 : i32
    %mul3A_347 = arith.muli %shift_right_logical3A_345, %mul3A_346 : i32
    %multiple_of3A_348 = tpu.assume_multiple %mul3A_347, 128 : i32
    %dma_start3A_349 = arith.constant 0 : i32
    %dma_start3A_350 = arith.constant 2560 : i32
    %dma_start3A_351 = tpu.memref_slice %arg6[%dma_start3A_349, %dma_start3A_350] : memref<16x6144xf32, #tpu.memory_space<vmem>> -> memref<16x128xf32, #tpu.memory_space<vmem>>
    %dma_start3A_352 = arith.constant 0 : i32
    %dma_start3A_353 = tpu.memref_slice %arg3[%dma_start3A_352, %multiple_of3A_348] : memref<16x1000000xf32, #tpu.memory_space<hbm>> -> memref<16x128xf32, #tpu.memory_space<hbm>>
    %dma_start3A_354 = arith.constant 0 : i32
    %dma_start3A_355 = arith.constant 2560 : i32
    %dma_start3A_356 = tpu.memref_slice %arg6[%dma_start3A_354, %dma_start3A_355] : memref<16x6144xf32, #tpu.memory_space<vmem>> -> memref<16x128xf32, #tpu.memory_space<vmem>>
    %dma_start3A_357 = arith.constant 0 : i32
    %dma_start3A_358 = tpu.memref_slice %arg3[%dma_start3A_357, %multiple_of3A_348] : memref<16x1000000xf32, #tpu.memory_space<hbm>> -> memref<16x128xf32, #tpu.memory_space<hbm>>
    tpu.enqueue_dma source(%dma_start3A_358 : memref<16x128xf32, #tpu.memory_space<hbm>>) target(%dma_start3A_356 : memref<16x128xf32, #tpu.memory_space<vmem>>) target_semaphore(%arg9 : memref<!tpu.dma_semaphore, #tpu.memory_space<semaphore_mem>>)
    %slice3A_359 = vector.extract_strided_slice %get3A_273 {offsets = [5], sizes = [1], strides = [1]} : vector<16xi32> to vector<1xi32>
    %squeeze3A_360 = vector.extract %slice3A_359[0] : i32 from vector<1xi32>
    %shift_right_logical3A_361 = arith.constant 7 : i32
    %shift_right_logical3A_362 = arith.shrui %squeeze3A_360, %shift_right_logical3A_361 : i32
    %mul3A_363 = arith.constant 128 : i32
    %mul3A_364 = arith.muli %shift_right_logical3A_362, %mul3A_363 : i32
    %multiple_of3A_365 = tpu.assume_multiple %mul3A_364, 128 : i32
    %dma_start3A_366 = arith.constant 0 : i32
    %dma_start3A_367 = arith.constant 2688 : i32
    %dma_start3A_368 = tpu.memref_slice %arg6[%dma_start3A_366, %dma_start3A_367] : memref<16x6144xf32, #tpu.memory_space<vmem>> -> memref<16x128xf32, #tpu.memory_space<vmem>>
    %dma_start3A_369 = arith.constant 0 : i32
    %dma_start3A_370 = tpu.memref_slice %arg3[%dma_start3A_369, %multiple_of3A_365] : memref<16x1000000xf32, #tpu.memory_space<hbm>> -> memref<16x128xf32, #tpu.memory_space<hbm>>
    %dma_start3A_371 = arith.constant 0 : i32
    %dma_start3A_372 = arith.constant 2688 : i32
    %dma_start3A_373 = tpu.memref_slice %arg6[%dma_start3A_371, %dma_start3A_372] : memref<16x6144xf32, #tpu.memory_space<vmem>> -> memref<16x128xf32, #tpu.memory_space<vmem>>
    %dma_start3A_374 = arith.constant 0 : i32
    %dma_start3A_375 = tpu.memref_slice %arg3[%dma_start3A_374, %multiple_of3A_365] : memref<16x1000000xf32, #tpu.memory_space<hbm>> -> memref<16x128xf32, #tpu.memory_space<hbm>>
    tpu.enqueue_dma source(%dma_start3A_375 : memref<16x128xf32, #tpu.memory_space<hbm>>) target(%dma_start3A_373 : memref<16x128xf32, #tpu.memory_space<vmem>>) target_semaphore(%arg9 : memref<!tpu.dma_semaphore, #tpu.memory_space<semaphore_mem>>)
    %slice3A_376 = vector.extract_strided_slice %get3A_273 {offsets = [6], sizes = [1], strides = [1]} : vector<16xi32> to vector<1xi32>
    %squeeze3A_377 = vector.extract %slice3A_376[0] : i32 from vector<1xi32>
    %shift_right_logical3A_378 = arith.constant 7 : i32
    %shift_right_logical3A_379 = arith.shrui %squeeze3A_377, %shift_right_logical3A_378 : i32
    %mul3A_380 = arith.constant 128 : i32
    %mul3A_381 = arith.muli %shift_right_logical3A_379, %mul3A_380 : i32
    %multiple_of3A_382 = tpu.assume_multiple %mul3A_381, 128 : i32
    %dma_start3A_383 = arith.constant 0 : i32
    %dma_start3A_384 = arith.constant 2816 : i32
    %dma_start3A_385 = tpu.memref_slice %arg6[%dma_start3A_383, %dma_start3A_384] : memref<16x6144xf32, #tpu.memory_space<vmem>> -> memref<16x128xf32, #tpu.memory_space<vmem>>
    %dma_start3A_386 = arith.constant 0 : i32
    %dma_start3A_387 = tpu.memref_slice %arg3[%dma_start3A_386, %multiple_of3A_382] : memref<16x1000000xf32, #tpu.memory_space<hbm>> -> memref<16x128xf32, #tpu.memory_space<hbm>>
    %dma_start3A_388 = arith.constant 0 : i32
    %dma_start3A_389 = arith.constant 2816 : i32
    %dma_start3A_390 = tpu.memref_slice %arg6[%dma_start3A_388, %dma_start3A_389] : memref<16x6144xf32, #tpu.memory_space<vmem>> -> memref<16x128xf32, #tpu.memory_space<vmem>>
    %dma_start3A_391 = arith.constant 0 : i32
    %dma_start3A_392 = tpu.memref_slice %arg3[%dma_start3A_391, %multiple_of3A_382] : memref<16x1000000xf32, #tpu.memory_space<hbm>> -> memref<16x128xf32, #tpu.memory_space<hbm>>
    tpu.enqueue_dma source(%dma_start3A_392 : memref<16x128xf32, #tpu.memory_space<hbm>>) target(%dma_start3A_390 : memref<16x128xf32, #tpu.memory_space<vmem>>) target_semaphore(%arg9 : memref<!tpu.dma_semaphore, #tpu.memory_space<semaphore_mem>>)
    %slice3A_393 = vector.extract_strided_slice %get3A_273 {offsets = [7], sizes = [1], strides = [1]} : vector<16xi32> to vector<1xi32>
    %squeeze3A_394 = vector.extract %slice3A_393[0] : i32 from vector<1xi32>
    %shift_right_logical3A_395 = arith.constant 7 : i32
    %shift_right_logical3A_396 = arith.shrui %squeeze3A_394, %shift_right_logical3A_395 : i32
    %mul3A_397 = arith.constant 128 : i32
    %mul3A_398 = arith.muli %shift_right_logical3A_396, %mul3A_397 : i32
    %multiple_of3A_399 = tpu.assume_multiple %mul3A_398, 128 : i32
    %dma_start3A_400 = arith.constant 0 : i32
    %dma_start3A_401 = arith.constant 2944 : i32
    %dma_start3A_402 = tpu.memref_slice %arg6[%dma_start3A_400, %dma_start3A_401] : memref<16x6144xf32, #tpu.memory_space<vmem>> -> memref<16x128xf32, #tpu.memory_space<vmem>>
    %dma_start3A_403 = arith.constant 0 : i32
    %dma_start3A_404 = tpu.memref_slice %arg3[%dma_start3A_403, %multiple_of3A_399] : memref<16x1000000xf32, #tpu.memory_space<hbm>> -> memref<16x128xf32, #tpu.memory_space<hbm>>
    %dma_start3A_405 = arith.constant 0 : i32
    %dma_start3A_406 = arith.constant 2944 : i32
    %dma_start3A_407 = tpu.memref_slice %arg6[%dma_start3A_405, %dma_start3A_406] : memref<16x6144xf32, #tpu.memory_space<vmem>> -> memref<16x128xf32, #tpu.memory_space<vmem>>
    %dma_start3A_408 = arith.constant 0 : i32
    %dma_start3A_409 = tpu.memref_slice %arg3[%dma_start3A_408, %multiple_of3A_399] : memref<16x1000000xf32, #tpu.memory_space<hbm>> -> memref<16x128xf32, #tpu.memory_space<hbm>>
    tpu.enqueue_dma source(%dma_start3A_409 : memref<16x128xf32, #tpu.memory_space<hbm>>) target(%dma_start3A_407 : memref<16x128xf32, #tpu.memory_space<vmem>>) target_semaphore(%arg9 : memref<!tpu.dma_semaphore, #tpu.memory_space<semaphore_mem>>)
    %slice3A_410 = vector.extract_strided_slice %get3A_273 {offsets = [8], sizes = [1], strides = [1]} : vector<16xi32> to vector<1xi32>
    %squeeze3A_411 = vector.extract %slice3A_410[0] : i32 from vector<1xi32>
    %shift_right_logical3A_412 = arith.constant 7 : i32
    %shift_right_logical3A_413 = arith.shrui %squeeze3A_411, %shift_right_logical3A_412 : i32
    %mul3A_414 = arith.constant 128 : i32
    %mul3A_415 = arith.muli %shift_right_logical3A_413, %mul3A_414 : i32
    %multiple_of3A_416 = tpu.assume_multiple %mul3A_415, 128 : i32
    %dma_start3A_417 = arith.constant 0 : i32
    %dma_start3A_418 = arith.constant 3072 : i32
    %dma_start3A_419 = tpu.memref_slice %arg6[%dma_start3A_417, %dma_start3A_418] : memref<16x6144xf32, #tpu.memory_space<vmem>> -> memref<16x128xf32, #tpu.memory_space<vmem>>
    %dma_start3A_420 = arith.constant 0 : i32
    %dma_start3A_421 = tpu.memref_slice %arg3[%dma_start3A_420, %multiple_of3A_416] : memref<16x1000000xf32, #tpu.memory_space<hbm>> -> memref<16x128xf32, #tpu.memory_space<hbm>>
    %dma_start3A_422 = arith.constant 0 : i32
    %dma_start3A_423 = arith.constant 3072 : i32
    %dma_start3A_424 = tpu.memref_slice %arg6[%dma_start3A_422, %dma_start3A_423] : memref<16x6144xf32, #tpu.memory_space<vmem>> -> memref<16x128xf32, #tpu.memory_space<vmem>>
    %dma_start3A_425 = arith.constant 0 : i32
    %dma_start3A_426 = tpu.memref_slice %arg3[%dma_start3A_425, %multiple_of3A_416] : memref<16x1000000xf32, #tpu.memory_space<hbm>> -> memref<16x128xf32, #tpu.memory_space<hbm>>
    tpu.enqueue_dma source(%dma_start3A_426 : memref<16x128xf32, #tpu.memory_space<hbm>>) target(%dma_start3A_424 : memref<16x128xf32, #tpu.memory_space<vmem>>) target_semaphore(%arg9 : memref<!tpu.dma_semaphore, #tpu.memory_space<semaphore_mem>>)
    %slice3A_427 = vector.extract_strided_slice %get3A_273 {offsets = [9], sizes = [1], strides = [1]} : vector<16xi32> to vector<1xi32>
    %squeeze3A_428 = vector.extract %slice3A_427[0] : i32 from vector<1xi32>
    %shift_right_logical3A_429 = arith.constant 7 : i32
    %shift_right_logical3A_430 = arith.shrui %squeeze3A_428, %shift_right_logical3A_429 : i32
    %mul3A_431 = arith.constant 128 : i32
    %mul3A_432 = arith.muli %shift_right_logical3A_430, %mul3A_431 : i32
    %multiple_of3A_433 = tpu.assume_multiple %mul3A_432, 128 : i32
    %dma_start3A_434 = arith.constant 0 : i32
    %dma_start3A_435 = arith.constant 3200 : i32
    %dma_start3A_436 = tpu.memref_slice %arg6[%dma_start3A_434, %dma_start3A_435] : memref<16x6144xf32, #tpu.memory_space<vmem>> -> memref<16x128xf32, #tpu.memory_space<vmem>>
    %dma_start3A_437 = arith.constant 0 : i32
    %dma_start3A_438 = tpu.memref_slice %arg3[%dma_start3A_437, %multiple_of3A_433] : memref<16x1000000xf32, #tpu.memory_space<hbm>> -> memref<16x128xf32, #tpu.memory_space<hbm>>
    %dma_start3A_439 = arith.constant 0 : i32
    %dma_start3A_440 = arith.constant 3200 : i32
    %dma_start3A_441 = tpu.memref_slice %arg6[%dma_start3A_439, %dma_start3A_440] : memref<16x6144xf32, #tpu.memory_space<vmem>> -> memref<16x128xf32, #tpu.memory_space<vmem>>
    %dma_start3A_442 = arith.constant 0 : i32
    %dma_start3A_443 = tpu.memref_slice %arg3[%dma_start3A_442, %multiple_of3A_433] : memref<16x1000000xf32, #tpu.memory_space<hbm>> -> memref<16x128xf32, #tpu.memory_space<hbm>>
    tpu.enqueue_dma source(%dma_start3A_443 : memref<16x128xf32, #tpu.memory_space<hbm>>) target(%dma_start3A_441 : memref<16x128xf32, #tpu.memory_space<vmem>>) target_semaphore(%arg9 : memref<!tpu.dma_semaphore, #tpu.memory_space<semaphore_mem>>)
    %slice3A_444 = vector.extract_strided_slice %get3A_273 {offsets = [10], sizes = [1], strides = [1]} : vector<16xi32> to vector<1xi32>
    %squeeze3A_445 = vector.extract %slice3A_444[0] : i32 from vector<1xi32>
    %shift_right_logical3A_446 = arith.constant 7 : i32
    %shift_right_logical3A_447 = arith.shrui %squeeze3A_445, %shift_right_logical3A_446 : i32
    %mul3A_448 = arith.constant 128 : i32
    %mul3A_449 = arith.muli %shift_right_logical3A_447, %mul3A_448 : i32
    %multiple_of3A_450 = tpu.assume_multiple %mul3A_449, 128 : i32
    %dma_start3A_451 = arith.constant 0 : i32
    %dma_start3A_452 = arith.constant 3328 : i32
    %dma_start3A_453 = tpu.memref_slice %arg6[%dma_start3A_451, %dma_start3A_452] : memref<16x6144xf32, #tpu.memory_space<vmem>> -> memref<16x128xf32, #tpu.memory_space<vmem>>
    %dma_start3A_454 = arith.constant 0 : i32
    %dma_start3A_455 = tpu.memref_slice %arg3[%dma_start3A_454, %multiple_of3A_450] : memref<16x1000000xf32, #tpu.memory_space<hbm>> -> memref<16x128xf32, #tpu.memory_space<hbm>>
    %dma_start3A_456 = arith.constant 0 : i32
    %dma_start3A_457 = arith.constant 3328 : i32
    %dma_start3A_458 = tpu.memref_slice %arg6[%dma_start3A_456, %dma_start3A_457] : memref<16x6144xf32, #tpu.memory_space<vmem>> -> memref<16x128xf32, #tpu.memory_space<vmem>>
    %dma_start3A_459 = arith.constant 0 : i32
    %dma_start3A_460 = tpu.memref_slice %arg3[%dma_start3A_459, %multiple_of3A_450] : memref<16x1000000xf32, #tpu.memory_space<hbm>> -> memref<16x128xf32, #tpu.memory_space<hbm>>
    tpu.enqueue_dma source(%dma_start3A_460 : memref<16x128xf32, #tpu.memory_space<hbm>>) target(%dma_start3A_458 : memref<16x128xf32, #tpu.memory_space<vmem>>) target_semaphore(%arg9 : memref<!tpu.dma_semaphore, #tpu.memory_space<semaphore_mem>>)
    %slice3A_461 = vector.extract_strided_slice %get3A_273 {offsets = [11], sizes = [1], strides = [1]} : vector<16xi32> to vector<1xi32>
    %squeeze3A_462 = vector.extract %slice3A_461[0] : i32 from vector<1xi32>
    %shift_right_logical3A_463 = arith.constant 7 : i32
    %shift_right_logical3A_464 = arith.shrui %squeeze3A_462, %shift_right_logical3A_463 : i32
    %mul3A_465 = arith.constant 128 : i32
    %mul3A_466 = arith.muli %shift_right_logical3A_464, %mul3A_465 : i32
    %multiple_of3A_467 = tpu.assume_multiple %mul3A_466, 128 : i32
    %dma_start3A_468 = arith.constant 0 : i32
    %dma_start3A_469 = arith.constant 3456 : i32
    %dma_start3A_470 = tpu.memref_slice %arg6[%dma_start3A_468, %dma_start3A_469] : memref<16x6144xf32, #tpu.memory_space<vmem>> -> memref<16x128xf32, #tpu.memory_space<vmem>>
    %dma_start3A_471 = arith.constant 0 : i32
    %dma_start3A_472 = tpu.memref_slice %arg3[%dma_start3A_471, %multiple_of3A_467] : memref<16x1000000xf32, #tpu.memory_space<hbm>> -> memref<16x128xf32, #tpu.memory_space<hbm>>
    %dma_start3A_473 = arith.constant 0 : i32
    %dma_start3A_474 = arith.constant 3456 : i32
    %dma_start3A_475 = tpu.memref_slice %arg6[%dma_start3A_473, %dma_start3A_474] : memref<16x6144xf32, #tpu.memory_space<vmem>> -> memref<16x128xf32, #tpu.memory_space<vmem>>
    %dma_start3A_476 = arith.constant 0 : i32
    %dma_start3A_477 = tpu.memref_slice %arg3[%dma_start3A_476, %multiple_of3A_467] : memref<16x1000000xf32, #tpu.memory_space<hbm>> -> memref<16x128xf32, #tpu.memory_space<hbm>>
    tpu.enqueue_dma source(%dma_start3A_477 : memref<16x128xf32, #tpu.memory_space<hbm>>) target(%dma_start3A_475 : memref<16x128xf32, #tpu.memory_space<vmem>>) target_semaphore(%arg9 : memref<!tpu.dma_semaphore, #tpu.memory_space<semaphore_mem>>)
    %slice3A_478 = vector.extract_strided_slice %get3A_273 {offsets = [12], sizes = [1], strides = [1]} : vector<16xi32> to vector<1xi32>
    %squeeze3A_479 = vector.extract %slice3A_478[0] : i32 from vector<1xi32>
    %shift_right_logical3A_480 = arith.constant 7 : i32
    %shift_right_logical3A_481 = arith.shrui %squeeze3A_479, %shift_right_logical3A_480 : i32
    %mul3A_482 = arith.constant 128 : i32
    %mul3A_483 = arith.muli %shift_right_logical3A_481, %mul3A_482 : i32
    %multiple_of3A_484 = tpu.assume_multiple %mul3A_483, 128 : i32
    %dma_start3A_485 = arith.constant 0 : i32
    %dma_start3A_486 = arith.constant 3584 : i32
    %dma_start3A_487 = tpu.memref_slice %arg6[%dma_start3A_485, %dma_start3A_486] : memref<16x6144xf32, #tpu.memory_space<vmem>> -> memref<16x128xf32, #tpu.memory_space<vmem>>
    %dma_start3A_488 = arith.constant 0 : i32
    %dma_start3A_489 = tpu.memref_slice %arg3[%dma_start3A_488, %multiple_of3A_484] : memref<16x1000000xf32, #tpu.memory_space<hbm>> -> memref<16x128xf32, #tpu.memory_space<hbm>>
    %dma_start3A_490 = arith.constant 0 : i32
    %dma_start3A_491 = arith.constant 3584 : i32
    %dma_start3A_492 = tpu.memref_slice %arg6[%dma_start3A_490, %dma_start3A_491] : memref<16x6144xf32, #tpu.memory_space<vmem>> -> memref<16x128xf32, #tpu.memory_space<vmem>>
    %dma_start3A_493 = arith.constant 0 : i32
    %dma_start3A_494 = tpu.memref_slice %arg3[%dma_start3A_493, %multiple_of3A_484] : memref<16x1000000xf32, #tpu.memory_space<hbm>> -> memref<16x128xf32, #tpu.memory_space<hbm>>
    tpu.enqueue_dma source(%dma_start3A_494 : memref<16x128xf32, #tpu.memory_space<hbm>>) target(%dma_start3A_492 : memref<16x128xf32, #tpu.memory_space<vmem>>) target_semaphore(%arg9 : memref<!tpu.dma_semaphore, #tpu.memory_space<semaphore_mem>>)
    %slice3A_495 = vector.extract_strided_slice %get3A_273 {offsets = [13], sizes = [1], strides = [1]} : vector<16xi32> to vector<1xi32>
    %squeeze3A_496 = vector.extract %slice3A_495[0] : i32 from vector<1xi32>
    %shift_right_logical3A_497 = arith.constant 7 : i32
    %shift_right_logical3A_498 = arith.shrui %squeeze3A_496, %shift_right_logical3A_497 : i32
    %mul3A_499 = arith.constant 128 : i32
    %mul3A_500 = arith.muli %shift_right_logical3A_498, %mul3A_499 : i32
    %multiple_of3A_501 = tpu.assume_multiple %mul3A_500, 128 : i32
    %dma_start3A_502 = arith.constant 0 : i32
    %dma_start3A_503 = arith.constant 3712 : i32
    %dma_start3A_504 = tpu.memref_slice %arg6[%dma_start3A_502, %dma_start3A_503] : memref<16x6144xf32, #tpu.memory_space<vmem>> -> memref<16x128xf32, #tpu.memory_space<vmem>>
    %dma_start3A_505 = arith.constant 0 : i32
    %dma_start3A_506 = tpu.memref_slice %arg3[%dma_start3A_505, %multiple_of3A_501] : memref<16x1000000xf32, #tpu.memory_space<hbm>> -> memref<16x128xf32, #tpu.memory_space<hbm>>
    %dma_start3A_507 = arith.constant 0 : i32
    %dma_start3A_508 = arith.constant 3712 : i32
    %dma_start3A_509 = tpu.memref_slice %arg6[%dma_start3A_507, %dma_start3A_508] : memref<16x6144xf32, #tpu.memory_space<vmem>> -> memref<16x128xf32, #tpu.memory_space<vmem>>
    %dma_start3A_510 = arith.constant 0 : i32
    %dma_start3A_511 = tpu.memref_slice %arg3[%dma_start3A_510, %multiple_of3A_501] : memref<16x1000000xf32, #tpu.memory_space<hbm>> -> memref<16x128xf32, #tpu.memory_space<hbm>>
    tpu.enqueue_dma source(%dma_start3A_511 : memref<16x128xf32, #tpu.memory_space<hbm>>) target(%dma_start3A_509 : memref<16x128xf32, #tpu.memory_space<vmem>>) target_semaphore(%arg9 : memref<!tpu.dma_semaphore, #tpu.memory_space<semaphore_mem>>)
    %slice3A_512 = vector.extract_strided_slice %get3A_273 {offsets = [14], sizes = [1], strides = [1]} : vector<16xi32> to vector<1xi32>
    %squeeze3A_513 = vector.extract %slice3A_512[0] : i32 from vector<1xi32>
    %shift_right_logical3A_514 = arith.constant 7 : i32
    %shift_right_logical3A_515 = arith.shrui %squeeze3A_513, %shift_right_logical3A_514 : i32
    %mul3A_516 = arith.constant 128 : i32
    %mul3A_517 = arith.muli %shift_right_logical3A_515, %mul3A_516 : i32
    %multiple_of3A_518 = tpu.assume_multiple %mul3A_517, 128 : i32
    %dma_start3A_519 = arith.constant 0 : i32
    %dma_start3A_520 = arith.constant 3840 : i32
    %dma_start3A_521 = tpu.memref_slice %arg6[%dma_start3A_519, %dma_start3A_520] : memref<16x6144xf32, #tpu.memory_space<vmem>> -> memref<16x128xf32, #tpu.memory_space<vmem>>
    %dma_start3A_522 = arith.constant 0 : i32
    %dma_start3A_523 = tpu.memref_slice %arg3[%dma_start3A_522, %multiple_of3A_518] : memref<16x1000000xf32, #tpu.memory_space<hbm>> -> memref<16x128xf32, #tpu.memory_space<hbm>>
    %dma_start3A_524 = arith.constant 0 : i32
    %dma_start3A_525 = arith.constant 3840 : i32
    %dma_start3A_526 = tpu.memref_slice %arg6[%dma_start3A_524, %dma_start3A_525] : memref<16x6144xf32, #tpu.memory_space<vmem>> -> memref<16x128xf32, #tpu.memory_space<vmem>>
    %dma_start3A_527 = arith.constant 0 : i32
    %dma_start3A_528 = tpu.memref_slice %arg3[%dma_start3A_527, %multiple_of3A_518] : memref<16x1000000xf32, #tpu.memory_space<hbm>> -> memref<16x128xf32, #tpu.memory_space<hbm>>
    tpu.enqueue_dma source(%dma_start3A_528 : memref<16x128xf32, #tpu.memory_space<hbm>>) target(%dma_start3A_526 : memref<16x128xf32, #tpu.memory_space<vmem>>) target_semaphore(%arg9 : memref<!tpu.dma_semaphore, #tpu.memory_space<semaphore_mem>>)
    %slice3A_529 = vector.extract_strided_slice %get3A_273 {offsets = [15], sizes = [1], strides = [1]} : vector<16xi32> to vector<1xi32>
    %squeeze3A_530 = vector.extract %slice3A_529[0] : i32 from vector<1xi32>
    %shift_right_logical3A_531 = arith.constant 7 : i32
    %shift_right_logical3A_532 = arith.shrui %squeeze3A_530, %shift_right_logical3A_531 : i32
    %mul3A_533 = arith.constant 128 : i32
    %mul3A_534 = arith.muli %shift_right_logical3A_532, %mul3A_533 : i32
    %multiple_of3A_535 = tpu.assume_multiple %mul3A_534, 128 : i32
    %dma_start3A_536 = arith.constant 0 : i32
    %dma_start3A_537 = arith.constant 3968 : i32
    %dma_start3A_538 = tpu.memref_slice %arg6[%dma_start3A_536, %dma_start3A_537] : memref<16x6144xf32, #tpu.memory_space<vmem>> -> memref<16x128xf32, #tpu.memory_space<vmem>>
    %dma_start3A_539 = arith.constant 0 : i32
    %dma_start3A_540 = tpu.memref_slice %arg3[%dma_start3A_539, %multiple_of3A_535] : memref<16x1000000xf32, #tpu.memory_space<hbm>> -> memref<16x128xf32, #tpu.memory_space<hbm>>
    %dma_start3A_541 = arith.constant 0 : i32
    %dma_start3A_542 = arith.constant 3968 : i32
    %dma_start3A_543 = tpu.memref_slice %arg6[%dma_start3A_541, %dma_start3A_542] : memref<16x6144xf32, #tpu.memory_space<vmem>> -> memref<16x128xf32, #tpu.memory_space<vmem>>
    %dma_start3A_544 = arith.constant 0 : i32
    %dma_start3A_545 = tpu.memref_slice %arg3[%dma_start3A_544, %multiple_of3A_535] : memref<16x1000000xf32, #tpu.memory_space<hbm>> -> memref<16x128xf32, #tpu.memory_space<hbm>>
    tpu.enqueue_dma source(%dma_start3A_545 : memref<16x128xf32, #tpu.memory_space<hbm>>) target(%dma_start3A_543 : memref<16x128xf32, #tpu.memory_space<vmem>>) target_semaphore(%arg9 : memref<!tpu.dma_semaphore, #tpu.memory_space<semaphore_mem>>)
    %scan3A = arith.constant 0 : i32
    %scan3A_546 = arith.constant 10 : i32
    %scan3A_547 = arith.addi %scan3A, %scan3A_546 : i32
    %scan3A_548 = arith.constant 1 : i32
    scf.for %scan3A_817 = %scan3A to %scan3A_547 step %scan3A_548  : i32 {
      %mul3A_818 = arith.constant 3 : i32
      %mul3A_819 = arith.muli %mul3A_818, %scan3A_817 : i32
      %add3A_820 = arith.constant 0 : i32
      %add3A_821 = arith.addi %mul3A_819, %add3A_820 : i32
      %add3A_822 = arith.constant 3 : i32
      %add3A_823 = arith.addi %add3A_821, %add3A_822 : i32
      %sub3A = arith.constant 1 : i32
      %sub3A_824 = arith.subi %add3A_823, %sub3A : i32
      %lt3A = arith.constant 32 : i32
      %lt3A_825 = arith.cmpi slt, %sub3A_824, %lt3A : i32
      %convert_element_type3A = arith.extui %lt3A_825 : i1 to i32
      %cond3A = arith.constant 0 : i32
      %cond3A_826 = arith.cmpi ne, %convert_element_type3A, %cond3A : i32
      scf.if %cond3A_826 {
        %mul3A_1365 = arith.constant 16 : i32
        %mul3A_1366 = arith.muli %sub3A_824, %mul3A_1365 : i32
        %get3A_1367 = arith.index_cast %mul3A_1366 : i32 to index
        %get3A_1368 = tpu.vector_load %arg5[%get3A_1367] {strides = array<i32>} : memref<512xi32, #tpu.memory_space<vmem>>, vector<16xi32>,
        %slice3A_1369 = vector.extract_strided_slice %get3A_1368 {offsets = [0], sizes = [1], strides = [1]} : vector<16xi32> to vector<1xi32>
        %squeeze3A_1370 = vector.extract %slice3A_1369[0] : i32 from vector<1xi32>
        %shift_right_logical3A_1371 = arith.constant 7 : i32
        %shift_right_logical3A_1372 = arith.shrui %squeeze3A_1370, %shift_right_logical3A_1371 : i32
        %mul3A_1373 = arith.constant 128 : i32
        %mul3A_1374 = arith.muli %shift_right_logical3A_1372, %mul3A_1373 : i32
        %multiple_of3A_1375 = tpu.assume_multiple %mul3A_1374, 128 : i32
        %dma_start3A_1376 = arith.constant 0 : i32
        %dma_start3A_1377 = arith.constant 4096 : i32
        %dma_start3A_1378 = tpu.memref_slice %arg6[%dma_start3A_1376, %dma_start3A_1377] : memref<16x6144xf32, #tpu.memory_space<vmem>> -> memref<16x128xf32, #tpu.memory_space<vmem>>
        %dma_start3A_1379 = arith.constant 0 : i32
        %dma_start3A_1380 = tpu.memref_slice %arg3[%dma_start3A_1379, %multiple_of3A_1375] : memref<16x1000000xf32, #tpu.memory_space<hbm>> -> memref<16x128xf32, #tpu.memory_space<hbm>>
        %dma_start3A_1381 = arith.constant 0 : i32
        %dma_start3A_1382 = arith.constant 4096 : i32
        %dma_start3A_1383 = tpu.memref_slice %arg6[%dma_start3A_1381, %dma_start3A_1382] : memref<16x6144xf32, #tpu.memory_space<vmem>> -> memref<16x128xf32, #tpu.memory_space<vmem>>
        %dma_start3A_1384 = arith.constant 0 : i32
        %dma_start3A_1385 = tpu.memref_slice %arg3[%dma_start3A_1384, %multiple_of3A_1375] : memref<16x1000000xf32, #tpu.memory_space<hbm>> -> memref<16x128xf32, #tpu.memory_space<hbm>>
        tpu.enqueue_dma source(%dma_start3A_1385 : memref<16x128xf32, #tpu.memory_space<hbm>>) target(%dma_start3A_1383 : memref<16x128xf32, #tpu.memory_space<vmem>>) target_semaphore(%arg10 : memref<!tpu.dma_semaphore, #tpu.memory_space<semaphore_mem>>)
        %slice3A_1386 = vector.extract_strided_slice %get3A_1368 {offsets = [1], sizes = [1], strides = [1]} : vector<16xi32> to vector<1xi32>
        %squeeze3A_1387 = vector.extract %slice3A_1386[0] : i32 from vector<1xi32>
        %shift_right_logical3A_1388 = arith.constant 7 : i32
        %shift_right_logical3A_1389 = arith.shrui %squeeze3A_1387, %shift_right_logical3A_1388 : i32
        %mul3A_1390 = arith.constant 128 : i32
        %mul3A_1391 = arith.muli %shift_right_logical3A_1389, %mul3A_1390 : i32
        %multiple_of3A_1392 = tpu.assume_multiple %mul3A_1391, 128 : i32
        %dma_start3A_1393 = arith.constant 0 : i32
        %dma_start3A_1394 = arith.constant 4224 : i32
        %dma_start3A_1395 = tpu.memref_slice %arg6[%dma_start3A_1393, %dma_start3A_1394] : memref<16x6144xf32, #tpu.memory_space<vmem>> -> memref<16x128xf32, #tpu.memory_space<vmem>>
        %dma_start3A_1396 = arith.constant 0 : i32
        %dma_start3A_1397 = tpu.memref_slice %arg3[%dma_start3A_1396, %multiple_of3A_1392] : memref<16x1000000xf32, #tpu.memory_space<hbm>> -> memref<16x128xf32, #tpu.memory_space<hbm>>
        %dma_start3A_1398 = arith.constant 0 : i32
        %dma_start3A_1399 = arith.constant 4224 : i32
        %dma_start3A_1400 = tpu.memref_slice %arg6[%dma_start3A_1398, %dma_start3A_1399] : memref<16x6144xf32, #tpu.memory_space<vmem>> -> memref<16x128xf32, #tpu.memory_space<vmem>>
        %dma_start3A_1401 = arith.constant 0 : i32
        %dma_start3A_1402 = tpu.memref_slice %arg3[%dma_start3A_1401, %multiple_of3A_1392] : memref<16x1000000xf32, #tpu.memory_space<hbm>> -> memref<16x128xf32, #tpu.memory_space<hbm>>
        tpu.enqueue_dma source(%dma_start3A_1402 : memref<16x128xf32, #tpu.memory_space<hbm>>) target(%dma_start3A_1400 : memref<16x128xf32, #tpu.memory_space<vmem>>) target_semaphore(%arg10 : memref<!tpu.dma_semaphore, #tpu.memory_space<semaphore_mem>>)
        %slice3A_1403 = vector.extract_strided_slice %get3A_1368 {offsets = [2], sizes = [1], strides = [1]} : vector<16xi32> to vector<1xi32>
        %squeeze3A_1404 = vector.extract %slice3A_1403[0] : i32 from vector<1xi32>
        %shift_right_logical3A_1405 = arith.constant 7 : i32
        %shift_right_logical3A_1406 = arith.shrui %squeeze3A_1404, %shift_right_logical3A_1405 : i32
        %mul3A_1407 = arith.constant 128 : i32
        %mul3A_1408 = arith.muli %shift_right_logical3A_1406, %mul3A_1407 : i32
        %multiple_of3A_1409 = tpu.assume_multiple %mul3A_1408, 128 : i32
        %dma_start3A_1410 = arith.constant 0 : i32
        %dma_start3A_1411 = arith.constant 4352 : i32
        %dma_start3A_1412 = tpu.memref_slice %arg6[%dma_start3A_1410, %dma_start3A_1411] : memref<16x6144xf32, #tpu.memory_space<vmem>> -> memref<16x128xf32, #tpu.memory_space<vmem>>
        %dma_start3A_1413 = arith.constant 0 : i32
        %dma_start3A_1414 = tpu.memref_slice %arg3[%dma_start3A_1413, %multiple_of3A_1409] : memref<16x1000000xf32, #tpu.memory_space<hbm>> -> memref<16x128xf32, #tpu.memory_space<hbm>>
        %dma_start3A_1415 = arith.constant 0 : i32
        %dma_start3A_1416 = arith.constant 4352 : i32
        %dma_start3A_1417 = tpu.memref_slice %arg6[%dma_start3A_1415, %dma_start3A_1416] : memref<16x6144xf32, #tpu.memory_space<vmem>> -> memref<16x128xf32, #tpu.memory_space<vmem>>
        %dma_start3A_1418 = arith.constant 0 : i32
        %dma_start3A_1419 = tpu.memref_slice %arg3[%dma_start3A_1418, %multiple_of3A_1409] : memref<16x1000000xf32, #tpu.memory_space<hbm>> -> memref<16x128xf32, #tpu.memory_space<hbm>>
        tpu.enqueue_dma source(%dma_start3A_1419 : memref<16x128xf32, #tpu.memory_space<hbm>>) target(%dma_start3A_1417 : memref<16x128xf32, #tpu.memory_space<vmem>>) target_semaphore(%arg10 : memref<!tpu.dma_semaphore, #tpu.memory_space<semaphore_mem>>)
        %slice3A_1420 = vector.extract_strided_slice %get3A_1368 {offsets = [3], sizes = [1], strides = [1]} : vector<16xi32> to vector<1xi32>
        %squeeze3A_1421 = vector.extract %slice3A_1420[0] : i32 from vector<1xi32>
        %shift_right_logical3A_1422 = arith.constant 7 : i32
        %shift_right_logical3A_1423 = arith.shrui %squeeze3A_1421, %shift_right_logical3A_1422 : i32
        %mul3A_1424 = arith.constant 128 : i32
        %mul3A_1425 = arith.muli %shift_right_logical3A_1423, %mul3A_1424 : i32
        %multiple_of3A_1426 = tpu.assume_multiple %mul3A_1425, 128 : i32
        %dma_start3A_1427 = arith.constant 0 : i32
        %dma_start3A_1428 = arith.constant 4480 : i32
        %dma_start3A_1429 = tpu.memref_slice %arg6[%dma_start3A_1427, %dma_start3A_1428] : memref<16x6144xf32, #tpu.memory_space<vmem>> -> memref<16x128xf32, #tpu.memory_space<vmem>>
        %dma_start3A_1430 = arith.constant 0 : i32
        %dma_start3A_1431 = tpu.memref_slice %arg3[%dma_start3A_1430, %multiple_of3A_1426] : memref<16x1000000xf32, #tpu.memory_space<hbm>> -> memref<16x128xf32, #tpu.memory_space<hbm>>
        %dma_start3A_1432 = arith.constant 0 : i32
        %dma_start3A_1433 = arith.constant 4480 : i32
        %dma_start3A_1434 = tpu.memref_slice %arg6[%dma_start3A_1432, %dma_start3A_1433] : memref<16x6144xf32, #tpu.memory_space<vmem>> -> memref<16x128xf32, #tpu.memory_space<vmem>>
        %dma_start3A_1435 = arith.constant 0 : i32
        %dma_start3A_1436 = tpu.memref_slice %arg3[%dma_start3A_1435, %multiple_of3A_1426] : memref<16x1000000xf32, #tpu.memory_space<hbm>> -> memref<16x128xf32, #tpu.memory_space<hbm>>
        tpu.enqueue_dma source(%dma_start3A_1436 : memref<16x128xf32, #tpu.memory_space<hbm>>) target(%dma_start3A_1434 : memref<16x128xf32, #tpu.memory_space<vmem>>) target_semaphore(%arg10 : memref<!tpu.dma_semaphore, #tpu.memory_space<semaphore_mem>>)
        %slice3A_1437 = vector.extract_strided_slice %get3A_1368 {offsets = [4], sizes = [1], strides = [1]} : vector<16xi32> to vector<1xi32>
        %squeeze3A_1438 = vector.extract %slice3A_1437[0] : i32 from vector<1xi32>
        %shift_right_logical3A_1439 = arith.constant 7 : i32
        %shift_right_logical3A_1440 = arith.shrui %squeeze3A_1438, %shift_right_logical3A_1439 : i32
        %mul3A_1441 = arith.constant 128 : i32
        %mul3A_1442 = arith.muli %shift_right_logical3A_1440, %mul3A_1441 : i32
        %multiple_of3A_1443 = tpu.assume_multiple %mul3A_1442, 128 : i32
        %dma_start3A_1444 = arith.constant 0 : i32
        %dma_start3A_1445 = arith.constant 4608 : i32
        %dma_start3A_1446 = tpu.memref_slice %arg6[%dma_start3A_1444, %dma_start3A_1445] : memref<16x6144xf32, #tpu.memory_space<vmem>> -> memref<16x128xf32, #tpu.memory_space<vmem>>
        %dma_start3A_1447 = arith.constant 0 : i32
        %dma_start3A_1448 = tpu.memref_slice %arg3[%dma_start3A_1447, %multiple_of3A_1443] : memref<16x1000000xf32, #tpu.memory_space<hbm>> -> memref<16x128xf32, #tpu.memory_space<hbm>>
        %dma_start3A_1449 = arith.constant 0 : i32
        %dma_start3A_1450 = arith.constant 4608 : i32
        %dma_start3A_1451 = tpu.memref_slice %arg6[%dma_start3A_1449, %dma_start3A_1450] : memref<16x6144xf32, #tpu.memory_space<vmem>> -> memref<16x128xf32, #tpu.memory_space<vmem>>
        %dma_start3A_1452 = arith.constant 0 : i32
        %dma_start3A_1453 = tpu.memref_slice %arg3[%dma_start3A_1452, %multiple_of3A_1443] : memref<16x1000000xf32, #tpu.memory_space<hbm>> -> memref<16x128xf32, #tpu.memory_space<hbm>>
        tpu.enqueue_dma source(%dma_start3A_1453 : memref<16x128xf32, #tpu.memory_space<hbm>>) target(%dma_start3A_1451 : memref<16x128xf32, #tpu.memory_space<vmem>>) target_semaphore(%arg10 : memref<!tpu.dma_semaphore, #tpu.memory_space<semaphore_mem>>)
        %slice3A_1454 = vector.extract_strided_slice %get3A_1368 {offsets = [5], sizes = [1], strides = [1]} : vector<16xi32> to vector<1xi32>
        %squeeze3A_1455 = vector.extract %slice3A_1454[0] : i32 from vector<1xi32>
        %shift_right_logical3A_1456 = arith.constant 7 : i32
        %shift_right_logical3A_1457 = arith.shrui %squeeze3A_1455, %shift_right_logical3A_1456 : i32
        %mul3A_1458 = arith.constant 128 : i32
        %mul3A_1459 = arith.muli %shift_right_logical3A_1457, %mul3A_1458 : i32
        %multiple_of3A_1460 = tpu.assume_multiple %mul3A_1459, 128 : i32
        %dma_start3A_1461 = arith.constant 0 : i32
        %dma_start3A_1462 = arith.constant 4736 : i32
        %dma_start3A_1463 = tpu.memref_slice %arg6[%dma_start3A_1461, %dma_start3A_1462] : memref<16x6144xf32, #tpu.memory_space<vmem>> -> memref<16x128xf32, #tpu.memory_space<vmem>>
        %dma_start3A_1464 = arith.constant 0 : i32
        %dma_start3A_1465 = tpu.memref_slice %arg3[%dma_start3A_1464, %multiple_of3A_1460] : memref<16x1000000xf32, #tpu.memory_space<hbm>> -> memref<16x128xf32, #tpu.memory_space<hbm>>
        %dma_start3A_1466 = arith.constant 0 : i32
        %dma_start3A_1467 = arith.constant 4736 : i32
        %dma_start3A_1468 = tpu.memref_slice %arg6[%dma_start3A_1466, %dma_start3A_1467] : memref<16x6144xf32, #tpu.memory_space<vmem>> -> memref<16x128xf32, #tpu.memory_space<vmem>>
        %dma_start3A_1469 = arith.constant 0 : i32
        %dma_start3A_1470 = tpu.memref_slice %arg3[%dma_start3A_1469, %multiple_of3A_1460] : memref<16x1000000xf32, #tpu.memory_space<hbm>> -> memref<16x128xf32, #tpu.memory_space<hbm>>
        tpu.enqueue_dma source(%dma_start3A_1470 : memref<16x128xf32, #tpu.memory_space<hbm>>) target(%dma_start3A_1468 : memref<16x128xf32, #tpu.memory_space<vmem>>) target_semaphore(%arg10 : memref<!tpu.dma_semaphore, #tpu.memory_space<semaphore_mem>>)
        %slice3A_1471 = vector.extract_strided_slice %get3A_1368 {offsets = [6], sizes = [1], strides = [1]} : vector<16xi32> to vector<1xi32>
        %squeeze3A_1472 = vector.extract %slice3A_1471[0] : i32 from vector<1xi32>
        %shift_right_logical3A_1473 = arith.constant 7 : i32
        %shift_right_logical3A_1474 = arith.shrui %squeeze3A_1472, %shift_right_logical3A_1473 : i32
        %mul3A_1475 = arith.constant 128 : i32
        %mul3A_1476 = arith.muli %shift_right_logical3A_1474, %mul3A_1475 : i32
        %multiple_of3A_1477 = tpu.assume_multiple %mul3A_1476, 128 : i32
        %dma_start3A_1478 = arith.constant 0 : i32
        %dma_start3A_1479 = arith.constant 4864 : i32
        %dma_start3A_1480 = tpu.memref_slice %arg6[%dma_start3A_1478, %dma_start3A_1479] : memref<16x6144xf32, #tpu.memory_space<vmem>> -> memref<16x128xf32, #tpu.memory_space<vmem>>
        %dma_start3A_1481 = arith.constant 0 : i32
        %dma_start3A_1482 = tpu.memref_slice %arg3[%dma_start3A_1481, %multiple_of3A_1477] : memref<16x1000000xf32, #tpu.memory_space<hbm>> -> memref<16x128xf32, #tpu.memory_space<hbm>>
        %dma_start3A_1483 = arith.constant 0 : i32
        %dma_start3A_1484 = arith.constant 4864 : i32
        %dma_start3A_1485 = tpu.memref_slice %arg6[%dma_start3A_1483, %dma_start3A_1484] : memref<16x6144xf32, #tpu.memory_space<vmem>> -> memref<16x128xf32, #tpu.memory_space<vmem>>
        %dma_start3A_1486 = arith.constant 0 : i32
        %dma_start3A_1487 = tpu.memref_slice %arg3[%dma_start3A_1486, %multiple_of3A_1477] : memref<16x1000000xf32, #tpu.memory_space<hbm>> -> memref<16x128xf32, #tpu.memory_space<hbm>>
        tpu.enqueue_dma source(%dma_start3A_1487 : memref<16x128xf32, #tpu.memory_space<hbm>>) target(%dma_start3A_1485 : memref<16x128xf32, #tpu.memory_space<vmem>>) target_semaphore(%arg10 : memref<!tpu.dma_semaphore, #tpu.memory_space<semaphore_mem>>)
        %slice3A_1488 = vector.extract_strided_slice %get3A_1368 {offsets = [7], sizes = [1], strides = [1]} : vector<16xi32> to vector<1xi32>
        %squeeze3A_1489 = vector.extract %slice3A_1488[0] : i32 from vector<1xi32>
        %shift_right_logical3A_1490 = arith.constant 7 : i32
        %shift_right_logical3A_1491 = arith.shrui %squeeze3A_1489, %shift_right_logical3A_1490 : i32
        %mul3A_1492 = arith.constant 128 : i32
        %mul3A_1493 = arith.muli %shift_right_logical3A_1491, %mul3A_1492 : i32
        %multiple_of3A_1494 = tpu.assume_multiple %mul3A_1493, 128 : i32
        %dma_start3A_1495 = arith.constant 0 : i32
        %dma_start3A_1496 = arith.constant 4992 : i32
        %dma_start3A_1497 = tpu.memref_slice %arg6[%dma_start3A_1495, %dma_start3A_1496] : memref<16x6144xf32, #tpu.memory_space<vmem>> -> memref<16x128xf32, #tpu.memory_space<vmem>>
        %dma_start3A_1498 = arith.constant 0 : i32
        %dma_start3A_1499 = tpu.memref_slice %arg3[%dma_start3A_1498, %multiple_of3A_1494] : memref<16x1000000xf32, #tpu.memory_space<hbm>> -> memref<16x128xf32, #tpu.memory_space<hbm>>
        %dma_start3A_1500 = arith.constant 0 : i32
        %dma_start3A_1501 = arith.constant 4992 : i32
        %dma_start3A_1502 = tpu.memref_slice %arg6[%dma_start3A_1500, %dma_start3A_1501] : memref<16x6144xf32, #tpu.memory_space<vmem>> -> memref<16x128xf32, #tpu.memory_space<vmem>>
        %dma_start3A_1503 = arith.constant 0 : i32
        %dma_start3A_1504 = tpu.memref_slice %arg3[%dma_start3A_1503, %multiple_of3A_1494] : memref<16x1000000xf32, #tpu.memory_space<hbm>> -> memref<16x128xf32, #tpu.memory_space<hbm>>
        tpu.enqueue_dma source(%dma_start3A_1504 : memref<16x128xf32, #tpu.memory_space<hbm>>) target(%dma_start3A_1502 : memref<16x128xf32, #tpu.memory_space<vmem>>) target_semaphore(%arg10 : memref<!tpu.dma_semaphore, #tpu.memory_space<semaphore_mem>>)
        %slice3A_1505 = vector.extract_strided_slice %get3A_1368 {offsets = [8], sizes = [1], strides = [1]} : vector<16xi32> to vector<1xi32>
        %squeeze3A_1506 = vector.extract %slice3A_1505[0] : i32 from vector<1xi32>
        %shift_right_logical3A_1507 = arith.constant 7 : i32
        %shift_right_logical3A_1508 = arith.shrui %squeeze3A_1506, %shift_right_logical3A_1507 : i32
        %mul3A_1509 = arith.constant 128 : i32
        %mul3A_1510 = arith.muli %shift_right_logical3A_1508, %mul3A_1509 : i32
        %multiple_of3A_1511 = tpu.assume_multiple %mul3A_1510, 128 : i32
        %dma_start3A_1512 = arith.constant 0 : i32
        %dma_start3A_1513 = arith.constant 5120 : i32
        %dma_start3A_1514 = tpu.memref_slice %arg6[%dma_start3A_1512, %dma_start3A_1513] : memref<16x6144xf32, #tpu.memory_space<vmem>> -> memref<16x128xf32, #tpu.memory_space<vmem>>
        %dma_start3A_1515 = arith.constant 0 : i32
        %dma_start3A_1516 = tpu.memref_slice %arg3[%dma_start3A_1515, %multiple_of3A_1511] : memref<16x1000000xf32, #tpu.memory_space<hbm>> -> memref<16x128xf32, #tpu.memory_space<hbm>>
        %dma_start3A_1517 = arith.constant 0 : i32
        %dma_start3A_1518 = arith.constant 5120 : i32
        %dma_start3A_1519 = tpu.memref_slice %arg6[%dma_start3A_1517, %dma_start3A_1518] : memref<16x6144xf32, #tpu.memory_space<vmem>> -> memref<16x128xf32, #tpu.memory_space<vmem>>
        %dma_start3A_1520 = arith.constant 0 : i32
        %dma_start3A_1521 = tpu.memref_slice %arg3[%dma_start3A_1520, %multiple_of3A_1511] : memref<16x1000000xf32, #tpu.memory_space<hbm>> -> memref<16x128xf32, #tpu.memory_space<hbm>>
        tpu.enqueue_dma source(%dma_start3A_1521 : memref<16x128xf32, #tpu.memory_space<hbm>>) target(%dma_start3A_1519 : memref<16x128xf32, #tpu.memory_space<vmem>>) target_semaphore(%arg10 : memref<!tpu.dma_semaphore, #tpu.memory_space<semaphore_mem>>)
        %slice3A_1522 = vector.extract_strided_slice %get3A_1368 {offsets = [9], sizes = [1], strides = [1]} : vector<16xi32> to vector<1xi32>
        %squeeze3A_1523 = vector.extract %slice3A_1522[0] : i32 from vector<1xi32>
        %shift_right_logical3A_1524 = arith.constant 7 : i32
        %shift_right_logical3A_1525 = arith.shrui %squeeze3A_1523, %shift_right_logical3A_1524 : i32
        %mul3A_1526 = arith.constant 128 : i32
        %mul3A_1527 = arith.muli %shift_right_logical3A_1525, %mul3A_1526 : i32
        %multiple_of3A_1528 = tpu.assume_multiple %mul3A_1527, 128 : i32
        %dma_start3A_1529 = arith.constant 0 : i32
        %dma_start3A_1530 = arith.constant 5248 : i32
        %dma_start3A_1531 = tpu.memref_slice %arg6[%dma_start3A_1529, %dma_start3A_1530] : memref<16x6144xf32, #tpu.memory_space<vmem>> -> memref<16x128xf32, #tpu.memory_space<vmem>>
        %dma_start3A_1532 = arith.constant 0 : i32
        %dma_start3A_1533 = tpu.memref_slice %arg3[%dma_start3A_1532, %multiple_of3A_1528] : memref<16x1000000xf32, #tpu.memory_space<hbm>> -> memref<16x128xf32, #tpu.memory_space<hbm>>
        %dma_start3A_1534 = arith.constant 0 : i32
        %dma_start3A_1535 = arith.constant 5248 : i32
        %dma_start3A_1536 = tpu.memref_slice %arg6[%dma_start3A_1534, %dma_start3A_1535] : memref<16x6144xf32, #tpu.memory_space<vmem>> -> memref<16x128xf32, #tpu.memory_space<vmem>>
        %dma_start3A_1537 = arith.constant 0 : i32
        %dma_start3A_1538 = tpu.memref_slice %arg3[%dma_start3A_1537, %multiple_of3A_1528] : memref<16x1000000xf32, #tpu.memory_space<hbm>> -> memref<16x128xf32, #tpu.memory_space<hbm>>
        tpu.enqueue_dma source(%dma_start3A_1538 : memref<16x128xf32, #tpu.memory_space<hbm>>) target(%dma_start3A_1536 : memref<16x128xf32, #tpu.memory_space<vmem>>) target_semaphore(%arg10 : memref<!tpu.dma_semaphore, #tpu.memory_space<semaphore_mem>>)
        %slice3A_1539 = vector.extract_strided_slice %get3A_1368 {offsets = [10], sizes = [1], strides = [1]} : vector<16xi32> to vector<1xi32>
        %squeeze3A_1540 = vector.extract %slice3A_1539[0] : i32 from vector<1xi32>
        %shift_right_logical3A_1541 = arith.constant 7 : i32
        %shift_right_logical3A_1542 = arith.shrui %squeeze3A_1540, %shift_right_logical3A_1541 : i32
        %mul3A_1543 = arith.constant 128 : i32
        %mul3A_1544 = arith.muli %shift_right_logical3A_1542, %mul3A_1543 : i32
        %multiple_of3A_1545 = tpu.assume_multiple %mul3A_1544, 128 : i32
        %dma_start3A_1546 = arith.constant 0 : i32
        %dma_start3A_1547 = arith.constant 5376 : i32
        %dma_start3A_1548 = tpu.memref_slice %arg6[%dma_start3A_1546, %dma_start3A_1547] : memref<16x6144xf32, #tpu.memory_space<vmem>> -> memref<16x128xf32, #tpu.memory_space<vmem>>
        %dma_start3A_1549 = arith.constant 0 : i32
        %dma_start3A_1550 = tpu.memref_slice %arg3[%dma_start3A_1549, %multiple_of3A_1545] : memref<16x1000000xf32, #tpu.memory_space<hbm>> -> memref<16x128xf32, #tpu.memory_space<hbm>>
        %dma_start3A_1551 = arith.constant 0 : i32
        %dma_start3A_1552 = arith.constant 5376 : i32
        %dma_start3A_1553 = tpu.memref_slice %arg6[%dma_start3A_1551, %dma_start3A_1552] : memref<16x6144xf32, #tpu.memory_space<vmem>> -> memref<16x128xf32, #tpu.memory_space<vmem>>
        %dma_start3A_1554 = arith.constant 0 : i32
        %dma_start3A_1555 = tpu.memref_slice %arg3[%dma_start3A_1554, %multiple_of3A_1545] : memref<16x1000000xf32, #tpu.memory_space<hbm>> -> memref<16x128xf32, #tpu.memory_space<hbm>>
        tpu.enqueue_dma source(%dma_start3A_1555 : memref<16x128xf32, #tpu.memory_space<hbm>>) target(%dma_start3A_1553 : memref<16x128xf32, #tpu.memory_space<vmem>>) target_semaphore(%arg10 : memref<!tpu.dma_semaphore, #tpu.memory_space<semaphore_mem>>)
        %slice3A_1556 = vector.extract_strided_slice %get3A_1368 {offsets = [11], sizes = [1], strides = [1]} : vector<16xi32> to vector<1xi32>
        %squeeze3A_1557 = vector.extract %slice3A_1556[0] : i32 from vector<1xi32>
        %shift_right_logical3A_1558 = arith.constant 7 : i32
        %shift_right_logical3A_1559 = arith.shrui %squeeze3A_1557, %shift_right_logical3A_1558 : i32
        %mul3A_1560 = arith.constant 128 : i32
        %mul3A_1561 = arith.muli %shift_right_logical3A_1559, %mul3A_1560 : i32
        %multiple_of3A_1562 = tpu.assume_multiple %mul3A_1561, 128 : i32
        %dma_start3A_1563 = arith.constant 0 : i32
        %dma_start3A_1564 = arith.constant 5504 : i32
        %dma_start3A_1565 = tpu.memref_slice %arg6[%dma_start3A_1563, %dma_start3A_1564] : memref<16x6144xf32, #tpu.memory_space<vmem>> -> memref<16x128xf32, #tpu.memory_space<vmem>>
        %dma_start3A_1566 = arith.constant 0 : i32
        %dma_start3A_1567 = tpu.memref_slice %arg3[%dma_start3A_1566, %multiple_of3A_1562] : memref<16x1000000xf32, #tpu.memory_space<hbm>> -> memref<16x128xf32, #tpu.memory_space<hbm>>
        %dma_start3A_1568 = arith.constant 0 : i32
        %dma_start3A_1569 = arith.constant 5504 : i32
        %dma_start3A_1570 = tpu.memref_slice %arg6[%dma_start3A_1568, %dma_start3A_1569] : memref<16x6144xf32, #tpu.memory_space<vmem>> -> memref<16x128xf32, #tpu.memory_space<vmem>>
        %dma_start3A_1571 = arith.constant 0 : i32
        %dma_start3A_1572 = tpu.memref_slice %arg3[%dma_start3A_1571, %multiple_of3A_1562] : memref<16x1000000xf32, #tpu.memory_space<hbm>> -> memref<16x128xf32, #tpu.memory_space<hbm>>
        tpu.enqueue_dma source(%dma_start3A_1572 : memref<16x128xf32, #tpu.memory_space<hbm>>) target(%dma_start3A_1570 : memref<16x128xf32, #tpu.memory_space<vmem>>) target_semaphore(%arg10 : memref<!tpu.dma_semaphore, #tpu.memory_space<semaphore_mem>>)
        %slice3A_1573 = vector.extract_strided_slice %get3A_1368 {offsets = [12], sizes = [1], strides = [1]} : vector<16xi32> to vector<1xi32>
        %squeeze3A_1574 = vector.extract %slice3A_1573[0] : i32 from vector<1xi32>
        %shift_right_logical3A_1575 = arith.constant 7 : i32
        %shift_right_logical3A_1576 = arith.shrui %squeeze3A_1574, %shift_right_logical3A_1575 : i32
        %mul3A_1577 = arith.constant 128 : i32
        %mul3A_1578 = arith.muli %shift_right_logical3A_1576, %mul3A_1577 : i32
        %multiple_of3A_1579 = tpu.assume_multiple %mul3A_1578, 128 : i32
        %dma_start3A_1580 = arith.constant 0 : i32
        %dma_start3A_1581 = arith.constant 5632 : i32
        %dma_start3A_1582 = tpu.memref_slice %arg6[%dma_start3A_1580, %dma_start3A_1581] : memref<16x6144xf32, #tpu.memory_space<vmem>> -> memref<16x128xf32, #tpu.memory_space<vmem>>
        %dma_start3A_1583 = arith.constant 0 : i32
        %dma_start3A_1584 = tpu.memref_slice %arg3[%dma_start3A_1583, %multiple_of3A_1579] : memref<16x1000000xf32, #tpu.memory_space<hbm>> -> memref<16x128xf32, #tpu.memory_space<hbm>>
        %dma_start3A_1585 = arith.constant 0 : i32
        %dma_start3A_1586 = arith.constant 5632 : i32
        %dma_start3A_1587 = tpu.memref_slice %arg6[%dma_start3A_1585, %dma_start3A_1586] : memref<16x6144xf32, #tpu.memory_space<vmem>> -> memref<16x128xf32, #tpu.memory_space<vmem>>
        %dma_start3A_1588 = arith.constant 0 : i32
        %dma_start3A_1589 = tpu.memref_slice %arg3[%dma_start3A_1588, %multiple_of3A_1579] : memref<16x1000000xf32, #tpu.memory_space<hbm>> -> memref<16x128xf32, #tpu.memory_space<hbm>>
        tpu.enqueue_dma source(%dma_start3A_1589 : memref<16x128xf32, #tpu.memory_space<hbm>>) target(%dma_start3A_1587 : memref<16x128xf32, #tpu.memory_space<vmem>>) target_semaphore(%arg10 : memref<!tpu.dma_semaphore, #tpu.memory_space<semaphore_mem>>)
        %slice3A_1590 = vector.extract_strided_slice %get3A_1368 {offsets = [13], sizes = [1], strides = [1]} : vector<16xi32> to vector<1xi32>
        %squeeze3A_1591 = vector.extract %slice3A_1590[0] : i32 from vector<1xi32>
        %shift_right_logical3A_1592 = arith.constant 7 : i32
        %shift_right_logical3A_1593 = arith.shrui %squeeze3A_1591, %shift_right_logical3A_1592 : i32
        %mul3A_1594 = arith.constant 128 : i32
        %mul3A_1595 = arith.muli %shift_right_logical3A_1593, %mul3A_1594 : i32
        %multiple_of3A_1596 = tpu.assume_multiple %mul3A_1595, 128 : i32
        %dma_start3A_1597 = arith.constant 0 : i32
        %dma_start3A_1598 = arith.constant 5760 : i32
        %dma_start3A_1599 = tpu.memref_slice %arg6[%dma_start3A_1597, %dma_start3A_1598] : memref<16x6144xf32, #tpu.memory_space<vmem>> -> memref<16x128xf32, #tpu.memory_space<vmem>>
        %dma_start3A_1600 = arith.constant 0 : i32
        %dma_start3A_1601 = tpu.memref_slice %arg3[%dma_start3A_1600, %multiple_of3A_1596] : memref<16x1000000xf32, #tpu.memory_space<hbm>> -> memref<16x128xf32, #tpu.memory_space<hbm>>
        %dma_start3A_1602 = arith.constant 0 : i32
        %dma_start3A_1603 = arith.constant 5760 : i32
        %dma_start3A_1604 = tpu.memref_slice %arg6[%dma_start3A_1602, %dma_start3A_1603] : memref<16x6144xf32, #tpu.memory_space<vmem>> -> memref<16x128xf32, #tpu.memory_space<vmem>>
        %dma_start3A_1605 = arith.constant 0 : i32
        %dma_start3A_1606 = tpu.memref_slice %arg3[%dma_start3A_1605, %multiple_of3A_1596] : memref<16x1000000xf32, #tpu.memory_space<hbm>> -> memref<16x128xf32, #tpu.memory_space<hbm>>
        tpu.enqueue_dma source(%dma_start3A_1606 : memref<16x128xf32, #tpu.memory_space<hbm>>) target(%dma_start3A_1604 : memref<16x128xf32, #tpu.memory_space<vmem>>) target_semaphore(%arg10 : memref<!tpu.dma_semaphore, #tpu.memory_space<semaphore_mem>>)
        %slice3A_1607 = vector.extract_strided_slice %get3A_1368 {offsets = [14], sizes = [1], strides = [1]} : vector<16xi32> to vector<1xi32>
        %squeeze3A_1608 = vector.extract %slice3A_1607[0] : i32 from vector<1xi32>
        %shift_right_logical3A_1609 = arith.constant 7 : i32
        %shift_right_logical3A_1610 = arith.shrui %squeeze3A_1608, %shift_right_logical3A_1609 : i32
        %mul3A_1611 = arith.constant 128 : i32
        %mul3A_1612 = arith.muli %shift_right_logical3A_1610, %mul3A_1611 : i32
        %multiple_of3A_1613 = tpu.assume_multiple %mul3A_1612, 128 : i32
        %dma_start3A_1614 = arith.constant 0 : i32
        %dma_start3A_1615 = arith.constant 5888 : i32
        %dma_start3A_1616 = tpu.memref_slice %arg6[%dma_start3A_1614, %dma_start3A_1615] : memref<16x6144xf32, #tpu.memory_space<vmem>> -> memref<16x128xf32, #tpu.memory_space<vmem>>
        %dma_start3A_1617 = arith.constant 0 : i32
        %dma_start3A_1618 = tpu.memref_slice %arg3[%dma_start3A_1617, %multiple_of3A_1613] : memref<16x1000000xf32, #tpu.memory_space<hbm>> -> memref<16x128xf32, #tpu.memory_space<hbm>>
        %dma_start3A_1619 = arith.constant 0 : i32
        %dma_start3A_1620 = arith.constant 5888 : i32
        %dma_start3A_1621 = tpu.memref_slice %arg6[%dma_start3A_1619, %dma_start3A_1620] : memref<16x6144xf32, #tpu.memory_space<vmem>> -> memref<16x128xf32, #tpu.memory_space<vmem>>
        %dma_start3A_1622 = arith.constant 0 : i32
        %dma_start3A_1623 = tpu.memref_slice %arg3[%dma_start3A_1622, %multiple_of3A_1613] : memref<16x1000000xf32, #tpu.memory_space<hbm>> -> memref<16x128xf32, #tpu.memory_space<hbm>>
        tpu.enqueue_dma source(%dma_start3A_1623 : memref<16x128xf32, #tpu.memory_space<hbm>>) target(%dma_start3A_1621 : memref<16x128xf32, #tpu.memory_space<vmem>>) target_semaphore(%arg10 : memref<!tpu.dma_semaphore, #tpu.memory_space<semaphore_mem>>)
        %slice3A_1624 = vector.extract_strided_slice %get3A_1368 {offsets = [15], sizes = [1], strides = [1]} : vector<16xi32> to vector<1xi32>
        %squeeze3A_1625 = vector.extract %slice3A_1624[0] : i32 from vector<1xi32>
        %shift_right_logical3A_1626 = arith.constant 7 : i32
        %shift_right_logical3A_1627 = arith.shrui %squeeze3A_1625, %shift_right_logical3A_1626 : i32
        %mul3A_1628 = arith.constant 128 : i32
        %mul3A_1629 = arith.muli %shift_right_logical3A_1627, %mul3A_1628 : i32
        %multiple_of3A_1630 = tpu.assume_multiple %mul3A_1629, 128 : i32
        %dma_start3A_1631 = arith.constant 0 : i32
        %dma_start3A_1632 = arith.constant 6016 : i32
        %dma_start3A_1633 = tpu.memref_slice %arg6[%dma_start3A_1631, %dma_start3A_1632] : memref<16x6144xf32, #tpu.memory_space<vmem>> -> memref<16x128xf32, #tpu.memory_space<vmem>>
        %dma_start3A_1634 = arith.constant 0 : i32
        %dma_start3A_1635 = tpu.memref_slice %arg3[%dma_start3A_1634, %multiple_of3A_1630] : memref<16x1000000xf32, #tpu.memory_space<hbm>> -> memref<16x128xf32, #tpu.memory_space<hbm>>
        %dma_start3A_1636 = arith.constant 0 : i32
        %dma_start3A_1637 = arith.constant 6016 : i32
        %dma_start3A_1638 = tpu.memref_slice %arg6[%dma_start3A_1636, %dma_start3A_1637] : memref<16x6144xf32, #tpu.memory_space<vmem>> -> memref<16x128xf32, #tpu.memory_space<vmem>>
        %dma_start3A_1639 = arith.constant 0 : i32
        %dma_start3A_1640 = tpu.memref_slice %arg3[%dma_start3A_1639, %multiple_of3A_1630] : memref<16x1000000xf32, #tpu.memory_space<hbm>> -> memref<16x128xf32, #tpu.memory_space<hbm>>
        tpu.enqueue_dma source(%dma_start3A_1640 : memref<16x128xf32, #tpu.memory_space<hbm>>) target(%dma_start3A_1638 : memref<16x128xf32, #tpu.memory_space<vmem>>) target_semaphore(%arg10 : memref<!tpu.dma_semaphore, #tpu.memory_space<semaphore_mem>>)
      } else {
      }
      %add3A_827 = arith.constant 0 : i32
      %add3A_828 = arith.addi %mul3A_819, %add3A_827 : i32
      %dma_wait3A_829 = arith.constant 0 : i32
      %dma_wait3A_830 = arith.constant 0 : i32
      %dma_wait3A_831 = tpu.memref_slice %arg6[%dma_wait3A_829, %dma_wait3A_830] : memref<16x6144xf32, #tpu.memory_space<vmem>> -> memref<16x2048xf32, #tpu.memory_space<vmem>>
      %dma_wait3A_832 = arith.constant 0 : i32
      %dma_wait3A_833 = arith.constant 0 : i32
      %dma_wait3A_834 = tpu.memref_slice %arg3[%dma_wait3A_832, %dma_wait3A_833] : memref<16x1000000xf32, #tpu.memory_space<hbm>> -> memref<16x2048xf32, #tpu.memory_space<hbm>>
      %dma_wait3A_835 = arith.constant 0 : i32
      %dma_wait3A_836 = arith.constant 0 : i32
      %dma_wait3A_837 = tpu.memref_slice %arg6[%dma_wait3A_835, %dma_wait3A_836] : memref<16x6144xf32, #tpu.memory_space<vmem>> -> memref<16x2048xf32, #tpu.memory_space<vmem>>
      %dma_wait3A_838 = arith.constant 0 : i32
      %dma_wait3A_839 = arith.constant 0 : i32
      %dma_wait3A_840 = tpu.memref_slice %arg3[%dma_wait3A_838, %dma_wait3A_839] : memref<16x1000000xf32, #tpu.memory_space<hbm>> -> memref<16x2048xf32, #tpu.memory_space<hbm>>
      tpu.wait_dma2 semaphore(%arg8 : memref<!tpu.dma_semaphore, #tpu.memory_space<semaphore_mem>>) src(%dma_wait3A_840 : memref<16x2048xf32, #tpu.memory_space<hbm>>) dst(%dma_wait3A_837 : memref<16x2048xf32, #tpu.memory_space<vmem>>)
      %mul3A_841 = arith.constant 16 : i32
      %mul3A_842 = arith.muli %add3A_828, %mul3A_841 : i32
      %get3A_843 = arith.index_cast %mul3A_842 : i32 to index
      %get3A_844 = tpu.vector_load %arg5[%get3A_843] {strides = array<i32>} : memref<512xi32, #tpu.memory_space<vmem>>, vector<16xi32>,
      %add3A_845 = arith.constant 0 : i32
      %add3A_846 = vector.broadcast %add3A_845 : i32 to vector<16xi32>
      %add3A_847 = arith.addi %add3A_846, %iota3A : vector<16xi32>
      %mul3A_848 = arith.constant 128 : i32
      %mul3A_849 = vector.broadcast %mul3A_848 : i32 to vector<16xi32>
      %mul3A_850 = arith.muli %add3A_847, %mul3A_849 : vector<16xi32>
      %and3A_851 = arith.constant 127 : i32
      %and3A_852 = vector.broadcast %and3A_851 : i32 to vector<16xi32>
      %and3A_853 = arith.andi %get3A_844, %and3A_852 : vector<16xi32>
      %add3A_854 = arith.addi %mul3A_850, %and3A_853 : vector<16xi32>
      %broadcast_in_dim3A_855 = arith.constant 0 : i32
      %broadcast_in_dim3A_856 = vector.broadcast %broadcast_in_dim3A_855 : i32 to vector<16xi32>
      %gather3A_857 = tpu.vector_load_idx %arg6[%broadcast_in_dim3A_856, %add3A_854] : memref<16x6144xf32, #tpu.memory_space<vmem>>[vector<16xi32>, vector<16xi32>], vector<16xf32>,
      %mul3A_858 = arith.constant 16 : i32
      %mul3A_859 = arith.muli %add3A_828, %mul3A_858 : i32
      %swap3A_860 = arith.constant 0 : i32
      %swap3A_861 = arith.index_cast %swap3A_860 : i32 to index
      %swap3A_862 = arith.index_cast %mul3A_859 : i32 to index
      %swap3A_863 = tpu.vector_load %arg7[%swap3A_861, %swap3A_862] {strides = array<i32>} : memref<16x512xf32, #tpu.memory_space<vmem>>, vector<16xf32>,
      tpu.vector_store %arg7[%swap3A_861, %swap3A_862], %gather3A_857 {strides = array<i32>} : memref<16x512xf32, #tpu.memory_space<vmem>>, vector<16xf32>,
      %broadcast_in_dim3A_864 = arith.constant 1 : i32
      %broadcast_in_dim3A_865 = vector.broadcast %broadcast_in_dim3A_864 : i32 to vector<16xi32>
      %gather3A_866 = tpu.vector_load_idx %arg6[%broadcast_in_dim3A_865, %add3A_854] : memref<16x6144xf32, #tpu.memory_space<vmem>>[vector<16xi32>, vector<16xi32>], vector<16xf32>,
      %mul3A_867 = arith.constant 16 : i32
      %mul3A_868 = arith.muli %add3A_828, %mul3A_867 : i32
      %swap3A_869 = arith.constant 1 : i32
      %swap3A_870 = arith.index_cast %swap3A_869 : i32 to index
      %swap3A_871 = arith.index_cast %mul3A_868 : i32 to index
      %swap3A_872 = tpu.vector_load %arg7[%swap3A_870, %swap3A_871] {strides = array<i32>} : memref<16x512xf32, #tpu.memory_space<vmem>>, vector<16xf32>,
      tpu.vector_store %arg7[%swap3A_870, %swap3A_871], %gather3A_866 {strides = array<i32>} : memref<16x512xf32, #tpu.memory_space<vmem>>, vector<16xf32>,
      %broadcast_in_dim3A_873 = arith.constant 2 : i32
      %broadcast_in_dim3A_874 = vector.broadcast %broadcast_in_dim3A_873 : i32 to vector<16xi32>
      %gather3A_875 = tpu.vector_load_idx %arg6[%broadcast_in_dim3A_874, %add3A_854] : memref<16x6144xf32, #tpu.memory_space<vmem>>[vector<16xi32>, vector<16xi32>], vector<16xf32>,
      %mul3A_876 = arith.constant 16 : i32
      %mul3A_877 = arith.muli %add3A_828, %mul3A_876 : i32
      %swap3A_878 = arith.constant 2 : i32
      %swap3A_879 = arith.index_cast %swap3A_878 : i32 to index
      %swap3A_880 = arith.index_cast %mul3A_877 : i32 to index
      %swap3A_881 = tpu.vector_load %arg7[%swap3A_879, %swap3A_880] {strides = array<i32>} : memref<16x512xf32, #tpu.memory_space<vmem>>, vector<16xf32>,
      tpu.vector_store %arg7[%swap3A_879, %swap3A_880], %gather3A_875 {strides = array<i32>} : memref<16x512xf32, #tpu.memory_space<vmem>>, vector<16xf32>,
      %broadcast_in_dim3A_882 = arith.constant 3 : i32
      %broadcast_in_dim3A_883 = vector.broadcast %broadcast_in_dim3A_882 : i32 to vector<16xi32>
      %gather3A_884 = tpu.vector_load_idx %arg6[%broadcast_in_dim3A_883, %add3A_854] : memref<16x6144xf32, #tpu.memory_space<vmem>>[vector<16xi32>, vector<16xi32>], vector<16xf32>,
      %mul3A_885 = arith.constant 16 : i32
      %mul3A_886 = arith.muli %add3A_828, %mul3A_885 : i32
      %swap3A_887 = arith.constant 3 : i32
      %swap3A_888 = arith.index_cast %swap3A_887 : i32 to index
      %swap3A_889 = arith.index_cast %mul3A_886 : i32 to index
      %swap3A_890 = tpu.vector_load %arg7[%swap3A_888, %swap3A_889] {strides = array<i32>} : memref<16x512xf32, #tpu.memory_space<vmem>>, vector<16xf32>,
      tpu.vector_store %arg7[%swap3A_888, %swap3A_889], %gather3A_884 {strides = array<i32>} : memref<16x512xf32, #tpu.memory_space<vmem>>, vector<16xf32>,
      %broadcast_in_dim3A_891 = arith.constant 4 : i32
      %broadcast_in_dim3A_892 = vector.broadcast %broadcast_in_dim3A_891 : i32 to vector<16xi32>
      %gather3A_893 = tpu.vector_load_idx %arg6[%broadcast_in_dim3A_892, %add3A_854] : memref<16x6144xf32, #tpu.memory_space<vmem>>[vector<16xi32>, vector<16xi32>], vector<16xf32>,
      %mul3A_894 = arith.constant 16 : i32
      %mul3A_895 = arith.muli %add3A_828, %mul3A_894 : i32
      %swap3A_896 = arith.constant 4 : i32
      %swap3A_897 = arith.index_cast %swap3A_896 : i32 to index
      %swap3A_898 = arith.index_cast %mul3A_895 : i32 to index
      %swap3A_899 = tpu.vector_load %arg7[%swap3A_897, %swap3A_898] {strides = array<i32>} : memref<16x512xf32, #tpu.memory_space<vmem>>, vector<16xf32>,
      tpu.vector_store %arg7[%swap3A_897, %swap3A_898], %gather3A_893 {strides = array<i32>} : memref<16x512xf32, #tpu.memory_space<vmem>>, vector<16xf32>,
      %broadcast_in_dim3A_900 = arith.constant 5 : i32
      %broadcast_in_dim3A_901 = vector.broadcast %broadcast_in_dim3A_900 : i32 to vector<16xi32>
      %gather3A_902 = tpu.vector_load_idx %arg6[%broadcast_in_dim3A_901, %add3A_854] : memref<16x6144xf32, #tpu.memory_space<vmem>>[vector<16xi32>, vector<16xi32>], vector<16xf32>,
      %mul3A_903 = arith.constant 16 : i32
      %mul3A_904 = arith.muli %add3A_828, %mul3A_903 : i32
      %swap3A_905 = arith.constant 5 : i32
      %swap3A_906 = arith.index_cast %swap3A_905 : i32 to index
      %swap3A_907 = arith.index_cast %mul3A_904 : i32 to index
      %swap3A_908 = tpu.vector_load %arg7[%swap3A_906, %swap3A_907] {strides = array<i32>} : memref<16x512xf32, #tpu.memory_space<vmem>>, vector<16xf32>,
      tpu.vector_store %arg7[%swap3A_906, %swap3A_907], %gather3A_902 {strides = array<i32>} : memref<16x512xf32, #tpu.memory_space<vmem>>, vector<16xf32>,
      %broadcast_in_dim3A_909 = arith.constant 6 : i32
      %broadcast_in_dim3A_910 = vector.broadcast %broadcast_in_dim3A_909 : i32 to vector<16xi32>
      %gather3A_911 = tpu.vector_load_idx %arg6[%broadcast_in_dim3A_910, %add3A_854] : memref<16x6144xf32, #tpu.memory_space<vmem>>[vector<16xi32>, vector<16xi32>], vector<16xf32>,
      %mul3A_912 = arith.constant 16 : i32
      %mul3A_913 = arith.muli %add3A_828, %mul3A_912 : i32
      %swap3A_914 = arith.constant 6 : i32
      %swap3A_915 = arith.index_cast %swap3A_914 : i32 to index
      %swap3A_916 = arith.index_cast %mul3A_913 : i32 to index
      %swap3A_917 = tpu.vector_load %arg7[%swap3A_915, %swap3A_916] {strides = array<i32>} : memref<16x512xf32, #tpu.memory_space<vmem>>, vector<16xf32>,
      tpu.vector_store %arg7[%swap3A_915, %swap3A_916], %gather3A_911 {strides = array<i32>} : memref<16x512xf32, #tpu.memory_space<vmem>>, vector<16xf32>,
      %broadcast_in_dim3A_918 = arith.constant 7 : i32
      %broadcast_in_dim3A_919 = vector.broadcast %broadcast_in_dim3A_918 : i32 to vector<16xi32>
      %gather3A_920 = tpu.vector_load_idx %arg6[%broadcast_in_dim3A_919, %add3A_854] : memref<16x6144xf32, #tpu.memory_space<vmem>>[vector<16xi32>, vector<16xi32>], vector<16xf32>,
      %mul3A_921 = arith.constant 16 : i32
      %mul3A_922 = arith.muli %add3A_828, %mul3A_921 : i32
      %swap3A_923 = arith.constant 7 : i32
      %swap3A_924 = arith.index_cast %swap3A_923 : i32 to index
      %swap3A_925 = arith.index_cast %mul3A_922 : i32 to index
      %swap3A_926 = tpu.vector_load %arg7[%swap3A_924, %swap3A_925] {strides = array<i32>} : memref<16x512xf32, #tpu.memory_space<vmem>>, vector<16xf32>,
      tpu.vector_store %arg7[%swap3A_924, %swap3A_925], %gather3A_920 {strides = array<i32>} : memref<16x512xf32, #tpu.memory_space<vmem>>, vector<16xf32>,
      %broadcast_in_dim3A_927 = arith.constant 8 : i32
      %broadcast_in_dim3A_928 = vector.broadcast %broadcast_in_dim3A_927 : i32 to vector<16xi32>
      %gather3A_929 = tpu.vector_load_idx %arg6[%broadcast_in_dim3A_928, %add3A_854] : memref<16x6144xf32, #tpu.memory_space<vmem>>[vector<16xi32>, vector<16xi32>], vector<16xf32>,
      %mul3A_930 = arith.constant 16 : i32
      %mul3A_931 = arith.muli %add3A_828, %mul3A_930 : i32
      %swap3A_932 = arith.constant 8 : i32
      %swap3A_933 = arith.index_cast %swap3A_932 : i32 to index
      %swap3A_934 = arith.index_cast %mul3A_931 : i32 to index
      %swap3A_935 = tpu.vector_load %arg7[%swap3A_933, %swap3A_934] {strides = array<i32>} : memref<16x512xf32, #tpu.memory_space<vmem>>, vector<16xf32>,
      tpu.vector_store %arg7[%swap3A_933, %swap3A_934], %gather3A_929 {strides = array<i32>} : memref<16x512xf32, #tpu.memory_space<vmem>>, vector<16xf32>,
      %broadcast_in_dim3A_936 = arith.constant 9 : i32
      %broadcast_in_dim3A_937 = vector.broadcast %broadcast_in_dim3A_936 : i32 to vector<16xi32>
      %gather3A_938 = tpu.vector_load_idx %arg6[%broadcast_in_dim3A_937, %add3A_854] : memref<16x6144xf32, #tpu.memory_space<vmem>>[vector<16xi32>, vector<16xi32>], vector<16xf32>,
      %mul3A_939 = arith.constant 16 : i32
      %mul3A_940 = arith.muli %add3A_828, %mul3A_939 : i32
      %swap3A_941 = arith.constant 9 : i32
      %swap3A_942 = arith.index_cast %swap3A_941 : i32 to index
      %swap3A_943 = arith.index_cast %mul3A_940 : i32 to index
      %swap3A_944 = tpu.vector_load %arg7[%swap3A_942, %swap3A_943] {strides = array<i32>} : memref<16x512xf32, #tpu.memory_space<vmem>>, vector<16xf32>,
      tpu.vector_store %arg7[%swap3A_942, %swap3A_943], %gather3A_938 {strides = array<i32>} : memref<16x512xf32, #tpu.memory_space<vmem>>, vector<16xf32>,
      %broadcast_in_dim3A_945 = arith.constant 10 : i32
      %broadcast_in_dim3A_946 = vector.broadcast %broadcast_in_dim3A_945 : i32 to vector<16xi32>
      %gather3A_947 = tpu.vector_load_idx %arg6[%broadcast_in_dim3A_946, %add3A_854] : memref<16x6144xf32, #tpu.memory_space<vmem>>[vector<16xi32>, vector<16xi32>], vector<16xf32>,
      %mul3A_948 = arith.constant 16 : i32
      %mul3A_949 = arith.muli %add3A_828, %mul3A_948 : i32
      %swap3A_950 = arith.constant 10 : i32
      %swap3A_951 = arith.index_cast %swap3A_950 : i32 to index
      %swap3A_952 = arith.index_cast %mul3A_949 : i32 to index
      %swap3A_953 = tpu.vector_load %arg7[%swap3A_951, %swap3A_952] {strides = array<i32>} : memref<16x512xf32, #tpu.memory_space<vmem>>, vector<16xf32>,
      tpu.vector_store %arg7[%swap3A_951, %swap3A_952], %gather3A_947 {strides = array<i32>} : memref<16x512xf32, #tpu.memory_space<vmem>>, vector<16xf32>,
      %broadcast_in_dim3A_954 = arith.constant 11 : i32
      %broadcast_in_dim3A_955 = vector.broadcast %broadcast_in_dim3A_954 : i32 to vector<16xi32>
      %gather3A_956 = tpu.vector_load_idx %arg6[%broadcast_in_dim3A_955, %add3A_854] : memref<16x6144xf32, #tpu.memory_space<vmem>>[vector<16xi32>, vector<16xi32>], vector<16xf32>,
      %mul3A_957 = arith.constant 16 : i32
      %mul3A_958 = arith.muli %add3A_828, %mul3A_957 : i32
      %swap3A_959 = arith.constant 11 : i32
      %swap3A_960 = arith.index_cast %swap3A_959 : i32 to index
      %swap3A_961 = arith.index_cast %mul3A_958 : i32 to index
      %swap3A_962 = tpu.vector_load %arg7[%swap3A_960, %swap3A_961] {strides = array<i32>} : memref<16x512xf32, #tpu.memory_space<vmem>>, vector<16xf32>,
      tpu.vector_store %arg7[%swap3A_960, %swap3A_961], %gather3A_956 {strides = array<i32>} : memref<16x512xf32, #tpu.memory_space<vmem>>, vector<16xf32>,
      %broadcast_in_dim3A_963 = arith.constant 12 : i32
      %broadcast_in_dim3A_964 = vector.broadcast %broadcast_in_dim3A_963 : i32 to vector<16xi32>
      %gather3A_965 = tpu.vector_load_idx %arg6[%broadcast_in_dim3A_964, %add3A_854] : memref<16x6144xf32, #tpu.memory_space<vmem>>[vector<16xi32>, vector<16xi32>], vector<16xf32>,
      %mul3A_966 = arith.constant 16 : i32
      %mul3A_967 = arith.muli %add3A_828, %mul3A_966 : i32
      %swap3A_968 = arith.constant 12 : i32
      %swap3A_969 = arith.index_cast %swap3A_968 : i32 to index
      %swap3A_970 = arith.index_cast %mul3A_967 : i32 to index
      %swap3A_971 = tpu.vector_load %arg7[%swap3A_969, %swap3A_970] {strides = array<i32>} : memref<16x512xf32, #tpu.memory_space<vmem>>, vector<16xf32>,
      tpu.vector_store %arg7[%swap3A_969, %swap3A_970], %gather3A_965 {strides = array<i32>} : memref<16x512xf32, #tpu.memory_space<vmem>>, vector<16xf32>,
      %broadcast_in_dim3A_972 = arith.constant 13 : i32
      %broadcast_in_dim3A_973 = vector.broadcast %broadcast_in_dim3A_972 : i32 to vector<16xi32>
      %gather3A_974 = tpu.vector_load_idx %arg6[%broadcast_in_dim3A_973, %add3A_854] : memref<16x6144xf32, #tpu.memory_space<vmem>>[vector<16xi32>, vector<16xi32>], vector<16xf32>,
      %mul3A_975 = arith.constant 16 : i32
      %mul3A_976 = arith.muli %add3A_828, %mul3A_975 : i32
      %swap3A_977 = arith.constant 13 : i32
      %swap3A_978 = arith.index_cast %swap3A_977 : i32 to index
      %swap3A_979 = arith.index_cast %mul3A_976 : i32 to index
      %swap3A_980 = tpu.vector_load %arg7[%swap3A_978, %swap3A_979] {strides = array<i32>} : memref<16x512xf32, #tpu.memory_space<vmem>>, vector<16xf32>,
      tpu.vector_store %arg7[%swap3A_978, %swap3A_979], %gather3A_974 {strides = array<i32>} : memref<16x512xf32, #tpu.memory_space<vmem>>, vector<16xf32>,
      %broadcast_in_dim3A_981 = arith.constant 14 : i32
      %broadcast_in_dim3A_982 = vector.broadcast %broadcast_in_dim3A_981 : i32 to vector<16xi32>
      %gather3A_983 = tpu.vector_load_idx %arg6[%broadcast_in_dim3A_982, %add3A_854] : memref<16x6144xf32, #tpu.memory_space<vmem>>[vector<16xi32>, vector<16xi32>], vector<16xf32>,
      %mul3A_984 = arith.constant 16 : i32
      %mul3A_985 = arith.muli %add3A_828, %mul3A_984 : i32
      %swap3A_986 = arith.constant 14 : i32
      %swap3A_987 = arith.index_cast %swap3A_986 : i32 to index
      %swap3A_988 = arith.index_cast %mul3A_985 : i32 to index
      %swap3A_989 = tpu.vector_load %arg7[%swap3A_987, %swap3A_988] {strides = array<i32>} : memref<16x512xf32, #tpu.memory_space<vmem>>, vector<16xf32>,
      tpu.vector_store %arg7[%swap3A_987, %swap3A_988], %gather3A_983 {strides = array<i32>} : memref<16x512xf32, #tpu.memory_space<vmem>>, vector<16xf32>,
      %broadcast_in_dim3A_990 = arith.constant 15 : i32
      %broadcast_in_dim3A_991 = vector.broadcast %broadcast_in_dim3A_990 : i32 to vector<16xi32>
      %gather3A_992 = tpu.vector_load_idx %arg6[%broadcast_in_dim3A_991, %add3A_854] : memref<16x6144xf32, #tpu.memory_space<vmem>>[vector<16xi32>, vector<16xi32>], vector<16xf32>,
      %mul3A_993 = arith.constant 16 : i32
      %mul3A_994 = arith.muli %add3A_828, %mul3A_993 : i32
      %swap3A_995 = arith.constant 15 : i32
      %swap3A_996 = arith.index_cast %swap3A_995 : i32 to index
      %swap3A_997 = arith.index_cast %mul3A_994 : i32 to index
      %swap3A_998 = tpu.vector_load %arg7[%swap3A_996, %swap3A_997] {strides = array<i32>} : memref<16x512xf32, #tpu.memory_space<vmem>>, vector<16xf32>,
      tpu.vector_store %arg7[%swap3A_996, %swap3A_997], %gather3A_992 {strides = array<i32>} : memref<16x512xf32, #tpu.memory_space<vmem>>, vector<16xf32>,
      %add3A_999 = arith.constant 1 : i32
      %add3A_1000 = arith.addi %mul3A_819, %add3A_999 : i32
      %add3A_1001 = arith.constant 3 : i32
      %add3A_1002 = arith.addi %add3A_1000, %add3A_1001 : i32
      %sub3A_1003 = arith.constant 1 : i32
      %sub3A_1004 = arith.subi %add3A_1002, %sub3A_1003 : i32
      %lt3A_1005 = arith.constant 32 : i32
      %lt3A_1006 = arith.cmpi slt, %sub3A_1004, %lt3A_1005 : i32
      %convert_element_type3A_1007 = arith.extui %lt3A_1006 : i1 to i32
      %cond3A_1008 = arith.constant 0 : i32
      %cond3A_1009 = arith.cmpi ne, %convert_element_type3A_1007, %cond3A_1008 : i32
      scf.if %cond3A_1009 {
        %mul3A_1365 = arith.constant 16 : i32
        %mul3A_1366 = arith.muli %sub3A_1004, %mul3A_1365 : i32
        %get3A_1367 = arith.index_cast %mul3A_1366 : i32 to index
        %get3A_1368 = tpu.vector_load %arg5[%get3A_1367] {strides = array<i32>} : memref<512xi32, #tpu.memory_space<vmem>>, vector<16xi32>,
        %slice3A_1369 = vector.extract_strided_slice %get3A_1368 {offsets = [0], sizes = [1], strides = [1]} : vector<16xi32> to vector<1xi32>
        %squeeze3A_1370 = vector.extract %slice3A_1369[0] : i32 from vector<1xi32>
        %shift_right_logical3A_1371 = arith.constant 7 : i32
        %shift_right_logical3A_1372 = arith.shrui %squeeze3A_1370, %shift_right_logical3A_1371 : i32
        %mul3A_1373 = arith.constant 128 : i32
        %mul3A_1374 = arith.muli %shift_right_logical3A_1372, %mul3A_1373 : i32
        %multiple_of3A_1375 = tpu.assume_multiple %mul3A_1374, 128 : i32
        %dma_start3A_1376 = arith.constant 0 : i32
        %dma_start3A_1377 = arith.constant 0 : i32
        %dma_start3A_1378 = tpu.memref_slice %arg6[%dma_start3A_1376, %dma_start3A_1377] : memref<16x6144xf32, #tpu.memory_space<vmem>> -> memref<16x128xf32, #tpu.memory_space<vmem>>
        %dma_start3A_1379 = arith.constant 0 : i32
        %dma_start3A_1380 = tpu.memref_slice %arg3[%dma_start3A_1379, %multiple_of3A_1375] : memref<16x1000000xf32, #tpu.memory_space<hbm>> -> memref<16x128xf32, #tpu.memory_space<hbm>>
        %dma_start3A_1381 = arith.constant 0 : i32
        %dma_start3A_1382 = arith.constant 0 : i32
        %dma_start3A_1383 = tpu.memref_slice %arg6[%dma_start3A_1381, %dma_start3A_1382] : memref<16x6144xf32, #tpu.memory_space<vmem>> -> memref<16x128xf32, #tpu.memory_space<vmem>>
        %dma_start3A_1384 = arith.constant 0 : i32
        %dma_start3A_1385 = tpu.memref_slice %arg3[%dma_start3A_1384, %multiple_of3A_1375] : memref<16x1000000xf32, #tpu.memory_space<hbm>> -> memref<16x128xf32, #tpu.memory_space<hbm>>
        tpu.enqueue_dma source(%dma_start3A_1385 : memref<16x128xf32, #tpu.memory_space<hbm>>) target(%dma_start3A_1383 : memref<16x128xf32, #tpu.memory_space<vmem>>) target_semaphore(%arg8 : memref<!tpu.dma_semaphore, #tpu.memory_space<semaphore_mem>>)
        %slice3A_1386 = vector.extract_strided_slice %get3A_1368 {offsets = [1], sizes = [1], strides = [1]} : vector<16xi32> to vector<1xi32>
        %squeeze3A_1387 = vector.extract %slice3A_1386[0] : i32 from vector<1xi32>
        %shift_right_logical3A_1388 = arith.constant 7 : i32
        %shift_right_logical3A_1389 = arith.shrui %squeeze3A_1387, %shift_right_logical3A_1388 : i32
        %mul3A_1390 = arith.constant 128 : i32
        %mul3A_1391 = arith.muli %shift_right_logical3A_1389, %mul3A_1390 : i32
        %multiple_of3A_1392 = tpu.assume_multiple %mul3A_1391, 128 : i32
        %dma_start3A_1393 = arith.constant 0 : i32
        %dma_start3A_1394 = arith.constant 128 : i32
        %dma_start3A_1395 = tpu.memref_slice %arg6[%dma_start3A_1393, %dma_start3A_1394] : memref<16x6144xf32, #tpu.memory_space<vmem>> -> memref<16x128xf32, #tpu.memory_space<vmem>>
        %dma_start3A_1396 = arith.constant 0 : i32
        %dma_start3A_1397 = tpu.memref_slice %arg3[%dma_start3A_1396, %multiple_of3A_1392] : memref<16x1000000xf32, #tpu.memory_space<hbm>> -> memref<16x128xf32, #tpu.memory_space<hbm>>
        %dma_start3A_1398 = arith.constant 0 : i32
        %dma_start3A_1399 = arith.constant 128 : i32
        %dma_start3A_1400 = tpu.memref_slice %arg6[%dma_start3A_1398, %dma_start3A_1399] : memref<16x6144xf32, #tpu.memory_space<vmem>> -> memref<16x128xf32, #tpu.memory_space<vmem>>
        %dma_start3A_1401 = arith.constant 0 : i32
        %dma_start3A_1402 = tpu.memref_slice %arg3[%dma_start3A_1401, %multiple_of3A_1392] : memref<16x1000000xf32, #tpu.memory_space<hbm>> -> memref<16x128xf32, #tpu.memory_space<hbm>>
        tpu.enqueue_dma source(%dma_start3A_1402 : memref<16x128xf32, #tpu.memory_space<hbm>>) target(%dma_start3A_1400 : memref<16x128xf32, #tpu.memory_space<vmem>>) target_semaphore(%arg8 : memref<!tpu.dma_semaphore, #tpu.memory_space<semaphore_mem>>)
        %slice3A_1403 = vector.extract_strided_slice %get3A_1368 {offsets = [2], sizes = [1], strides = [1]} : vector<16xi32> to vector<1xi32>
        %squeeze3A_1404 = vector.extract %slice3A_1403[0] : i32 from vector<1xi32>
        %shift_right_logical3A_1405 = arith.constant 7 : i32
        %shift_right_logical3A_1406 = arith.shrui %squeeze3A_1404, %shift_right_logical3A_1405 : i32
        %mul3A_1407 = arith.constant 128 : i32
        %mul3A_1408 = arith.muli %shift_right_logical3A_1406, %mul3A_1407 : i32
        %multiple_of3A_1409 = tpu.assume_multiple %mul3A_1408, 128 : i32
        %dma_start3A_1410 = arith.constant 0 : i32
        %dma_start3A_1411 = arith.constant 256 : i32
        %dma_start3A_1412 = tpu.memref_slice %arg6[%dma_start3A_1410, %dma_start3A_1411] : memref<16x6144xf32, #tpu.memory_space<vmem>> -> memref<16x128xf32, #tpu.memory_space<vmem>>
        %dma_start3A_1413 = arith.constant 0 : i32
        %dma_start3A_1414 = tpu.memref_slice %arg3[%dma_start3A_1413, %multiple_of3A_1409] : memref<16x1000000xf32, #tpu.memory_space<hbm>> -> memref<16x128xf32, #tpu.memory_space<hbm>>
        %dma_start3A_1415 = arith.constant 0 : i32
        %dma_start3A_1416 = arith.constant 256 : i32
        %dma_start3A_1417 = tpu.memref_slice %arg6[%dma_start3A_1415, %dma_start3A_1416] : memref<16x6144xf32, #tpu.memory_space<vmem>> -> memref<16x128xf32, #tpu.memory_space<vmem>>
        %dma_start3A_1418 = arith.constant 0 : i32
        %dma_start3A_1419 = tpu.memref_slice %arg3[%dma_start3A_1418, %multiple_of3A_1409] : memref<16x1000000xf32, #tpu.memory_space<hbm>> -> memref<16x128xf32, #tpu.memory_space<hbm>>
        tpu.enqueue_dma source(%dma_start3A_1419 : memref<16x128xf32, #tpu.memory_space<hbm>>) target(%dma_start3A_1417 : memref<16x128xf32, #tpu.memory_space<vmem>>) target_semaphore(%arg8 : memref<!tpu.dma_semaphore, #tpu.memory_space<semaphore_mem>>)
        %slice3A_1420 = vector.extract_strided_slice %get3A_1368 {offsets = [3], sizes = [1], strides = [1]} : vector<16xi32> to vector<1xi32>
        %squeeze3A_1421 = vector.extract %slice3A_1420[0] : i32 from vector<1xi32>
        %shift_right_logical3A_1422 = arith.constant 7 : i32
        %shift_right_logical3A_1423 = arith.shrui %squeeze3A_1421, %shift_right_logical3A_1422 : i32
        %mul3A_1424 = arith.constant 128 : i32
        %mul3A_1425 = arith.muli %shift_right_logical3A_1423, %mul3A_1424 : i32
        %multiple_of3A_1426 = tpu.assume_multiple %mul3A_1425, 128 : i32
        %dma_start3A_1427 = arith.constant 0 : i32
        %dma_start3A_1428 = arith.constant 384 : i32
        %dma_start3A_1429 = tpu.memref_slice %arg6[%dma_start3A_1427, %dma_start3A_1428] : memref<16x6144xf32, #tpu.memory_space<vmem>> -> memref<16x128xf32, #tpu.memory_space<vmem>>
        %dma_start3A_1430 = arith.constant 0 : i32
        %dma_start3A_1431 = tpu.memref_slice %arg3[%dma_start3A_1430, %multiple_of3A_1426] : memref<16x1000000xf32, #tpu.memory_space<hbm>> -> memref<16x128xf32, #tpu.memory_space<hbm>>
        %dma_start3A_1432 = arith.constant 0 : i32
        %dma_start3A_1433 = arith.constant 384 : i32
        %dma_start3A_1434 = tpu.memref_slice %arg6[%dma_start3A_1432, %dma_start3A_1433] : memref<16x6144xf32, #tpu.memory_space<vmem>> -> memref<16x128xf32, #tpu.memory_space<vmem>>
        %dma_start3A_1435 = arith.constant 0 : i32
        %dma_start3A_1436 = tpu.memref_slice %arg3[%dma_start3A_1435, %multiple_of3A_1426] : memref<16x1000000xf32, #tpu.memory_space<hbm>> -> memref<16x128xf32, #tpu.memory_space<hbm>>
        tpu.enqueue_dma source(%dma_start3A_1436 : memref<16x128xf32, #tpu.memory_space<hbm>>) target(%dma_start3A_1434 : memref<16x128xf32, #tpu.memory_space<vmem>>) target_semaphore(%arg8 : memref<!tpu.dma_semaphore, #tpu.memory_space<semaphore_mem>>)
        %slice3A_1437 = vector.extract_strided_slice %get3A_1368 {offsets = [4], sizes = [1], strides = [1]} : vector<16xi32> to vector<1xi32>
        %squeeze3A_1438 = vector.extract %slice3A_1437[0] : i32 from vector<1xi32>
        %shift_right_logical3A_1439 = arith.constant 7 : i32
        %shift_right_logical3A_1440 = arith.shrui %squeeze3A_1438, %shift_right_logical3A_1439 : i32
        %mul3A_1441 = arith.constant 128 : i32
        %mul3A_1442 = arith.muli %shift_right_logical3A_1440, %mul3A_1441 : i32
        %multiple_of3A_1443 = tpu.assume_multiple %mul3A_1442, 128 : i32
        %dma_start3A_1444 = arith.constant 0 : i32
        %dma_start3A_1445 = arith.constant 512 : i32
        %dma_start3A_1446 = tpu.memref_slice %arg6[%dma_start3A_1444, %dma_start3A_1445] : memref<16x6144xf32, #tpu.memory_space<vmem>> -> memref<16x128xf32, #tpu.memory_space<vmem>>
        %dma_start3A_1447 = arith.constant 0 : i32
        %dma_start3A_1448 = tpu.memref_slice %arg3[%dma_start3A_1447, %multiple_of3A_1443] : memref<16x1000000xf32, #tpu.memory_space<hbm>> -> memref<16x128xf32, #tpu.memory_space<hbm>>
        %dma_start3A_1449 = arith.constant 0 : i32
        %dma_start3A_1450 = arith.constant 512 : i32
        %dma_start3A_1451 = tpu.memref_slice %arg6[%dma_start3A_1449, %dma_start3A_1450] : memref<16x6144xf32, #tpu.memory_space<vmem>> -> memref<16x128xf32, #tpu.memory_space<vmem>>
        %dma_start3A_1452 = arith.constant 0 : i32
        %dma_start3A_1453 = tpu.memref_slice %arg3[%dma_start3A_1452, %multiple_of3A_1443] : memref<16x1000000xf32, #tpu.memory_space<hbm>> -> memref<16x128xf32, #tpu.memory_space<hbm>>
        tpu.enqueue_dma source(%dma_start3A_1453 : memref<16x128xf32, #tpu.memory_space<hbm>>) target(%dma_start3A_1451 : memref<16x128xf32, #tpu.memory_space<vmem>>) target_semaphore(%arg8 : memref<!tpu.dma_semaphore, #tpu.memory_space<semaphore_mem>>)
        %slice3A_1454 = vector.extract_strided_slice %get3A_1368 {offsets = [5], sizes = [1], strides = [1]} : vector<16xi32> to vector<1xi32>
        %squeeze3A_1455 = vector.extract %slice3A_1454[0] : i32 from vector<1xi32>
        %shift_right_logical3A_1456 = arith.constant 7 : i32
        %shift_right_logical3A_1457 = arith.shrui %squeeze3A_1455, %shift_right_logical3A_1456 : i32
        %mul3A_1458 = arith.constant 128 : i32
        %mul3A_1459 = arith.muli %shift_right_logical3A_1457, %mul3A_1458 : i32
        %multiple_of3A_1460 = tpu.assume_multiple %mul3A_1459, 128 : i32
        %dma_start3A_1461 = arith.constant 0 : i32
        %dma_start3A_1462 = arith.constant 640 : i32
        %dma_start3A_1463 = tpu.memref_slice %arg6[%dma_start3A_1461, %dma_start3A_1462] : memref<16x6144xf32, #tpu.memory_space<vmem>> -> memref<16x128xf32, #tpu.memory_space<vmem>>
        %dma_start3A_1464 = arith.constant 0 : i32
        %dma_start3A_1465 = tpu.memref_slice %arg3[%dma_start3A_1464, %multiple_of3A_1460] : memref<16x1000000xf32, #tpu.memory_space<hbm>> -> memref<16x128xf32, #tpu.memory_space<hbm>>
        %dma_start3A_1466 = arith.constant 0 : i32
        %dma_start3A_1467 = arith.constant 640 : i32
        %dma_start3A_1468 = tpu.memref_slice %arg6[%dma_start3A_1466, %dma_start3A_1467] : memref<16x6144xf32, #tpu.memory_space<vmem>> -> memref<16x128xf32, #tpu.memory_space<vmem>>
        %dma_start3A_1469 = arith.constant 0 : i32
        %dma_start3A_1470 = tpu.memref_slice %arg3[%dma_start3A_1469, %multiple_of3A_1460] : memref<16x1000000xf32, #tpu.memory_space<hbm>> -> memref<16x128xf32, #tpu.memory_space<hbm>>
        tpu.enqueue_dma source(%dma_start3A_1470 : memref<16x128xf32, #tpu.memory_space<hbm>>) target(%dma_start3A_1468 : memref<16x128xf32, #tpu.memory_space<vmem>>) target_semaphore(%arg8 : memref<!tpu.dma_semaphore, #tpu.memory_space<semaphore_mem>>)
        %slice3A_1471 = vector.extract_strided_slice %get3A_1368 {offsets = [6], sizes = [1], strides = [1]} : vector<16xi32> to vector<1xi32>
        %squeeze3A_1472 = vector.extract %slice3A_1471[0] : i32 from vector<1xi32>
        %shift_right_logical3A_1473 = arith.constant 7 : i32
        %shift_right_logical3A_1474 = arith.shrui %squeeze3A_1472, %shift_right_logical3A_1473 : i32
        %mul3A_1475 = arith.constant 128 : i32
        %mul3A_1476 = arith.muli %shift_right_logical3A_1474, %mul3A_1475 : i32
        %multiple_of3A_1477 = tpu.assume_multiple %mul3A_1476, 128 : i32
        %dma_start3A_1478 = arith.constant 0 : i32
        %dma_start3A_1479 = arith.constant 768 : i32
        %dma_start3A_1480 = tpu.memref_slice %arg6[%dma_start3A_1478, %dma_start3A_1479] : memref<16x6144xf32, #tpu.memory_space<vmem>> -> memref<16x128xf32, #tpu.memory_space<vmem>>
        %dma_start3A_1481 = arith.constant 0 : i32
        %dma_start3A_1482 = tpu.memref_slice %arg3[%dma_start3A_1481, %multiple_of3A_1477] : memref<16x1000000xf32, #tpu.memory_space<hbm>> -> memref<16x128xf32, #tpu.memory_space<hbm>>
        %dma_start3A_1483 = arith.constant 0 : i32
        %dma_start3A_1484 = arith.constant 768 : i32
        %dma_start3A_1485 = tpu.memref_slice %arg6[%dma_start3A_1483, %dma_start3A_1484] : memref<16x6144xf32, #tpu.memory_space<vmem>> -> memref<16x128xf32, #tpu.memory_space<vmem>>
        %dma_start3A_1486 = arith.constant 0 : i32
        %dma_start3A_1487 = tpu.memref_slice %arg3[%dma_start3A_1486, %multiple_of3A_1477] : memref<16x1000000xf32, #tpu.memory_space<hbm>> -> memref<16x128xf32, #tpu.memory_space<hbm>>
        tpu.enqueue_dma source(%dma_start3A_1487 : memref<16x128xf32, #tpu.memory_space<hbm>>) target(%dma_start3A_1485 : memref<16x128xf32, #tpu.memory_space<vmem>>) target_semaphore(%arg8 : memref<!tpu.dma_semaphore, #tpu.memory_space<semaphore_mem>>)
        %slice3A_1488 = vector.extract_strided_slice %get3A_1368 {offsets = [7], sizes = [1], strides = [1]} : vector<16xi32> to vector<1xi32>
        %squeeze3A_1489 = vector.extract %slice3A_1488[0] : i32 from vector<1xi32>
        %shift_right_logical3A_1490 = arith.constant 7 : i32
        %shift_right_logical3A_1491 = arith.shrui %squeeze3A_1489, %shift_right_logical3A_1490 : i32
        %mul3A_1492 = arith.constant 128 : i32
        %mul3A_1493 = arith.muli %shift_right_logical3A_1491, %mul3A_1492 : i32
        %multiple_of3A_1494 = tpu.assume_multiple %mul3A_1493, 128 : i32
        %dma_start3A_1495 = arith.constant 0 : i32
        %dma_start3A_1496 = arith.constant 896 : i32
        %dma_start3A_1497 = tpu.memref_slice %arg6[%dma_start3A_1495, %dma_start3A_1496] : memref<16x6144xf32, #tpu.memory_space<vmem>> -> memref<16x128xf32, #tpu.memory_space<vmem>>
        %dma_start3A_1498 = arith.constant 0 : i32
        %dma_start3A_1499 = tpu.memref_slice %arg3[%dma_start3A_1498, %multiple_of3A_1494] : memref<16x1000000xf32, #tpu.memory_space<hbm>> -> memref<16x128xf32, #tpu.memory_space<hbm>>
        %dma_start3A_1500 = arith.constant 0 : i32
        %dma_start3A_1501 = arith.constant 896 : i32
        %dma_start3A_1502 = tpu.memref_slice %arg6[%dma_start3A_1500, %dma_start3A_1501] : memref<16x6144xf32, #tpu.memory_space<vmem>> -> memref<16x128xf32, #tpu.memory_space<vmem>>
        %dma_start3A_1503 = arith.constant 0 : i32
        %dma_start3A_1504 = tpu.memref_slice %arg3[%dma_start3A_1503, %multiple_of3A_1494] : memref<16x1000000xf32, #tpu.memory_space<hbm>> -> memref<16x128xf32, #tpu.memory_space<hbm>>
        tpu.enqueue_dma source(%dma_start3A_1504 : memref<16x128xf32, #tpu.memory_space<hbm>>) target(%dma_start3A_1502 : memref<16x128xf32, #tpu.memory_space<vmem>>) target_semaphore(%arg8 : memref<!tpu.dma_semaphore, #tpu.memory_space<semaphore_mem>>)
        %slice3A_1505 = vector.extract_strided_slice %get3A_1368 {offsets = [8], sizes = [1], strides = [1]} : vector<16xi32> to vector<1xi32>
        %squeeze3A_1506 = vector.extract %slice3A_1505[0] : i32 from vector<1xi32>
        %shift_right_logical3A_1507 = arith.constant 7 : i32
        %shift_right_logical3A_1508 = arith.shrui %squeeze3A_1506, %shift_right_logical3A_1507 : i32
        %mul3A_1509 = arith.constant 128 : i32
        %mul3A_1510 = arith.muli %shift_right_logical3A_1508, %mul3A_1509 : i32
        %multiple_of3A_1511 = tpu.assume_multiple %mul3A_1510, 128 : i32
        %dma_start3A_1512 = arith.constant 0 : i32
        %dma_start3A_1513 = arith.constant 1024 : i32
        %dma_start3A_1514 = tpu.memref_slice %arg6[%dma_start3A_1512, %dma_start3A_1513] : memref<16x6144xf32, #tpu.memory_space<vmem>> -> memref<16x128xf32, #tpu.memory_space<vmem>>
        %dma_start3A_1515 = arith.constant 0 : i32
        %dma_start3A_1516 = tpu.memref_slice %arg3[%dma_start3A_1515, %multiple_of3A_1511] : memref<16x1000000xf32, #tpu.memory_space<hbm>> -> memref<16x128xf32, #tpu.memory_space<hbm>>
        %dma_start3A_1517 = arith.constant 0 : i32
        %dma_start3A_1518 = arith.constant 1024 : i32
        %dma_start3A_1519 = tpu.memref_slice %arg6[%dma_start3A_1517, %dma_start3A_1518] : memref<16x6144xf32, #tpu.memory_space<vmem>> -> memref<16x128xf32, #tpu.memory_space<vmem>>
        %dma_start3A_1520 = arith.constant 0 : i32
        %dma_start3A_1521 = tpu.memref_slice %arg3[%dma_start3A_1520, %multiple_of3A_1511] : memref<16x1000000xf32, #tpu.memory_space<hbm>> -> memref<16x128xf32, #tpu.memory_space<hbm>>
        tpu.enqueue_dma source(%dma_start3A_1521 : memref<16x128xf32, #tpu.memory_space<hbm>>) target(%dma_start3A_1519 : memref<16x128xf32, #tpu.memory_space<vmem>>) target_semaphore(%arg8 : memref<!tpu.dma_semaphore, #tpu.memory_space<semaphore_mem>>)
        %slice3A_1522 = vector.extract_strided_slice %get3A_1368 {offsets = [9], sizes = [1], strides = [1]} : vector<16xi32> to vector<1xi32>
        %squeeze3A_1523 = vector.extract %slice3A_1522[0] : i32 from vector<1xi32>
        %shift_right_logical3A_1524 = arith.constant 7 : i32
        %shift_right_logical3A_1525 = arith.shrui %squeeze3A_1523, %shift_right_logical3A_1524 : i32
        %mul3A_1526 = arith.constant 128 : i32
        %mul3A_1527 = arith.muli %shift_right_logical3A_1525, %mul3A_1526 : i32
        %multiple_of3A_1528 = tpu.assume_multiple %mul3A_1527, 128 : i32
        %dma_start3A_1529 = arith.constant 0 : i32
        %dma_start3A_1530 = arith.constant 1152 : i32
        %dma_start3A_1531 = tpu.memref_slice %arg6[%dma_start3A_1529, %dma_start3A_1530] : memref<16x6144xf32, #tpu.memory_space<vmem>> -> memref<16x128xf32, #tpu.memory_space<vmem>>
        %dma_start3A_1532 = arith.constant 0 : i32
        %dma_start3A_1533 = tpu.memref_slice %arg3[%dma_start3A_1532, %multiple_of3A_1528] : memref<16x1000000xf32, #tpu.memory_space<hbm>> -> memref<16x128xf32, #tpu.memory_space<hbm>>
        %dma_start3A_1534 = arith.constant 0 : i32
        %dma_start3A_1535 = arith.constant 1152 : i32
        %dma_start3A_1536 = tpu.memref_slice %arg6[%dma_start3A_1534, %dma_start3A_1535] : memref<16x6144xf32, #tpu.memory_space<vmem>> -> memref<16x128xf32, #tpu.memory_space<vmem>>
        %dma_start3A_1537 = arith.constant 0 : i32
        %dma_start3A_1538 = tpu.memref_slice %arg3[%dma_start3A_1537, %multiple_of3A_1528] : memref<16x1000000xf32, #tpu.memory_space<hbm>> -> memref<16x128xf32, #tpu.memory_space<hbm>>
        tpu.enqueue_dma source(%dma_start3A_1538 : memref<16x128xf32, #tpu.memory_space<hbm>>) target(%dma_start3A_1536 : memref<16x128xf32, #tpu.memory_space<vmem>>) target_semaphore(%arg8 : memref<!tpu.dma_semaphore, #tpu.memory_space<semaphore_mem>>)
        %slice3A_1539 = vector.extract_strided_slice %get3A_1368 {offsets = [10], sizes = [1], strides = [1]} : vector<16xi32> to vector<1xi32>
        %squeeze3A_1540 = vector.extract %slice3A_1539[0] : i32 from vector<1xi32>
        %shift_right_logical3A_1541 = arith.constant 7 : i32
        %shift_right_logical3A_1542 = arith.shrui %squeeze3A_1540, %shift_right_logical3A_1541 : i32
        %mul3A_1543 = arith.constant 128 : i32
        %mul3A_1544 = arith.muli %shift_right_logical3A_1542, %mul3A_1543 : i32
        %multiple_of3A_1545 = tpu.assume_multiple %mul3A_1544, 128 : i32
        %dma_start3A_1546 = arith.constant 0 : i32
        %dma_start3A_1547 = arith.constant 1280 : i32
        %dma_start3A_1548 = tpu.memref_slice %arg6[%dma_start3A_1546, %dma_start3A_1547] : memref<16x6144xf32, #tpu.memory_space<vmem>> -> memref<16x128xf32, #tpu.memory_space<vmem>>
        %dma_start3A_1549 = arith.constant 0 : i32
        %dma_start3A_1550 = tpu.memref_slice %arg3[%dma_start3A_1549, %multiple_of3A_1545] : memref<16x1000000xf32, #tpu.memory_space<hbm>> -> memref<16x128xf32, #tpu.memory_space<hbm>>
        %dma_start3A_1551 = arith.constant 0 : i32
        %dma_start3A_1552 = arith.constant 1280 : i32
        %dma_start3A_1553 = tpu.memref_slice %arg6[%dma_start3A_1551, %dma_start3A_1552] : memref<16x6144xf32, #tpu.memory_space<vmem>> -> memref<16x128xf32, #tpu.memory_space<vmem>>
        %dma_start3A_1554 = arith.constant 0 : i32
        %dma_start3A_1555 = tpu.memref_slice %arg3[%dma_start3A_1554, %multiple_of3A_1545] : memref<16x1000000xf32, #tpu.memory_space<hbm>> -> memref<16x128xf32, #tpu.memory_space<hbm>>
        tpu.enqueue_dma source(%dma_start3A_1555 : memref<16x128xf32, #tpu.memory_space<hbm>>) target(%dma_start3A_1553 : memref<16x128xf32, #tpu.memory_space<vmem>>) target_semaphore(%arg8 : memref<!tpu.dma_semaphore, #tpu.memory_space<semaphore_mem>>)
        %slice3A_1556 = vector.extract_strided_slice %get3A_1368 {offsets = [11], sizes = [1], strides = [1]} : vector<16xi32> to vector<1xi32>
        %squeeze3A_1557 = vector.extract %slice3A_1556[0] : i32 from vector<1xi32>
        %shift_right_logical3A_1558 = arith.constant 7 : i32
        %shift_right_logical3A_1559 = arith.shrui %squeeze3A_1557, %shift_right_logical3A_1558 : i32
        %mul3A_1560 = arith.constant 128 : i32
        %mul3A_1561 = arith.muli %shift_right_logical3A_1559, %mul3A_1560 : i32
        %multiple_of3A_1562 = tpu.assume_multiple %mul3A_1561, 128 : i32
        %dma_start3A_1563 = arith.constant 0 : i32
        %dma_start3A_1564 = arith.constant 1408 : i32
        %dma_start3A_1565 = tpu.memref_slice %arg6[%dma_start3A_1563, %dma_start3A_1564] : memref<16x6144xf32, #tpu.memory_space<vmem>> -> memref<16x128xf32, #tpu.memory_space<vmem>>
        %dma_start3A_1566 = arith.constant 0 : i32
        %dma_start3A_1567 = tpu.memref_slice %arg3[%dma_start3A_1566, %multiple_of3A_1562] : memref<16x1000000xf32, #tpu.memory_space<hbm>> -> memref<16x128xf32, #tpu.memory_space<hbm>>
        %dma_start3A_1568 = arith.constant 0 : i32
        %dma_start3A_1569 = arith.constant 1408 : i32
        %dma_start3A_1570 = tpu.memref_slice %arg6[%dma_start3A_1568, %dma_start3A_1569] : memref<16x6144xf32, #tpu.memory_space<vmem>> -> memref<16x128xf32, #tpu.memory_space<vmem>>
        %dma_start3A_1571 = arith.constant 0 : i32
        %dma_start3A_1572 = tpu.memref_slice %arg3[%dma_start3A_1571, %multiple_of3A_1562] : memref<16x1000000xf32, #tpu.memory_space<hbm>> -> memref<16x128xf32, #tpu.memory_space<hbm>>
        tpu.enqueue_dma source(%dma_start3A_1572 : memref<16x128xf32, #tpu.memory_space<hbm>>) target(%dma_start3A_1570 : memref<16x128xf32, #tpu.memory_space<vmem>>) target_semaphore(%arg8 : memref<!tpu.dma_semaphore, #tpu.memory_space<semaphore_mem>>)
        %slice3A_1573 = vector.extract_strided_slice %get3A_1368 {offsets = [12], sizes = [1], strides = [1]} : vector<16xi32> to vector<1xi32>
        %squeeze3A_1574 = vector.extract %slice3A_1573[0] : i32 from vector<1xi32>
        %shift_right_logical3A_1575 = arith.constant 7 : i32
        %shift_right_logical3A_1576 = arith.shrui %squeeze3A_1574, %shift_right_logical3A_1575 : i32
        %mul3A_1577 = arith.constant 128 : i32
        %mul3A_1578 = arith.muli %shift_right_logical3A_1576, %mul3A_1577 : i32
        %multiple_of3A_1579 = tpu.assume_multiple %mul3A_1578, 128 : i32
        %dma_start3A_1580 = arith.constant 0 : i32
        %dma_start3A_1581 = arith.constant 1536 : i32
        %dma_start3A_1582 = tpu.memref_slice %arg6[%dma_start3A_1580, %dma_start3A_1581] : memref<16x6144xf32, #tpu.memory_space<vmem>> -> memref<16x128xf32, #tpu.memory_space<vmem>>
        %dma_start3A_1583 = arith.constant 0 : i32
        %dma_start3A_1584 = tpu.memref_slice %arg3[%dma_start3A_1583, %multiple_of3A_1579] : memref<16x1000000xf32, #tpu.memory_space<hbm>> -> memref<16x128xf32, #tpu.memory_space<hbm>>
        %dma_start3A_1585 = arith.constant 0 : i32
        %dma_start3A_1586 = arith.constant 1536 : i32
        %dma_start3A_1587 = tpu.memref_slice %arg6[%dma_start3A_1585, %dma_start3A_1586] : memref<16x6144xf32, #tpu.memory_space<vmem>> -> memref<16x128xf32, #tpu.memory_space<vmem>>
        %dma_start3A_1588 = arith.constant 0 : i32
        %dma_start3A_1589 = tpu.memref_slice %arg3[%dma_start3A_1588, %multiple_of3A_1579] : memref<16x1000000xf32, #tpu.memory_space<hbm>> -> memref<16x128xf32, #tpu.memory_space<hbm>>
        tpu.enqueue_dma source(%dma_start3A_1589 : memref<16x128xf32, #tpu.memory_space<hbm>>) target(%dma_start3A_1587 : memref<16x128xf32, #tpu.memory_space<vmem>>) target_semaphore(%arg8 : memref<!tpu.dma_semaphore, #tpu.memory_space<semaphore_mem>>)
        %slice3A_1590 = vector.extract_strided_slice %get3A_1368 {offsets = [13], sizes = [1], strides = [1]} : vector<16xi32> to vector<1xi32>
        %squeeze3A_1591 = vector.extract %slice3A_1590[0] : i32 from vector<1xi32>
        %shift_right_logical3A_1592 = arith.constant 7 : i32
        %shift_right_logical3A_1593 = arith.shrui %squeeze3A_1591, %shift_right_logical3A_1592 : i32
        %mul3A_1594 = arith.constant 128 : i32
        %mul3A_1595 = arith.muli %shift_right_logical3A_1593, %mul3A_1594 : i32
        %multiple_of3A_1596 = tpu.assume_multiple %mul3A_1595, 128 : i32
        %dma_start3A_1597 = arith.constant 0 : i32
        %dma_start3A_1598 = arith.constant 1664 : i32
        %dma_start3A_1599 = tpu.memref_slice %arg6[%dma_start3A_1597, %dma_start3A_1598] : memref<16x6144xf32, #tpu.memory_space<vmem>> -> memref<16x128xf32, #tpu.memory_space<vmem>>
        %dma_start3A_1600 = arith.constant 0 : i32
        %dma_start3A_1601 = tpu.memref_slice %arg3[%dma_start3A_1600, %multiple_of3A_1596] : memref<16x1000000xf32, #tpu.memory_space<hbm>> -> memref<16x128xf32, #tpu.memory_space<hbm>>
        %dma_start3A_1602 = arith.constant 0 : i32
        %dma_start3A_1603 = arith.constant 1664 : i32
        %dma_start3A_1604 = tpu.memref_slice %arg6[%dma_start3A_1602, %dma_start3A_1603] : memref<16x6144xf32, #tpu.memory_space<vmem>> -> memref<16x128xf32, #tpu.memory_space<vmem>>
        %dma_start3A_1605 = arith.constant 0 : i32
        %dma_start3A_1606 = tpu.memref_slice %arg3[%dma_start3A_1605, %multiple_of3A_1596] : memref<16x1000000xf32, #tpu.memory_space<hbm>> -> memref<16x128xf32, #tpu.memory_space<hbm>>
        tpu.enqueue_dma source(%dma_start3A_1606 : memref<16x128xf32, #tpu.memory_space<hbm>>) target(%dma_start3A_1604 : memref<16x128xf32, #tpu.memory_space<vmem>>) target_semaphore(%arg8 : memref<!tpu.dma_semaphore, #tpu.memory_space<semaphore_mem>>)
        %slice3A_1607 = vector.extract_strided_slice %get3A_1368 {offsets = [14], sizes = [1], strides = [1]} : vector<16xi32> to vector<1xi32>
        %squeeze3A_1608 = vector.extract %slice3A_1607[0] : i32 from vector<1xi32>
        %shift_right_logical3A_1609 = arith.constant 7 : i32
        %shift_right_logical3A_1610 = arith.shrui %squeeze3A_1608, %shift_right_logical3A_1609 : i32
        %mul3A_1611 = arith.constant 128 : i32
        %mul3A_1612 = arith.muli %shift_right_logical3A_1610, %mul3A_1611 : i32
        %multiple_of3A_1613 = tpu.assume_multiple %mul3A_1612, 128 : i32
        %dma_start3A_1614 = arith.constant 0 : i32
        %dma_start3A_1615 = arith.constant 1792 : i32
        %dma_start3A_1616 = tpu.memref_slice %arg6[%dma_start3A_1614, %dma_start3A_1615] : memref<16x6144xf32, #tpu.memory_space<vmem>> -> memref<16x128xf32, #tpu.memory_space<vmem>>
        %dma_start3A_1617 = arith.constant 0 : i32
        %dma_start3A_1618 = tpu.memref_slice %arg3[%dma_start3A_1617, %multiple_of3A_1613] : memref<16x1000000xf32, #tpu.memory_space<hbm>> -> memref<16x128xf32, #tpu.memory_space<hbm>>
        %dma_start3A_1619 = arith.constant 0 : i32
        %dma_start3A_1620 = arith.constant 1792 : i32
        %dma_start3A_1621 = tpu.memref_slice %arg6[%dma_start3A_1619, %dma_start3A_1620] : memref<16x6144xf32, #tpu.memory_space<vmem>> -> memref<16x128xf32, #tpu.memory_space<vmem>>
        %dma_start3A_1622 = arith.constant 0 : i32
        %dma_start3A_1623 = tpu.memref_slice %arg3[%dma_start3A_1622, %multiple_of3A_1613] : memref<16x1000000xf32, #tpu.memory_space<hbm>> -> memref<16x128xf32, #tpu.memory_space<hbm>>
        tpu.enqueue_dma source(%dma_start3A_1623 : memref<16x128xf32, #tpu.memory_space<hbm>>) target(%dma_start3A_1621 : memref<16x128xf32, #tpu.memory_space<vmem>>) target_semaphore(%arg8 : memref<!tpu.dma_semaphore, #tpu.memory_space<semaphore_mem>>)
        %slice3A_1624 = vector.extract_strided_slice %get3A_1368 {offsets = [15], sizes = [1], strides = [1]} : vector<16xi32> to vector<1xi32>
        %squeeze3A_1625 = vector.extract %slice3A_1624[0] : i32 from vector<1xi32>
        %shift_right_logical3A_1626 = arith.constant 7 : i32
        %shift_right_logical3A_1627 = arith.shrui %squeeze3A_1625, %shift_right_logical3A_1626 : i32
        %mul3A_1628 = arith.constant 128 : i32
        %mul3A_1629 = arith.muli %shift_right_logical3A_1627, %mul3A_1628 : i32
        %multiple_of3A_1630 = tpu.assume_multiple %mul3A_1629, 128 : i32
        %dma_start3A_1631 = arith.constant 0 : i32
        %dma_start3A_1632 = arith.constant 1920 : i32
        %dma_start3A_1633 = tpu.memref_slice %arg6[%dma_start3A_1631, %dma_start3A_1632] : memref<16x6144xf32, #tpu.memory_space<vmem>> -> memref<16x128xf32, #tpu.memory_space<vmem>>
        %dma_start3A_1634 = arith.constant 0 : i32
        %dma_start3A_1635 = tpu.memref_slice %arg3[%dma_start3A_1634, %multiple_of3A_1630] : memref<16x1000000xf32, #tpu.memory_space<hbm>> -> memref<16x128xf32, #tpu.memory_space<hbm>>
        %dma_start3A_1636 = arith.constant 0 : i32
        %dma_start3A_1637 = arith.constant 1920 : i32
        %dma_start3A_1638 = tpu.memref_slice %arg6[%dma_start3A_1636, %dma_start3A_1637] : memref<16x6144xf32, #tpu.memory_space<vmem>> -> memref<16x128xf32, #tpu.memory_space<vmem>>
        %dma_start3A_1639 = arith.constant 0 : i32
        %dma_start3A_1640 = tpu.memref_slice %arg3[%dma_start3A_1639, %multiple_of3A_1630] : memref<16x1000000xf32, #tpu.memory_space<hbm>> -> memref<16x128xf32, #tpu.memory_space<hbm>>
        tpu.enqueue_dma source(%dma_start3A_1640 : memref<16x128xf32, #tpu.memory_space<hbm>>) target(%dma_start3A_1638 : memref<16x128xf32, #tpu.memory_space<vmem>>) target_semaphore(%arg8 : memref<!tpu.dma_semaphore, #tpu.memory_space<semaphore_mem>>)
      } else {
      }
      %add3A_1010 = arith.constant 1 : i32
      %add3A_1011 = arith.addi %mul3A_819, %add3A_1010 : i32
      %dma_wait3A_1012 = arith.constant 0 : i32
      %dma_wait3A_1013 = arith.constant 2048 : i32
      %dma_wait3A_1014 = tpu.memref_slice %arg6[%dma_wait3A_1012, %dma_wait3A_1013] : memref<16x6144xf32, #tpu.memory_space<vmem>> -> memref<16x2048xf32, #tpu.memory_space<vmem>>
      %dma_wait3A_1015 = arith.constant 0 : i32
      %dma_wait3A_1016 = arith.constant 0 : i32
      %dma_wait3A_1017 = tpu.memref_slice %arg3[%dma_wait3A_1015, %dma_wait3A_1016] : memref<16x1000000xf32, #tpu.memory_space<hbm>> -> memref<16x2048xf32, #tpu.memory_space<hbm>>
      %dma_wait3A_1018 = arith.constant 0 : i32
      %dma_wait3A_1019 = arith.constant 2048 : i32
      %dma_wait3A_1020 = tpu.memref_slice %arg6[%dma_wait3A_1018, %dma_wait3A_1019] : memref<16x6144xf32, #tpu.memory_space<vmem>> -> memref<16x2048xf32, #tpu.memory_space<vmem>>
      %dma_wait3A_1021 = arith.constant 0 : i32
      %dma_wait3A_1022 = arith.constant 0 : i32
      %dma_wait3A_1023 = tpu.memref_slice %arg3[%dma_wait3A_1021, %dma_wait3A_1022] : memref<16x1000000xf32, #tpu.memory_space<hbm>> -> memref<16x2048xf32, #tpu.memory_space<hbm>>
      tpu.wait_dma2 semaphore(%arg9 : memref<!tpu.dma_semaphore, #tpu.memory_space<semaphore_mem>>) src(%dma_wait3A_1023 : memref<16x2048xf32, #tpu.memory_space<hbm>>) dst(%dma_wait3A_1020 : memref<16x2048xf32, #tpu.memory_space<vmem>>)
      %mul3A_1024 = arith.constant 16 : i32
      %mul3A_1025 = arith.muli %add3A_1011, %mul3A_1024 : i32
      %get3A_1026 = arith.index_cast %mul3A_1025 : i32 to index
      %get3A_1027 = tpu.vector_load %arg5[%get3A_1026] {strides = array<i32>} : memref<512xi32, #tpu.memory_space<vmem>>, vector<16xi32>,
      %add3A_1028 = arith.constant 16 : i32
      %add3A_1029 = vector.broadcast %add3A_1028 : i32 to vector<16xi32>
      %add3A_1030 = arith.addi %add3A_1029, %iota3A : vector<16xi32>
      %mul3A_1031 = arith.constant 128 : i32
      %mul3A_1032 = vector.broadcast %mul3A_1031 : i32 to vector<16xi32>
      %mul3A_1033 = arith.muli %add3A_1030, %mul3A_1032 : vector<16xi32>
      %and3A_1034 = arith.constant 127 : i32
      %and3A_1035 = vector.broadcast %and3A_1034 : i32 to vector<16xi32>
      %and3A_1036 = arith.andi %get3A_1027, %and3A_1035 : vector<16xi32>
      %add3A_1037 = arith.addi %mul3A_1033, %and3A_1036 : vector<16xi32>
      %broadcast_in_dim3A_1038 = arith.constant 0 : i32
      %broadcast_in_dim3A_1039 = vector.broadcast %broadcast_in_dim3A_1038 : i32 to vector<16xi32>
      %gather3A_1040 = tpu.vector_load_idx %arg6[%broadcast_in_dim3A_1039, %add3A_1037] : memref<16x6144xf32, #tpu.memory_space<vmem>>[vector<16xi32>, vector<16xi32>], vector<16xf32>,
      %mul3A_1041 = arith.constant 16 : i32
      %mul3A_1042 = arith.muli %add3A_1011, %mul3A_1041 : i32
      %swap3A_1043 = arith.constant 0 : i32
      %swap3A_1044 = arith.index_cast %swap3A_1043 : i32 to index
      %swap3A_1045 = arith.index_cast %mul3A_1042 : i32 to index
      %swap3A_1046 = tpu.vector_load %arg7[%swap3A_1044, %swap3A_1045] {strides = array<i32>} : memref<16x512xf32, #tpu.memory_space<vmem>>, vector<16xf32>,
      tpu.vector_store %arg7[%swap3A_1044, %swap3A_1045], %gather3A_1040 {strides = array<i32>} : memref<16x512xf32, #tpu.memory_space<vmem>>, vector<16xf32>,
      %broadcast_in_dim3A_1047 = arith.constant 1 : i32
      %broadcast_in_dim3A_1048 = vector.broadcast %broadcast_in_dim3A_1047 : i32 to vector<16xi32>
      %gather3A_1049 = tpu.vector_load_idx %arg6[%broadcast_in_dim3A_1048, %add3A_1037] : memref<16x6144xf32, #tpu.memory_space<vmem>>[vector<16xi32>, vector<16xi32>], vector<16xf32>,
      %mul3A_1050 = arith.constant 16 : i32
      %mul3A_1051 = arith.muli %add3A_1011, %mul3A_1050 : i32
      %swap3A_1052 = arith.constant 1 : i32
      %swap3A_1053 = arith.index_cast %swap3A_1052 : i32 to index
      %swap3A_1054 = arith.index_cast %mul3A_1051 : i32 to index
      %swap3A_1055 = tpu.vector_load %arg7[%swap3A_1053, %swap3A_1054] {strides = array<i32>} : memref<16x512xf32, #tpu.memory_space<vmem>>, vector<16xf32>,
      tpu.vector_store %arg7[%swap3A_1053, %swap3A_1054], %gather3A_1049 {strides = array<i32>} : memref<16x512xf32, #tpu.memory_space<vmem>>, vector<16xf32>,
      %broadcast_in_dim3A_1056 = arith.constant 2 : i32
      %broadcast_in_dim3A_1057 = vector.broadcast %broadcast_in_dim3A_1056 : i32 to vector<16xi32>
      %gather3A_1058 = tpu.vector_load_idx %arg6[%broadcast_in_dim3A_1057, %add3A_1037] : memref<16x6144xf32, #tpu.memory_space<vmem>>[vector<16xi32>, vector<16xi32>], vector<16xf32>,
      %mul3A_1059 = arith.constant 16 : i32
      %mul3A_1060 = arith.muli %add3A_1011, %mul3A_1059 : i32
      %swap3A_1061 = arith.constant 2 : i32
      %swap3A_1062 = arith.index_cast %swap3A_1061 : i32 to index
      %swap3A_1063 = arith.index_cast %mul3A_1060 : i32 to index
      %swap3A_1064 = tpu.vector_load %arg7[%swap3A_1062, %swap3A_1063] {strides = array<i32>} : memref<16x512xf32, #tpu.memory_space<vmem>>, vector<16xf32>,
      tpu.vector_store %arg7[%swap3A_1062, %swap3A_1063], %gather3A_1058 {strides = array<i32>} : memref<16x512xf32, #tpu.memory_space<vmem>>, vector<16xf32>,
      %broadcast_in_dim3A_1065 = arith.constant 3 : i32
      %broadcast_in_dim3A_1066 = vector.broadcast %broadcast_in_dim3A_1065 : i32 to vector<16xi32>
      %gather3A_1067 = tpu.vector_load_idx %arg6[%broadcast_in_dim3A_1066, %add3A_1037] : memref<16x6144xf32, #tpu.memory_space<vmem>>[vector<16xi32>, vector<16xi32>], vector<16xf32>,
      %mul3A_1068 = arith.constant 16 : i32
      %mul3A_1069 = arith.muli %add3A_1011, %mul3A_1068 : i32
      %swap3A_1070 = arith.constant 3 : i32
      %swap3A_1071 = arith.index_cast %swap3A_1070 : i32 to index
      %swap3A_1072 = arith.index_cast %mul3A_1069 : i32 to index
      %swap3A_1073 = tpu.vector_load %arg7[%swap3A_1071, %swap3A_1072] {strides = array<i32>} : memref<16x512xf32, #tpu.memory_space<vmem>>, vector<16xf32>,
      tpu.vector_store %arg7[%swap3A_1071, %swap3A_1072], %gather3A_1067 {strides = array<i32>} : memref<16x512xf32, #tpu.memory_space<vmem>>, vector<16xf32>,
      %broadcast_in_dim3A_1074 = arith.constant 4 : i32
      %broadcast_in_dim3A_1075 = vector.broadcast %broadcast_in_dim3A_1074 : i32 to vector<16xi32>
      %gather3A_1076 = tpu.vector_load_idx %arg6[%broadcast_in_dim3A_1075, %add3A_1037] : memref<16x6144xf32, #tpu.memory_space<vmem>>[vector<16xi32>, vector<16xi32>], vector<16xf32>,
      %mul3A_1077 = arith.constant 16 : i32
      %mul3A_1078 = arith.muli %add3A_1011, %mul3A_1077 : i32
      %swap3A_1079 = arith.constant 4 : i32
      %swap3A_1080 = arith.index_cast %swap3A_1079 : i32 to index
      %swap3A_1081 = arith.index_cast %mul3A_1078 : i32 to index
      %swap3A_1082 = tpu.vector_load %arg7[%swap3A_1080, %swap3A_1081] {strides = array<i32>} : memref<16x512xf32, #tpu.memory_space<vmem>>, vector<16xf32>,
      tpu.vector_store %arg7[%swap3A_1080, %swap3A_1081], %gather3A_1076 {strides = array<i32>} : memref<16x512xf32, #tpu.memory_space<vmem>>, vector<16xf32>,
      %broadcast_in_dim3A_1083 = arith.constant 5 : i32
      %broadcast_in_dim3A_1084 = vector.broadcast %broadcast_in_dim3A_1083 : i32 to vector<16xi32>
      %gather3A_1085 = tpu.vector_load_idx %arg6[%broadcast_in_dim3A_1084, %add3A_1037] : memref<16x6144xf32, #tpu.memory_space<vmem>>[vector<16xi32>, vector<16xi32>], vector<16xf32>,
      %mul3A_1086 = arith.constant 16 : i32
      %mul3A_1087 = arith.muli %add3A_1011, %mul3A_1086 : i32
      %swap3A_1088 = arith.constant 5 : i32
      %swap3A_1089 = arith.index_cast %swap3A_1088 : i32 to index
      %swap3A_1090 = arith.index_cast %mul3A_1087 : i32 to index
      %swap3A_1091 = tpu.vector_load %arg7[%swap3A_1089, %swap3A_1090] {strides = array<i32>} : memref<16x512xf32, #tpu.memory_space<vmem>>, vector<16xf32>,
      tpu.vector_store %arg7[%swap3A_1089, %swap3A_1090], %gather3A_1085 {strides = array<i32>} : memref<16x512xf32, #tpu.memory_space<vmem>>, vector<16xf32>,
      %broadcast_in_dim3A_1092 = arith.constant 6 : i32
      %broadcast_in_dim3A_1093 = vector.broadcast %broadcast_in_dim3A_1092 : i32 to vector<16xi32>
      %gather3A_1094 = tpu.vector_load_idx %arg6[%broadcast_in_dim3A_1093, %add3A_1037] : memref<16x6144xf32, #tpu.memory_space<vmem>>[vector<16xi32>, vector<16xi32>], vector<16xf32>,
      %mul3A_1095 = arith.constant 16 : i32
      %mul3A_1096 = arith.muli %add3A_1011, %mul3A_1095 : i32
      %swap3A_1097 = arith.constant 6 : i32
      %swap3A_1098 = arith.index_cast %swap3A_1097 : i32 to index
      %swap3A_1099 = arith.index_cast %mul3A_1096 : i32 to index
      %swap3A_1100 = tpu.vector_load %arg7[%swap3A_1098, %swap3A_1099] {strides = array<i32>} : memref<16x512xf32, #tpu.memory_space<vmem>>, vector<16xf32>,
      tpu.vector_store %arg7[%swap3A_1098, %swap3A_1099], %gather3A_1094 {strides = array<i32>} : memref<16x512xf32, #tpu.memory_space<vmem>>, vector<16xf32>,
      %broadcast_in_dim3A_1101 = arith.constant 7 : i32
      %broadcast_in_dim3A_1102 = vector.broadcast %broadcast_in_dim3A_1101 : i32 to vector<16xi32>
      %gather3A_1103 = tpu.vector_load_idx %arg6[%broadcast_in_dim3A_1102, %add3A_1037] : memref<16x6144xf32, #tpu.memory_space<vmem>>[vector<16xi32>, vector<16xi32>], vector<16xf32>,
      %mul3A_1104 = arith.constant 16 : i32
      %mul3A_1105 = arith.muli %add3A_1011, %mul3A_1104 : i32
      %swap3A_1106 = arith.constant 7 : i32
      %swap3A_1107 = arith.index_cast %swap3A_1106 : i32 to index
      %swap3A_1108 = arith.index_cast %mul3A_1105 : i32 to index
      %swap3A_1109 = tpu.vector_load %arg7[%swap3A_1107, %swap3A_1108] {strides = array<i32>} : memref<16x512xf32, #tpu.memory_space<vmem>>, vector<16xf32>,
      tpu.vector_store %arg7[%swap3A_1107, %swap3A_1108], %gather3A_1103 {strides = array<i32>} : memref<16x512xf32, #tpu.memory_space<vmem>>, vector<16xf32>,
      %broadcast_in_dim3A_1110 = arith.constant 8 : i32
      %broadcast_in_dim3A_1111 = vector.broadcast %broadcast_in_dim3A_1110 : i32 to vector<16xi32>
      %gather3A_1112 = tpu.vector_load_idx %arg6[%broadcast_in_dim3A_1111, %add3A_1037] : memref<16x6144xf32, #tpu.memory_space<vmem>>[vector<16xi32>, vector<16xi32>], vector<16xf32>,
      %mul3A_1113 = arith.constant 16 : i32
      %mul3A_1114 = arith.muli %add3A_1011, %mul3A_1113 : i32
      %swap3A_1115 = arith.constant 8 : i32
      %swap3A_1116 = arith.index_cast %swap3A_1115 : i32 to index
      %swap3A_1117 = arith.index_cast %mul3A_1114 : i32 to index
      %swap3A_1118 = tpu.vector_load %arg7[%swap3A_1116, %swap3A_1117] {strides = array<i32>} : memref<16x512xf32, #tpu.memory_space<vmem>>, vector<16xf32>,
      tpu.vector_store %arg7[%swap3A_1116, %swap3A_1117], %gather3A_1112 {strides = array<i32>} : memref<16x512xf32, #tpu.memory_space<vmem>>, vector<16xf32>,
      %broadcast_in_dim3A_1119 = arith.constant 9 : i32
      %broadcast_in_dim3A_1120 = vector.broadcast %broadcast_in_dim3A_1119 : i32 to vector<16xi32>
      %gather3A_1121 = tpu.vector_load_idx %arg6[%broadcast_in_dim3A_1120, %add3A_1037] : memref<16x6144xf32, #tpu.memory_space<vmem>>[vector<16xi32>, vector<16xi32>], vector<16xf32>,
      %mul3A_1122 = arith.constant 16 : i32
      %mul3A_1123 = arith.muli %add3A_1011, %mul3A_1122 : i32
      %swap3A_1124 = arith.constant 9 : i32
      %swap3A_1125 = arith.index_cast %swap3A_1124 : i32 to index
      %swap3A_1126 = arith.index_cast %mul3A_1123 : i32 to index
      %swap3A_1127 = tpu.vector_load %arg7[%swap3A_1125, %swap3A_1126] {strides = array<i32>} : memref<16x512xf32, #tpu.memory_space<vmem>>, vector<16xf32>,
      tpu.vector_store %arg7[%swap3A_1125, %swap3A_1126], %gather3A_1121 {strides = array<i32>} : memref<16x512xf32, #tpu.memory_space<vmem>>, vector<16xf32>,
      %broadcast_in_dim3A_1128 = arith.constant 10 : i32
      %broadcast_in_dim3A_1129 = vector.broadcast %broadcast_in_dim3A_1128 : i32 to vector<16xi32>
      %gather3A_1130 = tpu.vector_load_idx %arg6[%broadcast_in_dim3A_1129, %add3A_1037] : memref<16x6144xf32, #tpu.memory_space<vmem>>[vector<16xi32>, vector<16xi32>], vector<16xf32>,
      %mul3A_1131 = arith.constant 16 : i32
      %mul3A_1132 = arith.muli %add3A_1011, %mul3A_1131 : i32
      %swap3A_1133 = arith.constant 10 : i32
      %swap3A_1134 = arith.index_cast %swap3A_1133 : i32 to index
      %swap3A_1135 = arith.index_cast %mul3A_1132 : i32 to index
      %swap3A_1136 = tpu.vector_load %arg7[%swap3A_1134, %swap3A_1135] {strides = array<i32>} : memref<16x512xf32, #tpu.memory_space<vmem>>, vector<16xf32>,
      tpu.vector_store %arg7[%swap3A_1134, %swap3A_1135], %gather3A_1130 {strides = array<i32>} : memref<16x512xf32, #tpu.memory_space<vmem>>, vector<16xf32>,
      %broadcast_in_dim3A_1137 = arith.constant 11 : i32
      %broadcast_in_dim3A_1138 = vector.broadcast %broadcast_in_dim3A_1137 : i32 to vector<16xi32>
      %gather3A_1139 = tpu.vector_load_idx %arg6[%broadcast_in_dim3A_1138, %add3A_1037] : memref<16x6144xf32, #tpu.memory_space<vmem>>[vector<16xi32>, vector<16xi32>], vector<16xf32>,
      %mul3A_1140 = arith.constant 16 : i32
      %mul3A_1141 = arith.muli %add3A_1011, %mul3A_1140 : i32
      %swap3A_1142 = arith.constant 11 : i32
      %swap3A_1143 = arith.index_cast %swap3A_1142 : i32 to index
      %swap3A_1144 = arith.index_cast %mul3A_1141 : i32 to index
      %swap3A_1145 = tpu.vector_load %arg7[%swap3A_1143, %swap3A_1144] {strides = array<i32>} : memref<16x512xf32, #tpu.memory_space<vmem>>, vector<16xf32>,
      tpu.vector_store %arg7[%swap3A_1143, %swap3A_1144], %gather3A_1139 {strides = array<i32>} : memref<16x512xf32, #tpu.memory_space<vmem>>, vector<16xf32>,
      %broadcast_in_dim3A_1146 = arith.constant 12 : i32
      %broadcast_in_dim3A_1147 = vector.broadcast %broadcast_in_dim3A_1146 : i32 to vector<16xi32>
      %gather3A_1148 = tpu.vector_load_idx %arg6[%broadcast_in_dim3A_1147, %add3A_1037] : memref<16x6144xf32, #tpu.memory_space<vmem>>[vector<16xi32>, vector<16xi32>], vector<16xf32>,
      %mul3A_1149 = arith.constant 16 : i32
      %mul3A_1150 = arith.muli %add3A_1011, %mul3A_1149 : i32
      %swap3A_1151 = arith.constant 12 : i32
      %swap3A_1152 = arith.index_cast %swap3A_1151 : i32 to index
      %swap3A_1153 = arith.index_cast %mul3A_1150 : i32 to index
      %swap3A_1154 = tpu.vector_load %arg7[%swap3A_1152, %swap3A_1153] {strides = array<i32>} : memref<16x512xf32, #tpu.memory_space<vmem>>, vector<16xf32>,
      tpu.vector_store %arg7[%swap3A_1152, %swap3A_1153], %gather3A_1148 {strides = array<i32>} : memref<16x512xf32, #tpu.memory_space<vmem>>, vector<16xf32>,
      %broadcast_in_dim3A_1155 = arith.constant 13 : i32
      %broadcast_in_dim3A_1156 = vector.broadcast %broadcast_in_dim3A_1155 : i32 to vector<16xi32>
      %gather3A_1157 = tpu.vector_load_idx %arg6[%broadcast_in_dim3A_1156, %add3A_1037] : memref<16x6144xf32, #tpu.memory_space<vmem>>[vector<16xi32>, vector<16xi32>], vector<16xf32>,
      %mul3A_1158 = arith.constant 16 : i32
      %mul3A_1159 = arith.muli %add3A_1011, %mul3A_1158 : i32
      %swap3A_1160 = arith.constant 13 : i32
      %swap3A_1161 = arith.index_cast %swap3A_1160 : i32 to index
      %swap3A_1162 = arith.index_cast %mul3A_1159 : i32 to index
      %swap3A_1163 = tpu.vector_load %arg7[%swap3A_1161, %swap3A_1162] {strides = array<i32>} : memref<16x512xf32, #tpu.memory_space<vmem>>, vector<16xf32>,
      tpu.vector_store %arg7[%swap3A_1161, %swap3A_1162], %gather3A_1157 {strides = array<i32>} : memref<16x512xf32, #tpu.memory_space<vmem>>, vector<16xf32>,
      %broadcast_in_dim3A_1164 = arith.constant 14 : i32
      %broadcast_in_dim3A_1165 = vector.broadcast %broadcast_in_dim3A_1164 : i32 to vector<16xi32>
      %gather3A_1166 = tpu.vector_load_idx %arg6[%broadcast_in_dim3A_1165, %add3A_1037] : memref<16x6144xf32, #tpu.memory_space<vmem>>[vector<16xi32>, vector<16xi32>], vector<16xf32>,
      %mul3A_1167 = arith.constant 16 : i32
      %mul3A_1168 = arith.muli %add3A_1011, %mul3A_1167 : i32
      %swap3A_1169 = arith.constant 14 : i32
      %swap3A_1170 = arith.index_cast %swap3A_1169 : i32 to index
      %swap3A_1171 = arith.index_cast %mul3A_1168 : i32 to index
      %swap3A_1172 = tpu.vector_load %arg7[%swap3A_1170, %swap3A_1171] {strides = array<i32>} : memref<16x512xf32, #tpu.memory_space<vmem>>, vector<16xf32>,
      tpu.vector_store %arg7[%swap3A_1170, %swap3A_1171], %gather3A_1166 {strides = array<i32>} : memref<16x512xf32, #tpu.memory_space<vmem>>, vector<16xf32>,
      %broadcast_in_dim3A_1173 = arith.constant 15 : i32
      %broadcast_in_dim3A_1174 = vector.broadcast %broadcast_in_dim3A_1173 : i32 to vector<16xi32>
      %gather3A_1175 = tpu.vector_load_idx %arg6[%broadcast_in_dim3A_1174, %add3A_1037] : memref<16x6144xf32, #tpu.memory_space<vmem>>[vector<16xi32>, vector<16xi32>], vector<16xf32>,
      %mul3A_1176 = arith.constant 16 : i32
      %mul3A_1177 = arith.muli %add3A_1011, %mul3A_1176 : i32
      %swap3A_1178 = arith.constant 15 : i32
      %swap3A_1179 = arith.index_cast %swap3A_1178 : i32 to index
      %swap3A_1180 = arith.index_cast %mul3A_1177 : i32 to index
      %swap3A_1181 = tpu.vector_load %arg7[%swap3A_1179, %swap3A_1180] {strides = array<i32>} : memref<16x512xf32, #tpu.memory_space<vmem>>, vector<16xf32>,
      tpu.vector_store %arg7[%swap3A_1179, %swap3A_1180], %gather3A_1175 {strides = array<i32>} : memref<16x512xf32, #tpu.memory_space<vmem>>, vector<16xf32>,
      %add3A_1182 = arith.constant 2 : i32
      %add3A_1183 = arith.addi %mul3A_819, %add3A_1182 : i32
      %add3A_1184 = arith.constant 3 : i32
      %add3A_1185 = arith.addi %add3A_1183, %add3A_1184 : i32
      %sub3A_1186 = arith.constant 1 : i32
      %sub3A_1187 = arith.subi %add3A_1185, %sub3A_1186 : i32
      %lt3A_1188 = arith.constant 32 : i32
      %lt3A_1189 = arith.cmpi slt, %sub3A_1187, %lt3A_1188 : i32
      %convert_element_type3A_1190 = arith.extui %lt3A_1189 : i1 to i32
      %cond3A_1191 = arith.constant 0 : i32
      %cond3A_1192 = arith.cmpi ne, %convert_element_type3A_1190, %cond3A_1191 : i32
      scf.if %cond3A_1192 {
        %mul3A_1365 = arith.constant 16 : i32
        %mul3A_1366 = arith.muli %sub3A_1187, %mul3A_1365 : i32
        %get3A_1367 = arith.index_cast %mul3A_1366 : i32 to index
        %get3A_1368 = tpu.vector_load %arg5[%get3A_1367] {strides = array<i32>} : memref<512xi32, #tpu.memory_space<vmem>>, vector<16xi32>,
        %slice3A_1369 = vector.extract_strided_slice %get3A_1368 {offsets = [0], sizes = [1], strides = [1]} : vector<16xi32> to vector<1xi32>
        %squeeze3A_1370 = vector.extract %slice3A_1369[0] : i32 from vector<1xi32>
        %shift_right_logical3A_1371 = arith.constant 7 : i32
        %shift_right_logical3A_1372 = arith.shrui %squeeze3A_1370, %shift_right_logical3A_1371 : i32
        %mul3A_1373 = arith.constant 128 : i32
        %mul3A_1374 = arith.muli %shift_right_logical3A_1372, %mul3A_1373 : i32
        %multiple_of3A_1375 = tpu.assume_multiple %mul3A_1374, 128 : i32
        %dma_start3A_1376 = arith.constant 0 : i32
        %dma_start3A_1377 = arith.constant 2048 : i32
        %dma_start3A_1378 = tpu.memref_slice %arg6[%dma_start3A_1376, %dma_start3A_1377] : memref<16x6144xf32, #tpu.memory_space<vmem>> -> memref<16x128xf32, #tpu.memory_space<vmem>>
        %dma_start3A_1379 = arith.constant 0 : i32
        %dma_start3A_1380 = tpu.memref_slice %arg3[%dma_start3A_1379, %multiple_of3A_1375] : memref<16x1000000xf32, #tpu.memory_space<hbm>> -> memref<16x128xf32, #tpu.memory_space<hbm>>
        %dma_start3A_1381 = arith.constant 0 : i32
        %dma_start3A_1382 = arith.constant 2048 : i32
        %dma_start3A_1383 = tpu.memref_slice %arg6[%dma_start3A_1381, %dma_start3A_1382] : memref<16x6144xf32, #tpu.memory_space<vmem>> -> memref<16x128xf32, #tpu.memory_space<vmem>>
        %dma_start3A_1384 = arith.constant 0 : i32
        %dma_start3A_1385 = tpu.memref_slice %arg3[%dma_start3A_1384, %multiple_of3A_1375] : memref<16x1000000xf32, #tpu.memory_space<hbm>> -> memref<16x128xf32, #tpu.memory_space<hbm>>
        tpu.enqueue_dma source(%dma_start3A_1385 : memref<16x128xf32, #tpu.memory_space<hbm>>) target(%dma_start3A_1383 : memref<16x128xf32, #tpu.memory_space<vmem>>) target_semaphore(%arg9 : memref<!tpu.dma_semaphore, #tpu.memory_space<semaphore_mem>>)
        %slice3A_1386 = vector.extract_strided_slice %get3A_1368 {offsets = [1], sizes = [1], strides = [1]} : vector<16xi32> to vector<1xi32>
        %squeeze3A_1387 = vector.extract %slice3A_1386[0] : i32 from vector<1xi32>
        %shift_right_logical3A_1388 = arith.constant 7 : i32
        %shift_right_logical3A_1389 = arith.shrui %squeeze3A_1387, %shift_right_logical3A_1388 : i32
        %mul3A_1390 = arith.constant 128 : i32
        %mul3A_1391 = arith.muli %shift_right_logical3A_1389, %mul3A_1390 : i32
        %multiple_of3A_1392 = tpu.assume_multiple %mul3A_1391, 128 : i32
        %dma_start3A_1393 = arith.constant 0 : i32
        %dma_start3A_1394 = arith.constant 2176 : i32
        %dma_start3A_1395 = tpu.memref_slice %arg6[%dma_start3A_1393, %dma_start3A_1394] : memref<16x6144xf32, #tpu.memory_space<vmem>> -> memref<16x128xf32, #tpu.memory_space<vmem>>
        %dma_start3A_1396 = arith.constant 0 : i32
        %dma_start3A_1397 = tpu.memref_slice %arg3[%dma_start3A_1396, %multiple_of3A_1392] : memref<16x1000000xf32, #tpu.memory_space<hbm>> -> memref<16x128xf32, #tpu.memory_space<hbm>>
        %dma_start3A_1398 = arith.constant 0 : i32
        %dma_start3A_1399 = arith.constant 2176 : i32
        %dma_start3A_1400 = tpu.memref_slice %arg6[%dma_start3A_1398, %dma_start3A_1399] : memref<16x6144xf32, #tpu.memory_space<vmem>> -> memref<16x128xf32, #tpu.memory_space<vmem>>
        %dma_start3A_1401 = arith.constant 0 : i32
        %dma_start3A_1402 = tpu.memref_slice %arg3[%dma_start3A_1401, %multiple_of3A_1392] : memref<16x1000000xf32, #tpu.memory_space<hbm>> -> memref<16x128xf32, #tpu.memory_space<hbm>>
        tpu.enqueue_dma source(%dma_start3A_1402 : memref<16x128xf32, #tpu.memory_space<hbm>>) target(%dma_start3A_1400 : memref<16x128xf32, #tpu.memory_space<vmem>>) target_semaphore(%arg9 : memref<!tpu.dma_semaphore, #tpu.memory_space<semaphore_mem>>)
        %slice3A_1403 = vector.extract_strided_slice %get3A_1368 {offsets = [2], sizes = [1], strides = [1]} : vector<16xi32> to vector<1xi32>
        %squeeze3A_1404 = vector.extract %slice3A_1403[0] : i32 from vector<1xi32>
        %shift_right_logical3A_1405 = arith.constant 7 : i32
        %shift_right_logical3A_1406 = arith.shrui %squeeze3A_1404, %shift_right_logical3A_1405 : i32
        %mul3A_1407 = arith.constant 128 : i32
        %mul3A_1408 = arith.muli %shift_right_logical3A_1406, %mul3A_1407 : i32
        %multiple_of3A_1409 = tpu.assume_multiple %mul3A_1408, 128 : i32
        %dma_start3A_1410 = arith.constant 0 : i32
        %dma_start3A_1411 = arith.constant 2304 : i32
        %dma_start3A_1412 = tpu.memref_slice %arg6[%dma_start3A_1410, %dma_start3A_1411] : memref<16x6144xf32, #tpu.memory_space<vmem>> -> memref<16x128xf32, #tpu.memory_space<vmem>>
        %dma_start3A_1413 = arith.constant 0 : i32
        %dma_start3A_1414 = tpu.memref_slice %arg3[%dma_start3A_1413, %multiple_of3A_1409] : memref<16x1000000xf32, #tpu.memory_space<hbm>> -> memref<16x128xf32, #tpu.memory_space<hbm>>
        %dma_start3A_1415 = arith.constant 0 : i32
        %dma_start3A_1416 = arith.constant 2304 : i32
        %dma_start3A_1417 = tpu.memref_slice %arg6[%dma_start3A_1415, %dma_start3A_1416] : memref<16x6144xf32, #tpu.memory_space<vmem>> -> memref<16x128xf32, #tpu.memory_space<vmem>>
        %dma_start3A_1418 = arith.constant 0 : i32
        %dma_start3A_1419 = tpu.memref_slice %arg3[%dma_start3A_1418, %multiple_of3A_1409] : memref<16x1000000xf32, #tpu.memory_space<hbm>> -> memref<16x128xf32, #tpu.memory_space<hbm>>
        tpu.enqueue_dma source(%dma_start3A_1419 : memref<16x128xf32, #tpu.memory_space<hbm>>) target(%dma_start3A_1417 : memref<16x128xf32, #tpu.memory_space<vmem>>) target_semaphore(%arg9 : memref<!tpu.dma_semaphore, #tpu.memory_space<semaphore_mem>>)
        %slice3A_1420 = vector.extract_strided_slice %get3A_1368 {offsets = [3], sizes = [1], strides = [1]} : vector<16xi32> to vector<1xi32>
        %squeeze3A_1421 = vector.extract %slice3A_1420[0] : i32 from vector<1xi32>
        %shift_right_logical3A_1422 = arith.constant 7 : i32
        %shift_right_logical3A_1423 = arith.shrui %squeeze3A_1421, %shift_right_logical3A_1422 : i32
        %mul3A_1424 = arith.constant 128 : i32
        %mul3A_1425 = arith.muli %shift_right_logical3A_1423, %mul3A_1424 : i32
        %multiple_of3A_1426 = tpu.assume_multiple %mul3A_1425, 128 : i32
        %dma_start3A_1427 = arith.constant 0 : i32
        %dma_start3A_1428 = arith.constant 2432 : i32
        %dma_start3A_1429 = tpu.memref_slice %arg6[%dma_start3A_1427, %dma_start3A_1428] : memref<16x6144xf32, #tpu.memory_space<vmem>> -> memref<16x128xf32, #tpu.memory_space<vmem>>
        %dma_start3A_1430 = arith.constant 0 : i32
        %dma_start3A_1431 = tpu.memref_slice %arg3[%dma_start3A_1430, %multiple_of3A_1426] : memref<16x1000000xf32, #tpu.memory_space<hbm>> -> memref<16x128xf32, #tpu.memory_space<hbm>>
        %dma_start3A_1432 = arith.constant 0 : i32
        %dma_start3A_1433 = arith.constant 2432 : i32
        %dma_start3A_1434 = tpu.memref_slice %arg6[%dma_start3A_1432, %dma_start3A_1433] : memref<16x6144xf32, #tpu.memory_space<vmem>> -> memref<16x128xf32, #tpu.memory_space<vmem>>
        %dma_start3A_1435 = arith.constant 0 : i32
        %dma_start3A_1436 = tpu.memref_slice %arg3[%dma_start3A_1435, %multiple_of3A_1426] : memref<16x1000000xf32, #tpu.memory_space<hbm>> -> memref<16x128xf32, #tpu.memory_space<hbm>>
        tpu.enqueue_dma source(%dma_start3A_1436 : memref<16x128xf32, #tpu.memory_space<hbm>>) target(%dma_start3A_1434 : memref<16x128xf32, #tpu.memory_space<vmem>>) target_semaphore(%arg9 : memref<!tpu.dma_semaphore, #tpu.memory_space<semaphore_mem>>)
        %slice3A_1437 = vector.extract_strided_slice %get3A_1368 {offsets = [4], sizes = [1], strides = [1]} : vector<16xi32> to vector<1xi32>
        %squeeze3A_1438 = vector.extract %slice3A_1437[0] : i32 from vector<1xi32>
        %shift_right_logical3A_1439 = arith.constant 7 : i32
        %shift_right_logical3A_1440 = arith.shrui %squeeze3A_1438, %shift_right_logical3A_1439 : i32
        %mul3A_1441 = arith.constant 128 : i32
        %mul3A_1442 = arith.muli %shift_right_logical3A_1440, %mul3A_1441 : i32
        %multiple_of3A_1443 = tpu.assume_multiple %mul3A_1442, 128 : i32
        %dma_start3A_1444 = arith.constant 0 : i32
        %dma_start3A_1445 = arith.constant 2560 : i32
        %dma_start3A_1446 = tpu.memref_slice %arg6[%dma_start3A_1444, %dma_start3A_1445] : memref<16x6144xf32, #tpu.memory_space<vmem>> -> memref<16x128xf32, #tpu.memory_space<vmem>>
        %dma_start3A_1447 = arith.constant 0 : i32
        %dma_start3A_1448 = tpu.memref_slice %arg3[%dma_start3A_1447, %multiple_of3A_1443] : memref<16x1000000xf32, #tpu.memory_space<hbm>> -> memref<16x128xf32, #tpu.memory_space<hbm>>
        %dma_start3A_1449 = arith.constant 0 : i32
        %dma_start3A_1450 = arith.constant 2560 : i32
        %dma_start3A_1451 = tpu.memref_slice %arg6[%dma_start3A_1449, %dma_start3A_1450] : memref<16x6144xf32, #tpu.memory_space<vmem>> -> memref<16x128xf32, #tpu.memory_space<vmem>>
        %dma_start3A_1452 = arith.constant 0 : i32
        %dma_start3A_1453 = tpu.memref_slice %arg3[%dma_start3A_1452, %multiple_of3A_1443] : memref<16x1000000xf32, #tpu.memory_space<hbm>> -> memref<16x128xf32, #tpu.memory_space<hbm>>
        tpu.enqueue_dma source(%dma_start3A_1453 : memref<16x128xf32, #tpu.memory_space<hbm>>) target(%dma_start3A_1451 : memref<16x128xf32, #tpu.memory_space<vmem>>) target_semaphore(%arg9 : memref<!tpu.dma_semaphore, #tpu.memory_space<semaphore_mem>>)
        %slice3A_1454 = vector.extract_strided_slice %get3A_1368 {offsets = [5], sizes = [1], strides = [1]} : vector<16xi32> to vector<1xi32>
        %squeeze3A_1455 = vector.extract %slice3A_1454[0] : i32 from vector<1xi32>
        %shift_right_logical3A_1456 = arith.constant 7 : i32
        %shift_right_logical3A_1457 = arith.shrui %squeeze3A_1455, %shift_right_logical3A_1456 : i32
        %mul3A_1458 = arith.constant 128 : i32
        %mul3A_1459 = arith.muli %shift_right_logical3A_1457, %mul3A_1458 : i32
        %multiple_of3A_1460 = tpu.assume_multiple %mul3A_1459, 128 : i32
        %dma_start3A_1461 = arith.constant 0 : i32
        %dma_start3A_1462 = arith.constant 2688 : i32
        %dma_start3A_1463 = tpu.memref_slice %arg6[%dma_start3A_1461, %dma_start3A_1462] : memref<16x6144xf32, #tpu.memory_space<vmem>> -> memref<16x128xf32, #tpu.memory_space<vmem>>
        %dma_start3A_1464 = arith.constant 0 : i32
        %dma_start3A_1465 = tpu.memref_slice %arg3[%dma_start3A_1464, %multiple_of3A_1460] : memref<16x1000000xf32, #tpu.memory_space<hbm>> -> memref<16x128xf32, #tpu.memory_space<hbm>>
        %dma_start3A_1466 = arith.constant 0 : i32
        %dma_start3A_1467 = arith.constant 2688 : i32
        %dma_start3A_1468 = tpu.memref_slice %arg6[%dma_start3A_1466, %dma_start3A_1467] : memref<16x6144xf32, #tpu.memory_space<vmem>> -> memref<16x128xf32, #tpu.memory_space<vmem>>
        %dma_start3A_1469 = arith.constant 0 : i32
        %dma_start3A_1470 = tpu.memref_slice %arg3[%dma_start3A_1469, %multiple_of3A_1460] : memref<16x1000000xf32, #tpu.memory_space<hbm>> -> memref<16x128xf32, #tpu.memory_space<hbm>>
        tpu.enqueue_dma source(%dma_start3A_1470 : memref<16x128xf32, #tpu.memory_space<hbm>>) target(%dma_start3A_1468 : memref<16x128xf32, #tpu.memory_space<vmem>>) target_semaphore(%arg9 : memref<!tpu.dma_semaphore, #tpu.memory_space<semaphore_mem>>)
        %slice3A_1471 = vector.extract_strided_slice %get3A_1368 {offsets = [6], sizes = [1], strides = [1]} : vector<16xi32> to vector<1xi32>
        %squeeze3A_1472 = vector.extract %slice3A_1471[0] : i32 from vector<1xi32>
        %shift_right_logical3A_1473 = arith.constant 7 : i32
        %shift_right_logical3A_1474 = arith.shrui %squeeze3A_1472, %shift_right_logical3A_1473 : i32
        %mul3A_1475 = arith.constant 128 : i32
        %mul3A_1476 = arith.muli %shift_right_logical3A_1474, %mul3A_1475 : i32
        %multiple_of3A_1477 = tpu.assume_multiple %mul3A_1476, 128 : i32
        %dma_start3A_1478 = arith.constant 0 : i32
        %dma_start3A_1479 = arith.constant 2816 : i32
        %dma_start3A_1480 = tpu.memref_slice %arg6[%dma_start3A_1478, %dma_start3A_1479] : memref<16x6144xf32, #tpu.memory_space<vmem>> -> memref<16x128xf32, #tpu.memory_space<vmem>>
        %dma_start3A_1481 = arith.constant 0 : i32
        %dma_start3A_1482 = tpu.memref_slice %arg3[%dma_start3A_1481, %multiple_of3A_1477] : memref<16x1000000xf32, #tpu.memory_space<hbm>> -> memref<16x128xf32, #tpu.memory_space<hbm>>
        %dma_start3A_1483 = arith.constant 0 : i32
        %dma_start3A_1484 = arith.constant 2816 : i32
        %dma_start3A_1485 = tpu.memref_slice %arg6[%dma_start3A_1483, %dma_start3A_1484] : memref<16x6144xf32, #tpu.memory_space<vmem>> -> memref<16x128xf32, #tpu.memory_space<vmem>>
        %dma_start3A_1486 = arith.constant 0 : i32
        %dma_start3A_1487 = tpu.memref_slice %arg3[%dma_start3A_1486, %multiple_of3A_1477] : memref<16x1000000xf32, #tpu.memory_space<hbm>> -> memref<16x128xf32, #tpu.memory_space<hbm>>
        tpu.enqueue_dma source(%dma_start3A_1487 : memref<16x128xf32, #tpu.memory_space<hbm>>) target(%dma_start3A_1485 : memref<16x128xf32, #tpu.memory_space<vmem>>) target_semaphore(%arg9 : memref<!tpu.dma_semaphore, #tpu.memory_space<semaphore_mem>>)
        %slice3A_1488 = vector.extract_strided_slice %get3A_1368 {offsets = [7], sizes = [1], strides = [1]} : vector<16xi32> to vector<1xi32>
        %squeeze3A_1489 = vector.extract %slice3A_1488[0] : i32 from vector<1xi32>
        %shift_right_logical3A_1490 = arith.constant 7 : i32
        %shift_right_logical3A_1491 = arith.shrui %squeeze3A_1489, %shift_right_logical3A_1490 : i32
        %mul3A_1492 = arith.constant 128 : i32
        %mul3A_1493 = arith.muli %shift_right_logical3A_1491, %mul3A_1492 : i32
        %multiple_of3A_1494 = tpu.assume_multiple %mul3A_1493, 128 : i32
        %dma_start3A_1495 = arith.constant 0 : i32
        %dma_start3A_1496 = arith.constant 2944 : i32
        %dma_start3A_1497 = tpu.memref_slice %arg6[%dma_start3A_1495, %dma_start3A_1496] : memref<16x6144xf32, #tpu.memory_space<vmem>> -> memref<16x128xf32, #tpu.memory_space<vmem>>
        %dma_start3A_1498 = arith.constant 0 : i32
        %dma_start3A_1499 = tpu.memref_slice %arg3[%dma_start3A_1498, %multiple_of3A_1494] : memref<16x1000000xf32, #tpu.memory_space<hbm>> -> memref<16x128xf32, #tpu.memory_space<hbm>>
        %dma_start3A_1500 = arith.constant 0 : i32
        %dma_start3A_1501 = arith.constant 2944 : i32
        %dma_start3A_1502 = tpu.memref_slice %arg6[%dma_start3A_1500, %dma_start3A_1501] : memref<16x6144xf32, #tpu.memory_space<vmem>> -> memref<16x128xf32, #tpu.memory_space<vmem>>
        %dma_start3A_1503 = arith.constant 0 : i32
        %dma_start3A_1504 = tpu.memref_slice %arg3[%dma_start3A_1503, %multiple_of3A_1494] : memref<16x1000000xf32, #tpu.memory_space<hbm>> -> memref<16x128xf32, #tpu.memory_space<hbm>>
        tpu.enqueue_dma source(%dma_start3A_1504 : memref<16x128xf32, #tpu.memory_space<hbm>>) target(%dma_start3A_1502 : memref<16x128xf32, #tpu.memory_space<vmem>>) target_semaphore(%arg9 : memref<!tpu.dma_semaphore, #tpu.memory_space<semaphore_mem>>)
        %slice3A_1505 = vector.extract_strided_slice %get3A_1368 {offsets = [8], sizes = [1], strides = [1]} : vector<16xi32> to vector<1xi32>
        %squeeze3A_1506 = vector.extract %slice3A_1505[0] : i32 from vector<1xi32>
        %shift_right_logical3A_1507 = arith.constant 7 : i32
        %shift_right_logical3A_1508 = arith.shrui %squeeze3A_1506, %shift_right_logical3A_1507 : i32
        %mul3A_1509 = arith.constant 128 : i32
        %mul3A_1510 = arith.muli %shift_right_logical3A_1508, %mul3A_1509 : i32
        %multiple_of3A_1511 = tpu.assume_multiple %mul3A_1510, 128 : i32
        %dma_start3A_1512 = arith.constant 0 : i32
        %dma_start3A_1513 = arith.constant 3072 : i32
        %dma_start3A_1514 = tpu.memref_slice %arg6[%dma_start3A_1512, %dma_start3A_1513] : memref<16x6144xf32, #tpu.memory_space<vmem>> -> memref<16x128xf32, #tpu.memory_space<vmem>>
        %dma_start3A_1515 = arith.constant 0 : i32
        %dma_start3A_1516 = tpu.memref_slice %arg3[%dma_start3A_1515, %multiple_of3A_1511] : memref<16x1000000xf32, #tpu.memory_space<hbm>> -> memref<16x128xf32, #tpu.memory_space<hbm>>
        %dma_start3A_1517 = arith.constant 0 : i32
        %dma_start3A_1518 = arith.constant 3072 : i32
        %dma_start3A_1519 = tpu.memref_slice %arg6[%dma_start3A_1517, %dma_start3A_1518] : memref<16x6144xf32, #tpu.memory_space<vmem>> -> memref<16x128xf32, #tpu.memory_space<vmem>>
        %dma_start3A_1520 = arith.constant 0 : i32
        %dma_start3A_1521 = tpu.memref_slice %arg3[%dma_start3A_1520, %multiple_of3A_1511] : memref<16x1000000xf32, #tpu.memory_space<hbm>> -> memref<16x128xf32, #tpu.memory_space<hbm>>
        tpu.enqueue_dma source(%dma_start3A_1521 : memref<16x128xf32, #tpu.memory_space<hbm>>) target(%dma_start3A_1519 : memref<16x128xf32, #tpu.memory_space<vmem>>) target_semaphore(%arg9 : memref<!tpu.dma_semaphore, #tpu.memory_space<semaphore_mem>>)
        %slice3A_1522 = vector.extract_strided_slice %get3A_1368 {offsets = [9], sizes = [1], strides = [1]} : vector<16xi32> to vector<1xi32>
        %squeeze3A_1523 = vector.extract %slice3A_1522[0] : i32 from vector<1xi32>
        %shift_right_logical3A_1524 = arith.constant 7 : i32
        %shift_right_logical3A_1525 = arith.shrui %squeeze3A_1523, %shift_right_logical3A_1524 : i32
        %mul3A_1526 = arith.constant 128 : i32
        %mul3A_1527 = arith.muli %shift_right_logical3A_1525, %mul3A_1526 : i32
        %multiple_of3A_1528 = tpu.assume_multiple %mul3A_1527, 128 : i32
        %dma_start3A_1529 = arith.constant 0 : i32
        %dma_start3A_1530 = arith.constant 3200 : i32
        %dma_start3A_1531 = tpu.memref_slice %arg6[%dma_start3A_1529, %dma_start3A_1530] : memref<16x6144xf32, #tpu.memory_space<vmem>> -> memref<16x128xf32, #tpu.memory_space<vmem>>
        %dma_start3A_1532 = arith.constant 0 : i32
        %dma_start3A_1533 = tpu.memref_slice %arg3[%dma_start3A_1532, %multiple_of3A_1528] : memref<16x1000000xf32, #tpu.memory_space<hbm>> -> memref<16x128xf32, #tpu.memory_space<hbm>>
        %dma_start3A_1534 = arith.constant 0 : i32
        %dma_start3A_1535 = arith.constant 3200 : i32
        %dma_start3A_1536 = tpu.memref_slice %arg6[%dma_start3A_1534, %dma_start3A_1535] : memref<16x6144xf32, #tpu.memory_space<vmem>> -> memref<16x128xf32, #tpu.memory_space<vmem>>
        %dma_start3A_1537 = arith.constant 0 : i32
        %dma_start3A_1538 = tpu.memref_slice %arg3[%dma_start3A_1537, %multiple_of3A_1528] : memref<16x1000000xf32, #tpu.memory_space<hbm>> -> memref<16x128xf32, #tpu.memory_space<hbm>>
        tpu.enqueue_dma source(%dma_start3A_1538 : memref<16x128xf32, #tpu.memory_space<hbm>>) target(%dma_start3A_1536 : memref<16x128xf32, #tpu.memory_space<vmem>>) target_semaphore(%arg9 : memref<!tpu.dma_semaphore, #tpu.memory_space<semaphore_mem>>)
        %slice3A_1539 = vector.extract_strided_slice %get3A_1368 {offsets = [10], sizes = [1], strides = [1]} : vector<16xi32> to vector<1xi32>
        %squeeze3A_1540 = vector.extract %slice3A_1539[0] : i32 from vector<1xi32>
        %shift_right_logical3A_1541 = arith.constant 7 : i32
        %shift_right_logical3A_1542 = arith.shrui %squeeze3A_1540, %shift_right_logical3A_1541 : i32
        %mul3A_1543 = arith.constant 128 : i32
        %mul3A_1544 = arith.muli %shift_right_logical3A_1542, %mul3A_1543 : i32
        %multiple_of3A_1545 = tpu.assume_multiple %mul3A_1544, 128 : i32
        %dma_start3A_1546 = arith.constant 0 : i32
        %dma_start3A_1547 = arith.constant 3328 : i32
        %dma_start3A_1548 = tpu.memref_slice %arg6[%dma_start3A_1546, %dma_start3A_1547] : memref<16x6144xf32, #tpu.memory_space<vmem>> -> memref<16x128xf32, #tpu.memory_space<vmem>>
        %dma_start3A_1549 = arith.constant 0 : i32
        %dma_start3A_1550 = tpu.memref_slice %arg3[%dma_start3A_1549, %multiple_of3A_1545] : memref<16x1000000xf32, #tpu.memory_space<hbm>> -> memref<16x128xf32, #tpu.memory_space<hbm>>
        %dma_start3A_1551 = arith.constant 0 : i32
        %dma_start3A_1552 = arith.constant 3328 : i32
        %dma_start3A_1553 = tpu.memref_slice %arg6[%dma_start3A_1551, %dma_start3A_1552] : memref<16x6144xf32, #tpu.memory_space<vmem>> -> memref<16x128xf32, #tpu.memory_space<vmem>>
        %dma_start3A_1554 = arith.constant 0 : i32
        %dma_start3A_1555 = tpu.memref_slice %arg3[%dma_start3A_1554, %multiple_of3A_1545] : memref<16x1000000xf32, #tpu.memory_space<hbm>> -> memref<16x128xf32, #tpu.memory_space<hbm>>
        tpu.enqueue_dma source(%dma_start3A_1555 : memref<16x128xf32, #tpu.memory_space<hbm>>) target(%dma_start3A_1553 : memref<16x128xf32, #tpu.memory_space<vmem>>) target_semaphore(%arg9 : memref<!tpu.dma_semaphore, #tpu.memory_space<semaphore_mem>>)
        %slice3A_1556 = vector.extract_strided_slice %get3A_1368 {offsets = [11], sizes = [1], strides = [1]} : vector<16xi32> to vector<1xi32>
        %squeeze3A_1557 = vector.extract %slice3A_1556[0] : i32 from vector<1xi32>
        %shift_right_logical3A_1558 = arith.constant 7 : i32
        %shift_right_logical3A_1559 = arith.shrui %squeeze3A_1557, %shift_right_logical3A_1558 : i32
        %mul3A_1560 = arith.constant 128 : i32
        %mul3A_1561 = arith.muli %shift_right_logical3A_1559, %mul3A_1560 : i32
        %multiple_of3A_1562 = tpu.assume_multiple %mul3A_1561, 128 : i32
        %dma_start3A_1563 = arith.constant 0 : i32
        %dma_start3A_1564 = arith.constant 3456 : i32
        %dma_start3A_1565 = tpu.memref_slice %arg6[%dma_start3A_1563, %dma_start3A_1564] : memref<16x6144xf32, #tpu.memory_space<vmem>> -> memref<16x128xf32, #tpu.memory_space<vmem>>
        %dma_start3A_1566 = arith.constant 0 : i32
        %dma_start3A_1567 = tpu.memref_slice %arg3[%dma_start3A_1566, %multiple_of3A_1562] : memref<16x1000000xf32, #tpu.memory_space<hbm>> -> memref<16x128xf32, #tpu.memory_space<hbm>>
        %dma_start3A_1568 = arith.constant 0 : i32
        %dma_start3A_1569 = arith.constant 3456 : i32
        %dma_start3A_1570 = tpu.memref_slice %arg6[%dma_start3A_1568, %dma_start3A_1569] : memref<16x6144xf32, #tpu.memory_space<vmem>> -> memref<16x128xf32, #tpu.memory_space<vmem>>
        %dma_start3A_1571 = arith.constant 0 : i32
        %dma_start3A_1572 = tpu.memref_slice %arg3[%dma_start3A_1571, %multiple_of3A_1562] : memref<16x1000000xf32, #tpu.memory_space<hbm>> -> memref<16x128xf32, #tpu.memory_space<hbm>>
        tpu.enqueue_dma source(%dma_start3A_1572 : memref<16x128xf32, #tpu.memory_space<hbm>>) target(%dma_start3A_1570 : memref<16x128xf32, #tpu.memory_space<vmem>>) target_semaphore(%arg9 : memref<!tpu.dma_semaphore, #tpu.memory_space<semaphore_mem>>)
        %slice3A_1573 = vector.extract_strided_slice %get3A_1368 {offsets = [12], sizes = [1], strides = [1]} : vector<16xi32> to vector<1xi32>
        %squeeze3A_1574 = vector.extract %slice3A_1573[0] : i32 from vector<1xi32>
        %shift_right_logical3A_1575 = arith.constant 7 : i32
        %shift_right_logical3A_1576 = arith.shrui %squeeze3A_1574, %shift_right_logical3A_1575 : i32
        %mul3A_1577 = arith.constant 128 : i32
        %mul3A_1578 = arith.muli %shift_right_logical3A_1576, %mul3A_1577 : i32
        %multiple_of3A_1579 = tpu.assume_multiple %mul3A_1578, 128 : i32
        %dma_start3A_1580 = arith.constant 0 : i32
        %dma_start3A_1581 = arith.constant 3584 : i32
        %dma_start3A_1582 = tpu.memref_slice %arg6[%dma_start3A_1580, %dma_start3A_1581] : memref<16x6144xf32, #tpu.memory_space<vmem>> -> memref<16x128xf32, #tpu.memory_space<vmem>>
        %dma_start3A_1583 = arith.constant 0 : i32
        %dma_start3A_1584 = tpu.memref_slice %arg3[%dma_start3A_1583, %multiple_of3A_1579] : memref<16x1000000xf32, #tpu.memory_space<hbm>> -> memref<16x128xf32, #tpu.memory_space<hbm>>
        %dma_start3A_1585 = arith.constant 0 : i32
        %dma_start3A_1586 = arith.constant 3584 : i32
        %dma_start3A_1587 = tpu.memref_slice %arg6[%dma_start3A_1585, %dma_start3A_1586] : memref<16x6144xf32, #tpu.memory_space<vmem>> -> memref<16x128xf32, #tpu.memory_space<vmem>>
        %dma_start3A_1588 = arith.constant 0 : i32
        %dma_start3A_1589 = tpu.memref_slice %arg3[%dma_start3A_1588, %multiple_of3A_1579] : memref<16x1000000xf32, #tpu.memory_space<hbm>> -> memref<16x128xf32, #tpu.memory_space<hbm>>
        tpu.enqueue_dma source(%dma_start3A_1589 : memref<16x128xf32, #tpu.memory_space<hbm>>) target(%dma_start3A_1587 : memref<16x128xf32, #tpu.memory_space<vmem>>) target_semaphore(%arg9 : memref<!tpu.dma_semaphore, #tpu.memory_space<semaphore_mem>>)
        %slice3A_1590 = vector.extract_strided_slice %get3A_1368 {offsets = [13], sizes = [1], strides = [1]} : vector<16xi32> to vector<1xi32>
        %squeeze3A_1591 = vector.extract %slice3A_1590[0] : i32 from vector<1xi32>
        %shift_right_logical3A_1592 = arith.constant 7 : i32
        %shift_right_logical3A_1593 = arith.shrui %squeeze3A_1591, %shift_right_logical3A_1592 : i32
        %mul3A_1594 = arith.constant 128 : i32
        %mul3A_1595 = arith.muli %shift_right_logical3A_1593, %mul3A_1594 : i32
        %multiple_of3A_1596 = tpu.assume_multiple %mul3A_1595, 128 : i32
        %dma_start3A_1597 = arith.constant 0 : i32
        %dma_start3A_1598 = arith.constant 3712 : i32
        %dma_start3A_1599 = tpu.memref_slice %arg6[%dma_start3A_1597, %dma_start3A_1598] : memref<16x6144xf32, #tpu.memory_space<vmem>> -> memref<16x128xf32, #tpu.memory_space<vmem>>
        %dma_start3A_1600 = arith.constant 0 : i32
        %dma_start3A_1601 = tpu.memref_slice %arg3[%dma_start3A_1600, %multiple_of3A_1596] : memref<16x1000000xf32, #tpu.memory_space<hbm>> -> memref<16x128xf32, #tpu.memory_space<hbm>>
        %dma_start3A_1602 = arith.constant 0 : i32
        %dma_start3A_1603 = arith.constant 3712 : i32
        %dma_start3A_1604 = tpu.memref_slice %arg6[%dma_start3A_1602, %dma_start3A_1603] : memref<16x6144xf32, #tpu.memory_space<vmem>> -> memref<16x128xf32, #tpu.memory_space<vmem>>
        %dma_start3A_1605 = arith.constant 0 : i32
        %dma_start3A_1606 = tpu.memref_slice %arg3[%dma_start3A_1605, %multiple_of3A_1596] : memref<16x1000000xf32, #tpu.memory_space<hbm>> -> memref<16x128xf32, #tpu.memory_space<hbm>>
        tpu.enqueue_dma source(%dma_start3A_1606 : memref<16x128xf32, #tpu.memory_space<hbm>>) target(%dma_start3A_1604 : memref<16x128xf32, #tpu.memory_space<vmem>>) target_semaphore(%arg9 : memref<!tpu.dma_semaphore, #tpu.memory_space<semaphore_mem>>)
        %slice3A_1607 = vector.extract_strided_slice %get3A_1368 {offsets = [14], sizes = [1], strides = [1]} : vector<16xi32> to vector<1xi32>
        %squeeze3A_1608 = vector.extract %slice3A_1607[0] : i32 from vector<1xi32>
        %shift_right_logical3A_1609 = arith.constant 7 : i32
        %shift_right_logical3A_1610 = arith.shrui %squeeze3A_1608, %shift_right_logical3A_1609 : i32
        %mul3A_1611 = arith.constant 128 : i32
        %mul3A_1612 = arith.muli %shift_right_logical3A_1610, %mul3A_1611 : i32
        %multiple_of3A_1613 = tpu.assume_multiple %mul3A_1612, 128 : i32
        %dma_start3A_1614 = arith.constant 0 : i32
        %dma_start3A_1615 = arith.constant 3840 : i32
        %dma_start3A_1616 = tpu.memref_slice %arg6[%dma_start3A_1614, %dma_start3A_1615] : memref<16x6144xf32, #tpu.memory_space<vmem>> -> memref<16x128xf32, #tpu.memory_space<vmem>>
        %dma_start3A_1617 = arith.constant 0 : i32
        %dma_start3A_1618 = tpu.memref_slice %arg3[%dma_start3A_1617, %multiple_of3A_1613] : memref<16x1000000xf32, #tpu.memory_space<hbm>> -> memref<16x128xf32, #tpu.memory_space<hbm>>
        %dma_start3A_1619 = arith.constant 0 : i32
        %dma_start3A_1620 = arith.constant 3840 : i32
        %dma_start3A_1621 = tpu.memref_slice %arg6[%dma_start3A_1619, %dma_start3A_1620] : memref<16x6144xf32, #tpu.memory_space<vmem>> -> memref<16x128xf32, #tpu.memory_space<vmem>>
        %dma_start3A_1622 = arith.constant 0 : i32
        %dma_start3A_1623 = tpu.memref_slice %arg3[%dma_start3A_1622, %multiple_of3A_1613] : memref<16x1000000xf32, #tpu.memory_space<hbm>> -> memref<16x128xf32, #tpu.memory_space<hbm>>
        tpu.enqueue_dma source(%dma_start3A_1623 : memref<16x128xf32, #tpu.memory_space<hbm>>) target(%dma_start3A_1621 : memref<16x128xf32, #tpu.memory_space<vmem>>) target_semaphore(%arg9 : memref<!tpu.dma_semaphore, #tpu.memory_space<semaphore_mem>>)
        %slice3A_1624 = vector.extract_strided_slice %get3A_1368 {offsets = [15], sizes = [1], strides = [1]} : vector<16xi32> to vector<1xi32>
        %squeeze3A_1625 = vector.extract %slice3A_1624[0] : i32 from vector<1xi32>
        %shift_right_logical3A_1626 = arith.constant 7 : i32
        %shift_right_logical3A_1627 = arith.shrui %squeeze3A_1625, %shift_right_logical3A_1626 : i32
        %mul3A_1628 = arith.constant 128 : i32
        %mul3A_1629 = arith.muli %shift_right_logical3A_1627, %mul3A_1628 : i32
        %multiple_of3A_1630 = tpu.assume_multiple %mul3A_1629, 128 : i32
        %dma_start3A_1631 = arith.constant 0 : i32
        %dma_start3A_1632 = arith.constant 3968 : i32
        %dma_start3A_1633 = tpu.memref_slice %arg6[%dma_start3A_1631, %dma_start3A_1632] : memref<16x6144xf32, #tpu.memory_space<vmem>> -> memref<16x128xf32, #tpu.memory_space<vmem>>
        %dma_start3A_1634 = arith.constant 0 : i32
        %dma_start3A_1635 = tpu.memref_slice %arg3[%dma_start3A_1634, %multiple_of3A_1630] : memref<16x1000000xf32, #tpu.memory_space<hbm>> -> memref<16x128xf32, #tpu.memory_space<hbm>>
        %dma_start3A_1636 = arith.constant 0 : i32
        %dma_start3A_1637 = arith.constant 3968 : i32
        %dma_start3A_1638 = tpu.memref_slice %arg6[%dma_start3A_1636, %dma_start3A_1637] : memref<16x6144xf32, #tpu.memory_space<vmem>> -> memref<16x128xf32, #tpu.memory_space<vmem>>
        %dma_start3A_1639 = arith.constant 0 : i32
        %dma_start3A_1640 = tpu.memref_slice %arg3[%dma_start3A_1639, %multiple_of3A_1630] : memref<16x1000000xf32, #tpu.memory_space<hbm>> -> memref<16x128xf32, #tpu.memory_space<hbm>>
        tpu.enqueue_dma source(%dma_start3A_1640 : memref<16x128xf32, #tpu.memory_space<hbm>>) target(%dma_start3A_1638 : memref<16x128xf32, #tpu.memory_space<vmem>>) target_semaphore(%arg9 : memref<!tpu.dma_semaphore, #tpu.memory_space<semaphore_mem>>)
      } else {
      }
      %add3A_1193 = arith.constant 2 : i32
      %add3A_1194 = arith.addi %mul3A_819, %add3A_1193 : i32
      %dma_wait3A_1195 = arith.constant 0 : i32
      %dma_wait3A_1196 = arith.constant 4096 : i32
      %dma_wait3A_1197 = tpu.memref_slice %arg6[%dma_wait3A_1195, %dma_wait3A_1196] : memref<16x6144xf32, #tpu.memory_space<vmem>> -> memref<16x2048xf32, #tpu.memory_space<vmem>>
      %dma_wait3A_1198 = arith.constant 0 : i32
      %dma_wait3A_1199 = arith.constant 0 : i32
      %dma_wait3A_1200 = tpu.memref_slice %arg3[%dma_wait3A_1198, %dma_wait3A_1199] : memref<16x1000000xf32, #tpu.memory_space<hbm>> -> memref<16x2048xf32, #tpu.memory_space<hbm>>
      %dma_wait3A_1201 = arith.constant 0 : i32
      %dma_wait3A_1202 = arith.constant 4096 : i32
      %dma_wait3A_1203 = tpu.memref_slice %arg6[%dma_wait3A_1201, %dma_wait3A_1202] : memref<16x6144xf32, #tpu.memory_space<vmem>> -> memref<16x2048xf32, #tpu.memory_space<vmem>>
      %dma_wait3A_1204 = arith.constant 0 : i32
      %dma_wait3A_1205 = arith.constant 0 : i32
      %dma_wait3A_1206 = tpu.memref_slice %arg3[%dma_wait3A_1204, %dma_wait3A_1205] : memref<16x1000000xf32, #tpu.memory_space<hbm>> -> memref<16x2048xf32, #tpu.memory_space<hbm>>
      tpu.wait_dma2 semaphore(%arg10 : memref<!tpu.dma_semaphore, #tpu.memory_space<semaphore_mem>>) src(%dma_wait3A_1206 : memref<16x2048xf32, #tpu.memory_space<hbm>>) dst(%dma_wait3A_1203 : memref<16x2048xf32, #tpu.memory_space<vmem>>)
      %mul3A_1207 = arith.constant 16 : i32
      %mul3A_1208 = arith.muli %add3A_1194, %mul3A_1207 : i32
      %get3A_1209 = arith.index_cast %mul3A_1208 : i32 to index
      %get3A_1210 = tpu.vector_load %arg5[%get3A_1209] {strides = array<i32>} : memref<512xi32, #tpu.memory_space<vmem>>, vector<16xi32>,
      %add3A_1211 = arith.constant 32 : i32
      %add3A_1212 = vector.broadcast %add3A_1211 : i32 to vector<16xi32>
      %add3A_1213 = arith.addi %add3A_1212, %iota3A : vector<16xi32>
      %mul3A_1214 = arith.constant 128 : i32
      %mul3A_1215 = vector.broadcast %mul3A_1214 : i32 to vector<16xi32>
      %mul3A_1216 = arith.muli %add3A_1213, %mul3A_1215 : vector<16xi32>
      %and3A_1217 = arith.constant 127 : i32
      %and3A_1218 = vector.broadcast %and3A_1217 : i32 to vector<16xi32>
      %and3A_1219 = arith.andi %get3A_1210, %and3A_1218 : vector<16xi32>
      %add3A_1220 = arith.addi %mul3A_1216, %and3A_1219 : vector<16xi32>
      %broadcast_in_dim3A_1221 = arith.constant 0 : i32
      %broadcast_in_dim3A_1222 = vector.broadcast %broadcast_in_dim3A_1221 : i32 to vector<16xi32>
      %gather3A_1223 = tpu.vector_load_idx %arg6[%broadcast_in_dim3A_1222, %add3A_1220] : memref<16x6144xf32, #tpu.memory_space<vmem>>[vector<16xi32>, vector<16xi32>], vector<16xf32>,
      %mul3A_1224 = arith.constant 16 : i32
      %mul3A_1225 = arith.muli %add3A_1194, %mul3A_1224 : i32
      %swap3A_1226 = arith.constant 0 : i32
      %swap3A_1227 = arith.index_cast %swap3A_1226 : i32 to index
      %swap3A_1228 = arith.index_cast %mul3A_1225 : i32 to index
      %swap3A_1229 = tpu.vector_load %arg7[%swap3A_1227, %swap3A_1228] {strides = array<i32>} : memref<16x512xf32, #tpu.memory_space<vmem>>, vector<16xf32>,
      tpu.vector_store %arg7[%swap3A_1227, %swap3A_1228], %gather3A_1223 {strides = array<i32>} : memref<16x512xf32, #tpu.memory_space<vmem>>, vector<16xf32>,
      %broadcast_in_dim3A_1230 = arith.constant 1 : i32
      %broadcast_in_dim3A_1231 = vector.broadcast %broadcast_in_dim3A_1230 : i32 to vector<16xi32>
      %gather3A_1232 = tpu.vector_load_idx %arg6[%broadcast_in_dim3A_1231, %add3A_1220] : memref<16x6144xf32, #tpu.memory_space<vmem>>[vector<16xi32>, vector<16xi32>], vector<16xf32>,
      %mul3A_1233 = arith.constant 16 : i32
      %mul3A_1234 = arith.muli %add3A_1194, %mul3A_1233 : i32
      %swap3A_1235 = arith.constant 1 : i32
      %swap3A_1236 = arith.index_cast %swap3A_1235 : i32 to index
      %swap3A_1237 = arith.index_cast %mul3A_1234 : i32 to index
      %swap3A_1238 = tpu.vector_load %arg7[%swap3A_1236, %swap3A_1237] {strides = array<i32>} : memref<16x512xf32, #tpu.memory_space<vmem>>, vector<16xf32>,
      tpu.vector_store %arg7[%swap3A_1236, %swap3A_1237], %gather3A_1232 {strides = array<i32>} : memref<16x512xf32, #tpu.memory_space<vmem>>, vector<16xf32>,
      %broadcast_in_dim3A_1239 = arith.constant 2 : i32
      %broadcast_in_dim3A_1240 = vector.broadcast %broadcast_in_dim3A_1239 : i32 to vector<16xi32>
      %gather3A_1241 = tpu.vector_load_idx %arg6[%broadcast_in_dim3A_1240, %add3A_1220] : memref<16x6144xf32, #tpu.memory_space<vmem>>[vector<16xi32>, vector<16xi32>], vector<16xf32>,
      %mul3A_1242 = arith.constant 16 : i32
      %mul3A_1243 = arith.muli %add3A_1194, %mul3A_1242 : i32
      %swap3A_1244 = arith.constant 2 : i32
      %swap3A_1245 = arith.index_cast %swap3A_1244 : i32 to index
      %swap3A_1246 = arith.index_cast %mul3A_1243 : i32 to index
      %swap3A_1247 = tpu.vector_load %arg7[%swap3A_1245, %swap3A_1246] {strides = array<i32>} : memref<16x512xf32, #tpu.memory_space<vmem>>, vector<16xf32>,
      tpu.vector_store %arg7[%swap3A_1245, %swap3A_1246], %gather3A_1241 {strides = array<i32>} : memref<16x512xf32, #tpu.memory_space<vmem>>, vector<16xf32>,
      %broadcast_in_dim3A_1248 = arith.constant 3 : i32
      %broadcast_in_dim3A_1249 = vector.broadcast %broadcast_in_dim3A_1248 : i32 to vector<16xi32>
      %gather3A_1250 = tpu.vector_load_idx %arg6[%broadcast_in_dim3A_1249, %add3A_1220] : memref<16x6144xf32, #tpu.memory_space<vmem>>[vector<16xi32>, vector<16xi32>], vector<16xf32>,
      %mul3A_1251 = arith.constant 16 : i32
      %mul3A_1252 = arith.muli %add3A_1194, %mul3A_1251 : i32
      %swap3A_1253 = arith.constant 3 : i32
      %swap3A_1254 = arith.index_cast %swap3A_1253 : i32 to index
      %swap3A_1255 = arith.index_cast %mul3A_1252 : i32 to index
      %swap3A_1256 = tpu.vector_load %arg7[%swap3A_1254, %swap3A_1255] {strides = array<i32>} : memref<16x512xf32, #tpu.memory_space<vmem>>, vector<16xf32>,
      tpu.vector_store %arg7[%swap3A_1254, %swap3A_1255], %gather3A_1250 {strides = array<i32>} : memref<16x512xf32, #tpu.memory_space<vmem>>, vector<16xf32>,
      %broadcast_in_dim3A_1257 = arith.constant 4 : i32
      %broadcast_in_dim3A_1258 = vector.broadcast %broadcast_in_dim3A_1257 : i32 to vector<16xi32>
      %gather3A_1259 = tpu.vector_load_idx %arg6[%broadcast_in_dim3A_1258, %add3A_1220] : memref<16x6144xf32, #tpu.memory_space<vmem>>[vector<16xi32>, vector<16xi32>], vector<16xf32>,
      %mul3A_1260 = arith.constant 16 : i32
      %mul3A_1261 = arith.muli %add3A_1194, %mul3A_1260 : i32
      %swap3A_1262 = arith.constant 4 : i32
      %swap3A_1263 = arith.index_cast %swap3A_1262 : i32 to index
      %swap3A_1264 = arith.index_cast %mul3A_1261 : i32 to index
      %swap3A_1265 = tpu.vector_load %arg7[%swap3A_1263, %swap3A_1264] {strides = array<i32>} : memref<16x512xf32, #tpu.memory_space<vmem>>, vector<16xf32>,
      tpu.vector_store %arg7[%swap3A_1263, %swap3A_1264], %gather3A_1259 {strides = array<i32>} : memref<16x512xf32, #tpu.memory_space<vmem>>, vector<16xf32>,
      %broadcast_in_dim3A_1266 = arith.constant 5 : i32
      %broadcast_in_dim3A_1267 = vector.broadcast %broadcast_in_dim3A_1266 : i32 to vector<16xi32>
      %gather3A_1268 = tpu.vector_load_idx %arg6[%broadcast_in_dim3A_1267, %add3A_1220] : memref<16x6144xf32, #tpu.memory_space<vmem>>[vector<16xi32>, vector<16xi32>], vector<16xf32>,
      %mul3A_1269 = arith.constant 16 : i32
      %mul3A_1270 = arith.muli %add3A_1194, %mul3A_1269 : i32
      %swap3A_1271 = arith.constant 5 : i32
      %swap3A_1272 = arith.index_cast %swap3A_1271 : i32 to index
      %swap3A_1273 = arith.index_cast %mul3A_1270 : i32 to index
      %swap3A_1274 = tpu.vector_load %arg7[%swap3A_1272, %swap3A_1273] {strides = array<i32>} : memref<16x512xf32, #tpu.memory_space<vmem>>, vector<16xf32>,
      tpu.vector_store %arg7[%swap3A_1272, %swap3A_1273], %gather3A_1268 {strides = array<i32>} : memref<16x512xf32, #tpu.memory_space<vmem>>, vector<16xf32>,
      %broadcast_in_dim3A_1275 = arith.constant 6 : i32
      %broadcast_in_dim3A_1276 = vector.broadcast %broadcast_in_dim3A_1275 : i32 to vector<16xi32>
      %gather3A_1277 = tpu.vector_load_idx %arg6[%broadcast_in_dim3A_1276, %add3A_1220] : memref<16x6144xf32, #tpu.memory_space<vmem>>[vector<16xi32>, vector<16xi32>], vector<16xf32>,
      %mul3A_1278 = arith.constant 16 : i32
      %mul3A_1279 = arith.muli %add3A_1194, %mul3A_1278 : i32
      %swap3A_1280 = arith.constant 6 : i32
      %swap3A_1281 = arith.index_cast %swap3A_1280 : i32 to index
      %swap3A_1282 = arith.index_cast %mul3A_1279 : i32 to index
      %swap3A_1283 = tpu.vector_load %arg7[%swap3A_1281, %swap3A_1282] {strides = array<i32>} : memref<16x512xf32, #tpu.memory_space<vmem>>, vector<16xf32>,
      tpu.vector_store %arg7[%swap3A_1281, %swap3A_1282], %gather3A_1277 {strides = array<i32>} : memref<16x512xf32, #tpu.memory_space<vmem>>, vector<16xf32>,
      %broadcast_in_dim3A_1284 = arith.constant 7 : i32
      %broadcast_in_dim3A_1285 = vector.broadcast %broadcast_in_dim3A_1284 : i32 to vector<16xi32>
      %gather3A_1286 = tpu.vector_load_idx %arg6[%broadcast_in_dim3A_1285, %add3A_1220] : memref<16x6144xf32, #tpu.memory_space<vmem>>[vector<16xi32>, vector<16xi32>], vector<16xf32>,
      %mul3A_1287 = arith.constant 16 : i32
      %mul3A_1288 = arith.muli %add3A_1194, %mul3A_1287 : i32
      %swap3A_1289 = arith.constant 7 : i32
      %swap3A_1290 = arith.index_cast %swap3A_1289 : i32 to index
      %swap3A_1291 = arith.index_cast %mul3A_1288 : i32 to index
      %swap3A_1292 = tpu.vector_load %arg7[%swap3A_1290, %swap3A_1291] {strides = array<i32>} : memref<16x512xf32, #tpu.memory_space<vmem>>, vector<16xf32>,
      tpu.vector_store %arg7[%swap3A_1290, %swap3A_1291], %gather3A_1286 {strides = array<i32>} : memref<16x512xf32, #tpu.memory_space<vmem>>, vector<16xf32>,
      %broadcast_in_dim3A_1293 = arith.constant 8 : i32
      %broadcast_in_dim3A_1294 = vector.broadcast %broadcast_in_dim3A_1293 : i32 to vector<16xi32>
      %gather3A_1295 = tpu.vector_load_idx %arg6[%broadcast_in_dim3A_1294, %add3A_1220] : memref<16x6144xf32, #tpu.memory_space<vmem>>[vector<16xi32>, vector<16xi32>], vector<16xf32>,
      %mul3A_1296 = arith.constant 16 : i32
      %mul3A_1297 = arith.muli %add3A_1194, %mul3A_1296 : i32
      %swap3A_1298 = arith.constant 8 : i32
      %swap3A_1299 = arith.index_cast %swap3A_1298 : i32 to index
      %swap3A_1300 = arith.index_cast %mul3A_1297 : i32 to index
      %swap3A_1301 = tpu.vector_load %arg7[%swap3A_1299, %swap3A_1300] {strides = array<i32>} : memref<16x512xf32, #tpu.memory_space<vmem>>, vector<16xf32>,
      tpu.vector_store %arg7[%swap3A_1299, %swap3A_1300], %gather3A_1295 {strides = array<i32>} : memref<16x512xf32, #tpu.memory_space<vmem>>, vector<16xf32>,
      %broadcast_in_dim3A_1302 = arith.constant 9 : i32
      %broadcast_in_dim3A_1303 = vector.broadcast %broadcast_in_dim3A_1302 : i32 to vector<16xi32>
      %gather3A_1304 = tpu.vector_load_idx %arg6[%broadcast_in_dim3A_1303, %add3A_1220] : memref<16x6144xf32, #tpu.memory_space<vmem>>[vector<16xi32>, vector<16xi32>], vector<16xf32>,
      %mul3A_1305 = arith.constant 16 : i32
      %mul3A_1306 = arith.muli %add3A_1194, %mul3A_1305 : i32
      %swap3A_1307 = arith.constant 9 : i32
      %swap3A_1308 = arith.index_cast %swap3A_1307 : i32 to index
      %swap3A_1309 = arith.index_cast %mul3A_1306 : i32 to index
      %swap3A_1310 = tpu.vector_load %arg7[%swap3A_1308, %swap3A_1309] {strides = array<i32>} : memref<16x512xf32, #tpu.memory_space<vmem>>, vector<16xf32>,
      tpu.vector_store %arg7[%swap3A_1308, %swap3A_1309], %gather3A_1304 {strides = array<i32>} : memref<16x512xf32, #tpu.memory_space<vmem>>, vector<16xf32>,
      %broadcast_in_dim3A_1311 = arith.constant 10 : i32
      %broadcast_in_dim3A_1312 = vector.broadcast %broadcast_in_dim3A_1311 : i32 to vector<16xi32>
      %gather3A_1313 = tpu.vector_load_idx %arg6[%broadcast_in_dim3A_1312, %add3A_1220] : memref<16x6144xf32, #tpu.memory_space<vmem>>[vector<16xi32>, vector<16xi32>], vector<16xf32>,
      %mul3A_1314 = arith.constant 16 : i32
      %mul3A_1315 = arith.muli %add3A_1194, %mul3A_1314 : i32
      %swap3A_1316 = arith.constant 10 : i32
      %swap3A_1317 = arith.index_cast %swap3A_1316 : i32 to index
      %swap3A_1318 = arith.index_cast %mul3A_1315 : i32 to index
      %swap3A_1319 = tpu.vector_load %arg7[%swap3A_1317, %swap3A_1318] {strides = array<i32>} : memref<16x512xf32, #tpu.memory_space<vmem>>, vector<16xf32>,
      tpu.vector_store %arg7[%swap3A_1317, %swap3A_1318], %gather3A_1313 {strides = array<i32>} : memref<16x512xf32, #tpu.memory_space<vmem>>, vector<16xf32>,
      %broadcast_in_dim3A_1320 = arith.constant 11 : i32
      %broadcast_in_dim3A_1321 = vector.broadcast %broadcast_in_dim3A_1320 : i32 to vector<16xi32>
      %gather3A_1322 = tpu.vector_load_idx %arg6[%broadcast_in_dim3A_1321, %add3A_1220] : memref<16x6144xf32, #tpu.memory_space<vmem>>[vector<16xi32>, vector<16xi32>], vector<16xf32>,
      %mul3A_1323 = arith.constant 16 : i32
      %mul3A_1324 = arith.muli %add3A_1194, %mul3A_1323 : i32
      %swap3A_1325 = arith.constant 11 : i32
      %swap3A_1326 = arith.index_cast %swap3A_1325 : i32 to index
      %swap3A_1327 = arith.index_cast %mul3A_1324 : i32 to index
      %swap3A_1328 = tpu.vector_load %arg7[%swap3A_1326, %swap3A_1327] {strides = array<i32>} : memref<16x512xf32, #tpu.memory_space<vmem>>, vector<16xf32>,
      tpu.vector_store %arg7[%swap3A_1326, %swap3A_1327], %gather3A_1322 {strides = array<i32>} : memref<16x512xf32, #tpu.memory_space<vmem>>, vector<16xf32>,
      %broadcast_in_dim3A_1329 = arith.constant 12 : i32
      %broadcast_in_dim3A_1330 = vector.broadcast %broadcast_in_dim3A_1329 : i32 to vector<16xi32>
      %gather3A_1331 = tpu.vector_load_idx %arg6[%broadcast_in_dim3A_1330, %add3A_1220] : memref<16x6144xf32, #tpu.memory_space<vmem>>[vector<16xi32>, vector<16xi32>], vector<16xf32>,
      %mul3A_1332 = arith.constant 16 : i32
      %mul3A_1333 = arith.muli %add3A_1194, %mul3A_1332 : i32
      %swap3A_1334 = arith.constant 12 : i32
      %swap3A_1335 = arith.index_cast %swap3A_1334 : i32 to index
      %swap3A_1336 = arith.index_cast %mul3A_1333 : i32 to index
      %swap3A_1337 = tpu.vector_load %arg7[%swap3A_1335, %swap3A_1336] {strides = array<i32>} : memref<16x512xf32, #tpu.memory_space<vmem>>, vector<16xf32>,
      tpu.vector_store %arg7[%swap3A_1335, %swap3A_1336], %gather3A_1331 {strides = array<i32>} : memref<16x512xf32, #tpu.memory_space<vmem>>, vector<16xf32>,
      %broadcast_in_dim3A_1338 = arith.constant 13 : i32
      %broadcast_in_dim3A_1339 = vector.broadcast %broadcast_in_dim3A_1338 : i32 to vector<16xi32>
      %gather3A_1340 = tpu.vector_load_idx %arg6[%broadcast_in_dim3A_1339, %add3A_1220] : memref<16x6144xf32, #tpu.memory_space<vmem>>[vector<16xi32>, vector<16xi32>], vector<16xf32>,
      %mul3A_1341 = arith.constant 16 : i32
      %mul3A_1342 = arith.muli %add3A_1194, %mul3A_1341 : i32
      %swap3A_1343 = arith.constant 13 : i32
      %swap3A_1344 = arith.index_cast %swap3A_1343 : i32 to index
      %swap3A_1345 = arith.index_cast %mul3A_1342 : i32 to index
      %swap3A_1346 = tpu.vector_load %arg7[%swap3A_1344, %swap3A_1345] {strides = array<i32>} : memref<16x512xf32, #tpu.memory_space<vmem>>, vector<16xf32>,
      tpu.vector_store %arg7[%swap3A_1344, %swap3A_1345], %gather3A_1340 {strides = array<i32>} : memref<16x512xf32, #tpu.memory_space<vmem>>, vector<16xf32>,
      %broadcast_in_dim3A_1347 = arith.constant 14 : i32
      %broadcast_in_dim3A_1348 = vector.broadcast %broadcast_in_dim3A_1347 : i32 to vector<16xi32>
      %gather3A_1349 = tpu.vector_load_idx %arg6[%broadcast_in_dim3A_1348, %add3A_1220] : memref<16x6144xf32, #tpu.memory_space<vmem>>[vector<16xi32>, vector<16xi32>], vector<16xf32>,
      %mul3A_1350 = arith.constant 16 : i32
      %mul3A_1351 = arith.muli %add3A_1194, %mul3A_1350 : i32
      %swap3A_1352 = arith.constant 14 : i32
      %swap3A_1353 = arith.index_cast %swap3A_1352 : i32 to index
      %swap3A_1354 = arith.index_cast %mul3A_1351 : i32 to index
      %swap3A_1355 = tpu.vector_load %arg7[%swap3A_1353, %swap3A_1354] {strides = array<i32>} : memref<16x512xf32, #tpu.memory_space<vmem>>, vector<16xf32>,
      tpu.vector_store %arg7[%swap3A_1353, %swap3A_1354], %gather3A_1349 {strides = array<i32>} : memref<16x512xf32, #tpu.memory_space<vmem>>, vector<16xf32>,
      %broadcast_in_dim3A_1356 = arith.constant 15 : i32
      %broadcast_in_dim3A_1357 = vector.broadcast %broadcast_in_dim3A_1356 : i32 to vector<16xi32>
      %gather3A_1358 = tpu.vector_load_idx %arg6[%broadcast_in_dim3A_1357, %add3A_1220] : memref<16x6144xf32, #tpu.memory_space<vmem>>[vector<16xi32>, vector<16xi32>], vector<16xf32>,
      %mul3A_1359 = arith.constant 16 : i32
      %mul3A_1360 = arith.muli %add3A_1194, %mul3A_1359 : i32
      %swap3A_1361 = arith.constant 15 : i32
      %swap3A_1362 = arith.index_cast %swap3A_1361 : i32 to index
      %swap3A_1363 = arith.index_cast %mul3A_1360 : i32 to index
      %swap3A_1364 = tpu.vector_load %arg7[%swap3A_1362, %swap3A_1363] {strides = array<i32>} : memref<16x512xf32, #tpu.memory_space<vmem>>, vector<16xf32>,
      tpu.vector_store %arg7[%swap3A_1362, %swap3A_1363], %gather3A_1358 {strides = array<i32>} : memref<16x512xf32, #tpu.memory_space<vmem>>, vector<16xf32>,
    }
    %scan3A_549 = arith.constant 10 : i32
    %dma_wait3A = arith.constant 0 : i32
    %dma_wait3A_550 = arith.constant 0 : i32
    %dma_wait3A_551 = tpu.memref_slice %arg6[%dma_wait3A, %dma_wait3A_550] : memref<16x6144xf32, #tpu.memory_space<vmem>> -> memref<16x2048xf32, #tpu.memory_space<vmem>>
    %dma_wait3A_552 = arith.constant 0 : i32
    %dma_wait3A_553 = arith.constant 0 : i32
    %dma_wait3A_554 = tpu.memref_slice %arg3[%dma_wait3A_552, %dma_wait3A_553] : memref<16x1000000xf32, #tpu.memory_space<hbm>> -> memref<16x2048xf32, #tpu.memory_space<hbm>>
    %dma_wait3A_555 = arith.constant 0 : i32
    %dma_wait3A_556 = arith.constant 0 : i32
    %dma_wait3A_557 = tpu.memref_slice %arg6[%dma_wait3A_555, %dma_wait3A_556] : memref<16x6144xf32, #tpu.memory_space<vmem>> -> memref<16x2048xf32, #tpu.memory_space<vmem>>
    %dma_wait3A_558 = arith.constant 0 : i32
    %dma_wait3A_559 = arith.constant 0 : i32
    %dma_wait3A_560 = tpu.memref_slice %arg3[%dma_wait3A_558, %dma_wait3A_559] : memref<16x1000000xf32, #tpu.memory_space<hbm>> -> memref<16x2048xf32, #tpu.memory_space<hbm>>
    tpu.wait_dma2 semaphore(%arg8 : memref<!tpu.dma_semaphore, #tpu.memory_space<semaphore_mem>>) src(%dma_wait3A_560 : memref<16x2048xf32, #tpu.memory_space<hbm>>) dst(%dma_wait3A_557 : memref<16x2048xf32, #tpu.memory_space<vmem>>)
    %get3A_561 = arith.constant 480 : index
    %get3A_562 = tpu.vector_load %arg5[%get3A_561] {strides = array<i32>} : memref<512xi32, #tpu.memory_space<vmem>>, vector<16xi32>,
    %add3A_563 = arith.constant 0 : i32
    %add3A_564 = vector.broadcast %add3A_563 : i32 to vector<16xi32>
    %add3A_565 = arith.addi %add3A_564, %iota3A : vector<16xi32>
    %mul3A_566 = arith.constant 128 : i32
    %mul3A_567 = vector.broadcast %mul3A_566 : i32 to vector<16xi32>
    %mul3A_568 = arith.muli %add3A_565, %mul3A_567 : vector<16xi32>
    %and3A = arith.constant 127 : i32
    %and3A_569 = vector.broadcast %and3A : i32 to vector<16xi32>
    %and3A_570 = arith.andi %get3A_562, %and3A_569 : vector<16xi32>
    %add3A_571 = arith.addi %mul3A_568, %and3A_570 : vector<16xi32>
    %broadcast_in_dim3A = arith.constant 0 : i32
    %broadcast_in_dim3A_572 = vector.broadcast %broadcast_in_dim3A : i32 to vector<16xi32>
    %gather3A = tpu.vector_load_idx %arg6[%broadcast_in_dim3A_572, %add3A_571] : memref<16x6144xf32, #tpu.memory_space<vmem>>[vector<16xi32>, vector<16xi32>], vector<16xf32>,
    %swap3A = arith.constant 0 : i32
    %swap3A_573 = arith.index_cast %swap3A : i32 to index
    %swap3A_574 = arith.constant 480 : index
    %swap3A_575 = tpu.vector_load %arg7[%swap3A_573, %swap3A_574] {strides = array<i32>} : memref<16x512xf32, #tpu.memory_space<vmem>>, vector<16xf32>,
    tpu.vector_store %arg7[%swap3A_573, %swap3A_574], %gather3A {strides = array<i32>} : memref<16x512xf32, #tpu.memory_space<vmem>>, vector<16xf32>,
    %broadcast_in_dim3A_576 = arith.constant 1 : i32
    %broadcast_in_dim3A_577 = vector.broadcast %broadcast_in_dim3A_576 : i32 to vector<16xi32>
    %gather3A_578 = tpu.vector_load_idx %arg6[%broadcast_in_dim3A_577, %add3A_571] : memref<16x6144xf32, #tpu.memory_space<vmem>>[vector<16xi32>, vector<16xi32>], vector<16xf32>,
    %swap3A_579 = arith.constant 1 : i32
    %swap3A_580 = arith.index_cast %swap3A_579 : i32 to index
    %swap3A_581 = arith.constant 480 : index
    %swap3A_582 = tpu.vector_load %arg7[%swap3A_580, %swap3A_581] {strides = array<i32>} : memref<16x512xf32, #tpu.memory_space<vmem>>, vector<16xf32>,
    tpu.vector_store %arg7[%swap3A_580, %swap3A_581], %gather3A_578 {strides = array<i32>} : memref<16x512xf32, #tpu.memory_space<vmem>>, vector<16xf32>,
    %broadcast_in_dim3A_583 = arith.constant 2 : i32
    %broadcast_in_dim3A_584 = vector.broadcast %broadcast_in_dim3A_583 : i32 to vector<16xi32>
    %gather3A_585 = tpu.vector_load_idx %arg6[%broadcast_in_dim3A_584, %add3A_571] : memref<16x6144xf32, #tpu.memory_space<vmem>>[vector<16xi32>, vector<16xi32>], vector<16xf32>,
    %swap3A_586 = arith.constant 2 : i32
    %swap3A_587 = arith.index_cast %swap3A_586 : i32 to index
    %swap3A_588 = arith.constant 480 : index
    %swap3A_589 = tpu.vector_load %arg7[%swap3A_587, %swap3A_588] {strides = array<i32>} : memref<16x512xf32, #tpu.memory_space<vmem>>, vector<16xf32>,
    tpu.vector_store %arg7[%swap3A_587, %swap3A_588], %gather3A_585 {strides = array<i32>} : memref<16x512xf32, #tpu.memory_space<vmem>>, vector<16xf32>,
    %broadcast_in_dim3A_590 = arith.constant 3 : i32
    %broadcast_in_dim3A_591 = vector.broadcast %broadcast_in_dim3A_590 : i32 to vector<16xi32>
    %gather3A_592 = tpu.vector_load_idx %arg6[%broadcast_in_dim3A_591, %add3A_571] : memref<16x6144xf32, #tpu.memory_space<vmem>>[vector<16xi32>, vector<16xi32>], vector<16xf32>,
    %swap3A_593 = arith.constant 3 : i32
    %swap3A_594 = arith.index_cast %swap3A_593 : i32 to index
    %swap3A_595 = arith.constant 480 : index
    %swap3A_596 = tpu.vector_load %arg7[%swap3A_594, %swap3A_595] {strides = array<i32>} : memref<16x512xf32, #tpu.memory_space<vmem>>, vector<16xf32>,
    tpu.vector_store %arg7[%swap3A_594, %swap3A_595], %gather3A_592 {strides = array<i32>} : memref<16x512xf32, #tpu.memory_space<vmem>>, vector<16xf32>,
    %broadcast_in_dim3A_597 = arith.constant 4 : i32
    %broadcast_in_dim3A_598 = vector.broadcast %broadcast_in_dim3A_597 : i32 to vector<16xi32>
    %gather3A_599 = tpu.vector_load_idx %arg6[%broadcast_in_dim3A_598, %add3A_571] : memref<16x6144xf32, #tpu.memory_space<vmem>>[vector<16xi32>, vector<16xi32>], vector<16xf32>,
    %swap3A_600 = arith.constant 4 : i32
    %swap3A_601 = arith.index_cast %swap3A_600 : i32 to index
    %swap3A_602 = arith.constant 480 : index
    %swap3A_603 = tpu.vector_load %arg7[%swap3A_601, %swap3A_602] {strides = array<i32>} : memref<16x512xf32, #tpu.memory_space<vmem>>, vector<16xf32>,
    tpu.vector_store %arg7[%swap3A_601, %swap3A_602], %gather3A_599 {strides = array<i32>} : memref<16x512xf32, #tpu.memory_space<vmem>>, vector<16xf32>,
    %broadcast_in_dim3A_604 = arith.constant 5 : i32
    %broadcast_in_dim3A_605 = vector.broadcast %broadcast_in_dim3A_604 : i32 to vector<16xi32>
    %gather3A_606 = tpu.vector_load_idx %arg6[%broadcast_in_dim3A_605, %add3A_571] : memref<16x6144xf32, #tpu.memory_space<vmem>>[vector<16xi32>, vector<16xi32>], vector<16xf32>,
    %swap3A_607 = arith.constant 5 : i32
    %swap3A_608 = arith.index_cast %swap3A_607 : i32 to index
    %swap3A_609 = arith.constant 480 : index
    %swap3A_610 = tpu.vector_load %arg7[%swap3A_608, %swap3A_609] {strides = array<i32>} : memref<16x512xf32, #tpu.memory_space<vmem>>, vector<16xf32>,
    tpu.vector_store %arg7[%swap3A_608, %swap3A_609], %gather3A_606 {strides = array<i32>} : memref<16x512xf32, #tpu.memory_space<vmem>>, vector<16xf32>,
    %broadcast_in_dim3A_611 = arith.constant 6 : i32
    %broadcast_in_dim3A_612 = vector.broadcast %broadcast_in_dim3A_611 : i32 to vector<16xi32>
    %gather3A_613 = tpu.vector_load_idx %arg6[%broadcast_in_dim3A_612, %add3A_571] : memref<16x6144xf32, #tpu.memory_space<vmem>>[vector<16xi32>, vector<16xi32>], vector<16xf32>,
    %swap3A_614 = arith.constant 6 : i32
    %swap3A_615 = arith.index_cast %swap3A_614 : i32 to index
    %swap3A_616 = arith.constant 480 : index
    %swap3A_617 = tpu.vector_load %arg7[%swap3A_615, %swap3A_616] {strides = array<i32>} : memref<16x512xf32, #tpu.memory_space<vmem>>, vector<16xf32>,
    tpu.vector_store %arg7[%swap3A_615, %swap3A_616], %gather3A_613 {strides = array<i32>} : memref<16x512xf32, #tpu.memory_space<vmem>>, vector<16xf32>,
    %broadcast_in_dim3A_618 = arith.constant 7 : i32
    %broadcast_in_dim3A_619 = vector.broadcast %broadcast_in_dim3A_618 : i32 to vector<16xi32>
    %gather3A_620 = tpu.vector_load_idx %arg6[%broadcast_in_dim3A_619, %add3A_571] : memref<16x6144xf32, #tpu.memory_space<vmem>>[vector<16xi32>, vector<16xi32>], vector<16xf32>,
    %swap3A_621 = arith.constant 7 : i32
    %swap3A_622 = arith.index_cast %swap3A_621 : i32 to index
    %swap3A_623 = arith.constant 480 : index
    %swap3A_624 = tpu.vector_load %arg7[%swap3A_622, %swap3A_623] {strides = array<i32>} : memref<16x512xf32, #tpu.memory_space<vmem>>, vector<16xf32>,
    tpu.vector_store %arg7[%swap3A_622, %swap3A_623], %gather3A_620 {strides = array<i32>} : memref<16x512xf32, #tpu.memory_space<vmem>>, vector<16xf32>,
    %broadcast_in_dim3A_625 = arith.constant 8 : i32
    %broadcast_in_dim3A_626 = vector.broadcast %broadcast_in_dim3A_625 : i32 to vector<16xi32>
    %gather3A_627 = tpu.vector_load_idx %arg6[%broadcast_in_dim3A_626, %add3A_571] : memref<16x6144xf32, #tpu.memory_space<vmem>>[vector<16xi32>, vector<16xi32>], vector<16xf32>,
    %swap3A_628 = arith.constant 8 : i32
    %swap3A_629 = arith.index_cast %swap3A_628 : i32 to index
    %swap3A_630 = arith.constant 480 : index
    %swap3A_631 = tpu.vector_load %arg7[%swap3A_629, %swap3A_630] {strides = array<i32>} : memref<16x512xf32, #tpu.memory_space<vmem>>, vector<16xf32>,
    tpu.vector_store %arg7[%swap3A_629, %swap3A_630], %gather3A_627 {strides = array<i32>} : memref<16x512xf32, #tpu.memory_space<vmem>>, vector<16xf32>,
    %broadcast_in_dim3A_632 = arith.constant 9 : i32
    %broadcast_in_dim3A_633 = vector.broadcast %broadcast_in_dim3A_632 : i32 to vector<16xi32>
    %gather3A_634 = tpu.vector_load_idx %arg6[%broadcast_in_dim3A_633, %add3A_571] : memref<16x6144xf32, #tpu.memory_space<vmem>>[vector<16xi32>, vector<16xi32>], vector<16xf32>,
    %swap3A_635 = arith.constant 9 : i32
    %swap3A_636 = arith.index_cast %swap3A_635 : i32 to index
    %swap3A_637 = arith.constant 480 : index
    %swap3A_638 = tpu.vector_load %arg7[%swap3A_636, %swap3A_637] {strides = array<i32>} : memref<16x512xf32, #tpu.memory_space<vmem>>, vector<16xf32>,
    tpu.vector_store %arg7[%swap3A_636, %swap3A_637], %gather3A_634 {strides = array<i32>} : memref<16x512xf32, #tpu.memory_space<vmem>>, vector<16xf32>,
    %broadcast_in_dim3A_639 = arith.constant 10 : i32
    %broadcast_in_dim3A_640 = vector.broadcast %broadcast_in_dim3A_639 : i32 to vector<16xi32>
    %gather3A_641 = tpu.vector_load_idx %arg6[%broadcast_in_dim3A_640, %add3A_571] : memref<16x6144xf32, #tpu.memory_space<vmem>>[vector<16xi32>, vector<16xi32>], vector<16xf32>,
    %swap3A_642 = arith.constant 10 : i32
    %swap3A_643 = arith.index_cast %swap3A_642 : i32 to index
    %swap3A_644 = arith.constant 480 : index
    %swap3A_645 = tpu.vector_load %arg7[%swap3A_643, %swap3A_644] {strides = array<i32>} : memref<16x512xf32, #tpu.memory_space<vmem>>, vector<16xf32>,
    tpu.vector_store %arg7[%swap3A_643, %swap3A_644], %gather3A_641 {strides = array<i32>} : memref<16x512xf32, #tpu.memory_space<vmem>>, vector<16xf32>,
    %broadcast_in_dim3A_646 = arith.constant 11 : i32
    %broadcast_in_dim3A_647 = vector.broadcast %broadcast_in_dim3A_646 : i32 to vector<16xi32>
    %gather3A_648 = tpu.vector_load_idx %arg6[%broadcast_in_dim3A_647, %add3A_571] : memref<16x6144xf32, #tpu.memory_space<vmem>>[vector<16xi32>, vector<16xi32>], vector<16xf32>,
    %swap3A_649 = arith.constant 11 : i32
    %swap3A_650 = arith.index_cast %swap3A_649 : i32 to index
    %swap3A_651 = arith.constant 480 : index
    %swap3A_652 = tpu.vector_load %arg7[%swap3A_650, %swap3A_651] {strides = array<i32>} : memref<16x512xf32, #tpu.memory_space<vmem>>, vector<16xf32>,
    tpu.vector_store %arg7[%swap3A_650, %swap3A_651], %gather3A_648 {strides = array<i32>} : memref<16x512xf32, #tpu.memory_space<vmem>>, vector<16xf32>,
    %broadcast_in_dim3A_653 = arith.constant 12 : i32
    %broadcast_in_dim3A_654 = vector.broadcast %broadcast_in_dim3A_653 : i32 to vector<16xi32>
    %gather3A_655 = tpu.vector_load_idx %arg6[%broadcast_in_dim3A_654, %add3A_571] : memref<16x6144xf32, #tpu.memory_space<vmem>>[vector<16xi32>, vector<16xi32>], vector<16xf32>,
    %swap3A_656 = arith.constant 12 : i32
    %swap3A_657 = arith.index_cast %swap3A_656 : i32 to index
    %swap3A_658 = arith.constant 480 : index
    %swap3A_659 = tpu.vector_load %arg7[%swap3A_657, %swap3A_658] {strides = array<i32>} : memref<16x512xf32, #tpu.memory_space<vmem>>, vector<16xf32>,
    tpu.vector_store %arg7[%swap3A_657, %swap3A_658], %gather3A_655 {strides = array<i32>} : memref<16x512xf32, #tpu.memory_space<vmem>>, vector<16xf32>,
    %broadcast_in_dim3A_660 = arith.constant 13 : i32
    %broadcast_in_dim3A_661 = vector.broadcast %broadcast_in_dim3A_660 : i32 to vector<16xi32>
    %gather3A_662 = tpu.vector_load_idx %arg6[%broadcast_in_dim3A_661, %add3A_571] : memref<16x6144xf32, #tpu.memory_space<vmem>>[vector<16xi32>, vector<16xi32>], vector<16xf32>,
    %swap3A_663 = arith.constant 13 : i32
    %swap3A_664 = arith.index_cast %swap3A_663 : i32 to index
    %swap3A_665 = arith.constant 480 : index
    %swap3A_666 = tpu.vector_load %arg7[%swap3A_664, %swap3A_665] {strides = array<i32>} : memref<16x512xf32, #tpu.memory_space<vmem>>, vector<16xf32>,
    tpu.vector_store %arg7[%swap3A_664, %swap3A_665], %gather3A_662 {strides = array<i32>} : memref<16x512xf32, #tpu.memory_space<vmem>>, vector<16xf32>,
    %broadcast_in_dim3A_667 = arith.constant 14 : i32
    %broadcast_in_dim3A_668 = vector.broadcast %broadcast_in_dim3A_667 : i32 to vector<16xi32>
    %gather3A_669 = tpu.vector_load_idx %arg6[%broadcast_in_dim3A_668, %add3A_571] : memref<16x6144xf32, #tpu.memory_space<vmem>>[vector<16xi32>, vector<16xi32>], vector<16xf32>,
    %swap3A_670 = arith.constant 14 : i32
    %swap3A_671 = arith.index_cast %swap3A_670 : i32 to index
    %swap3A_672 = arith.constant 480 : index
    %swap3A_673 = tpu.vector_load %arg7[%swap3A_671, %swap3A_672] {strides = array<i32>} : memref<16x512xf32, #tpu.memory_space<vmem>>, vector<16xf32>,
    tpu.vector_store %arg7[%swap3A_671, %swap3A_672], %gather3A_669 {strides = array<i32>} : memref<16x512xf32, #tpu.memory_space<vmem>>, vector<16xf32>,
    %broadcast_in_dim3A_674 = arith.constant 15 : i32
    %broadcast_in_dim3A_675 = vector.broadcast %broadcast_in_dim3A_674 : i32 to vector<16xi32>
    %gather3A_676 = tpu.vector_load_idx %arg6[%broadcast_in_dim3A_675, %add3A_571] : memref<16x6144xf32, #tpu.memory_space<vmem>>[vector<16xi32>, vector<16xi32>], vector<16xf32>,
    %swap3A_677 = arith.constant 15 : i32
    %swap3A_678 = arith.index_cast %swap3A_677 : i32 to index
    %swap3A_679 = arith.constant 480 : index
    %swap3A_680 = tpu.vector_load %arg7[%swap3A_678, %swap3A_679] {strides = array<i32>} : memref<16x512xf32, #tpu.memory_space<vmem>>, vector<16xf32>,
    tpu.vector_store %arg7[%swap3A_678, %swap3A_679], %gather3A_676 {strides = array<i32>} : memref<16x512xf32, #tpu.memory_space<vmem>>, vector<16xf32>,
    %dma_wait3A_681 = arith.constant 0 : i32
    %dma_wait3A_682 = arith.constant 2048 : i32
    %dma_wait3A_683 = tpu.memref_slice %arg6[%dma_wait3A_681, %dma_wait3A_682] : memref<16x6144xf32, #tpu.memory_space<vmem>> -> memref<16x2048xf32, #tpu.memory_space<vmem>>
    %dma_wait3A_684 = arith.constant 0 : i32
    %dma_wait3A_685 = arith.constant 0 : i32
    %dma_wait3A_686 = tpu.memref_slice %arg3[%dma_wait3A_684, %dma_wait3A_685] : memref<16x1000000xf32, #tpu.memory_space<hbm>> -> memref<16x2048xf32, #tpu.memory_space<hbm>>
    %dma_wait3A_687 = arith.constant 0 : i32
    %dma_wait3A_688 = arith.constant 2048 : i32
    %dma_wait3A_689 = tpu.memref_slice %arg6[%dma_wait3A_687, %dma_wait3A_688] : memref<16x6144xf32, #tpu.memory_space<vmem>> -> memref<16x2048xf32, #tpu.memory_space<vmem>>
    %dma_wait3A_690 = arith.constant 0 : i32
    %dma_wait3A_691 = arith.constant 0 : i32
    %dma_wait3A_692 = tpu.memref_slice %arg3[%dma_wait3A_690, %dma_wait3A_691] : memref<16x1000000xf32, #tpu.memory_space<hbm>> -> memref<16x2048xf32, #tpu.memory_space<hbm>>
    tpu.wait_dma2 semaphore(%arg9 : memref<!tpu.dma_semaphore, #tpu.memory_space<semaphore_mem>>) src(%dma_wait3A_692 : memref<16x2048xf32, #tpu.memory_space<hbm>>) dst(%dma_wait3A_689 : memref<16x2048xf32, #tpu.memory_space<vmem>>)
    %get3A_693 = arith.constant 496 : index
    %get3A_694 = tpu.vector_load %arg5[%get3A_693] {strides = array<i32>} : memref<512xi32, #tpu.memory_space<vmem>>, vector<16xi32>,
    %add3A_695 = arith.constant 16 : i32
    %add3A_696 = vector.broadcast %add3A_695 : i32 to vector<16xi32>
    %add3A_697 = arith.addi %add3A_696, %iota3A : vector<16xi32>
    %mul3A_698 = arith.constant 128 : i32
    %mul3A_699 = vector.broadcast %mul3A_698 : i32 to vector<16xi32>
    %mul3A_700 = arith.muli %add3A_697, %mul3A_699 : vector<16xi32>
    %and3A_701 = arith.constant 127 : i32
    %and3A_702 = vector.broadcast %and3A_701 : i32 to vector<16xi32>
    %and3A_703 = arith.andi %get3A_694, %and3A_702 : vector<16xi32>
    %add3A_704 = arith.addi %mul3A_700, %and3A_703 : vector<16xi32>
    %broadcast_in_dim3A_705 = arith.constant 0 : i32
    %broadcast_in_dim3A_706 = vector.broadcast %broadcast_in_dim3A_705 : i32 to vector<16xi32>
    %gather3A_707 = tpu.vector_load_idx %arg6[%broadcast_in_dim3A_706, %add3A_704] : memref<16x6144xf32, #tpu.memory_space<vmem>>[vector<16xi32>, vector<16xi32>], vector<16xf32>,
    %swap3A_708 = arith.constant 0 : i32
    %swap3A_709 = arith.index_cast %swap3A_708 : i32 to index
    %swap3A_710 = arith.constant 496 : index
    %swap3A_711 = tpu.vector_load %arg7[%swap3A_709, %swap3A_710] {strides = array<i32>} : memref<16x512xf32, #tpu.memory_space<vmem>>, vector<16xf32>,
    tpu.vector_store %arg7[%swap3A_709, %swap3A_710], %gather3A_707 {strides = array<i32>} : memref<16x512xf32, #tpu.memory_space<vmem>>, vector<16xf32>,
    %broadcast_in_dim3A_712 = arith.constant 1 : i32
    %broadcast_in_dim3A_713 = vector.broadcast %broadcast_in_dim3A_712 : i32 to vector<16xi32>
    %gather3A_714 = tpu.vector_load_idx %arg6[%broadcast_in_dim3A_713, %add3A_704] : memref<16x6144xf32, #tpu.memory_space<vmem>>[vector<16xi32>, vector<16xi32>], vector<16xf32>,
    %swap3A_715 = arith.constant 1 : i32
    %swap3A_716 = arith.index_cast %swap3A_715 : i32 to index
    %swap3A_717 = arith.constant 496 : index
    %swap3A_718 = tpu.vector_load %arg7[%swap3A_716, %swap3A_717] {strides = array<i32>} : memref<16x512xf32, #tpu.memory_space<vmem>>, vector<16xf32>,
    tpu.vector_store %arg7[%swap3A_716, %swap3A_717], %gather3A_714 {strides = array<i32>} : memref<16x512xf32, #tpu.memory_space<vmem>>, vector<16xf32>,
    %broadcast_in_dim3A_719 = arith.constant 2 : i32
    %broadcast_in_dim3A_720 = vector.broadcast %broadcast_in_dim3A_719 : i32 to vector<16xi32>
    %gather3A_721 = tpu.vector_load_idx %arg6[%broadcast_in_dim3A_720, %add3A_704] : memref<16x6144xf32, #tpu.memory_space<vmem>>[vector<16xi32>, vector<16xi32>], vector<16xf32>,
    %swap3A_722 = arith.constant 2 : i32
    %swap3A_723 = arith.index_cast %swap3A_722 : i32 to index
    %swap3A_724 = arith.constant 496 : index
    %swap3A_725 = tpu.vector_load %arg7[%swap3A_723, %swap3A_724] {strides = array<i32>} : memref<16x512xf32, #tpu.memory_space<vmem>>, vector<16xf32>,
    tpu.vector_store %arg7[%swap3A_723, %swap3A_724], %gather3A_721 {strides = array<i32>} : memref<16x512xf32, #tpu.memory_space<vmem>>, vector<16xf32>,
    %broadcast_in_dim3A_726 = arith.constant 3 : i32
    %broadcast_in_dim3A_727 = vector.broadcast %broadcast_in_dim3A_726 : i32 to vector<16xi32>
    %gather3A_728 = tpu.vector_load_idx %arg6[%broadcast_in_dim3A_727, %add3A_704] : memref<16x6144xf32, #tpu.memory_space<vmem>>[vector<16xi32>, vector<16xi32>], vector<16xf32>,
    %swap3A_729 = arith.constant 3 : i32
    %swap3A_730 = arith.index_cast %swap3A_729 : i32 to index
    %swap3A_731 = arith.constant 496 : index
    %swap3A_732 = tpu.vector_load %arg7[%swap3A_730, %swap3A_731] {strides = array<i32>} : memref<16x512xf32, #tpu.memory_space<vmem>>, vector<16xf32>,
    tpu.vector_store %arg7[%swap3A_730, %swap3A_731], %gather3A_728 {strides = array<i32>} : memref<16x512xf32, #tpu.memory_space<vmem>>, vector<16xf32>,
    %broadcast_in_dim3A_733 = arith.constant 4 : i32
    %broadcast_in_dim3A_734 = vector.broadcast %broadcast_in_dim3A_733 : i32 to vector<16xi32>
    %gather3A_735 = tpu.vector_load_idx %arg6[%broadcast_in_dim3A_734, %add3A_704] : memref<16x6144xf32, #tpu.memory_space<vmem>>[vector<16xi32>, vector<16xi32>], vector<16xf32>,
    %swap3A_736 = arith.constant 4 : i32
    %swap3A_737 = arith.index_cast %swap3A_736 : i32 to index
    %swap3A_738 = arith.constant 496 : index
    %swap3A_739 = tpu.vector_load %arg7[%swap3A_737, %swap3A_738] {strides = array<i32>} : memref<16x512xf32, #tpu.memory_space<vmem>>, vector<16xf32>,
    tpu.vector_store %arg7[%swap3A_737, %swap3A_738], %gather3A_735 {strides = array<i32>} : memref<16x512xf32, #tpu.memory_space<vmem>>, vector<16xf32>,
    %broadcast_in_dim3A_740 = arith.constant 5 : i32
    %broadcast_in_dim3A_741 = vector.broadcast %broadcast_in_dim3A_740 : i32 to vector<16xi32>
    %gather3A_742 = tpu.vector_load_idx %arg6[%broadcast_in_dim3A_741, %add3A_704] : memref<16x6144xf32, #tpu.memory_space<vmem>>[vector<16xi32>, vector<16xi32>], vector<16xf32>,
    %swap3A_743 = arith.constant 5 : i32
    %swap3A_744 = arith.index_cast %swap3A_743 : i32 to index
    %swap3A_745 = arith.constant 496 : index
    %swap3A_746 = tpu.vector_load %arg7[%swap3A_744, %swap3A_745] {strides = array<i32>} : memref<16x512xf32, #tpu.memory_space<vmem>>, vector<16xf32>,
    tpu.vector_store %arg7[%swap3A_744, %swap3A_745], %gather3A_742 {strides = array<i32>} : memref<16x512xf32, #tpu.memory_space<vmem>>, vector<16xf32>,
    %broadcast_in_dim3A_747 = arith.constant 6 : i32
    %broadcast_in_dim3A_748 = vector.broadcast %broadcast_in_dim3A_747 : i32 to vector<16xi32>
    %gather3A_749 = tpu.vector_load_idx %arg6[%broadcast_in_dim3A_748, %add3A_704] : memref<16x6144xf32, #tpu.memory_space<vmem>>[vector<16xi32>, vector<16xi32>], vector<16xf32>,
    %swap3A_750 = arith.constant 6 : i32
    %swap3A_751 = arith.index_cast %swap3A_750 : i32 to index
    %swap3A_752 = arith.constant 496 : index
    %swap3A_753 = tpu.vector_load %arg7[%swap3A_751, %swap3A_752] {strides = array<i32>} : memref<16x512xf32, #tpu.memory_space<vmem>>, vector<16xf32>,
    tpu.vector_store %arg7[%swap3A_751, %swap3A_752], %gather3A_749 {strides = array<i32>} : memref<16x512xf32, #tpu.memory_space<vmem>>, vector<16xf32>,
    %broadcast_in_dim3A_754 = arith.constant 7 : i32
    %broadcast_in_dim3A_755 = vector.broadcast %broadcast_in_dim3A_754 : i32 to vector<16xi32>
    %gather3A_756 = tpu.vector_load_idx %arg6[%broadcast_in_dim3A_755, %add3A_704] : memref<16x6144xf32, #tpu.memory_space<vmem>>[vector<16xi32>, vector<16xi32>], vector<16xf32>,
    %swap3A_757 = arith.constant 7 : i32
    %swap3A_758 = arith.index_cast %swap3A_757 : i32 to index
    %swap3A_759 = arith.constant 496 : index
    %swap3A_760 = tpu.vector_load %arg7[%swap3A_758, %swap3A_759] {strides = array<i32>} : memref<16x512xf32, #tpu.memory_space<vmem>>, vector<16xf32>,
    tpu.vector_store %arg7[%swap3A_758, %swap3A_759], %gather3A_756 {strides = array<i32>} : memref<16x512xf32, #tpu.memory_space<vmem>>, vector<16xf32>,
    %broadcast_in_dim3A_761 = arith.constant 8 : i32
    %broadcast_in_dim3A_762 = vector.broadcast %broadcast_in_dim3A_761 : i32 to vector<16xi32>
    %gather3A_763 = tpu.vector_load_idx %arg6[%broadcast_in_dim3A_762, %add3A_704] : memref<16x6144xf32, #tpu.memory_space<vmem>>[vector<16xi32>, vector<16xi32>], vector<16xf32>,
    %swap3A_764 = arith.constant 8 : i32
    %swap3A_765 = arith.index_cast %swap3A_764 : i32 to index
    %swap3A_766 = arith.constant 496 : index
    %swap3A_767 = tpu.vector_load %arg7[%swap3A_765, %swap3A_766] {strides = array<i32>} : memref<16x512xf32, #tpu.memory_space<vmem>>, vector<16xf32>,
    tpu.vector_store %arg7[%swap3A_765, %swap3A_766], %gather3A_763 {strides = array<i32>} : memref<16x512xf32, #tpu.memory_space<vmem>>, vector<16xf32>,
    %broadcast_in_dim3A_768 = arith.constant 9 : i32
    %broadcast_in_dim3A_769 = vector.broadcast %broadcast_in_dim3A_768 : i32 to vector<16xi32>
    %gather3A_770 = tpu.vector_load_idx %arg6[%broadcast_in_dim3A_769, %add3A_704] : memref<16x6144xf32, #tpu.memory_space<vmem>>[vector<16xi32>, vector<16xi32>], vector<16xf32>,
    %swap3A_771 = arith.constant 9 : i32
    %swap3A_772 = arith.index_cast %swap3A_771 : i32 to index
    %swap3A_773 = arith.constant 496 : index
    %swap3A_774 = tpu.vector_load %arg7[%swap3A_772, %swap3A_773] {strides = array<i32>} : memref<16x512xf32, #tpu.memory_space<vmem>>, vector<16xf32>,
    tpu.vector_store %arg7[%swap3A_772, %swap3A_773], %gather3A_770 {strides = array<i32>} : memref<16x512xf32, #tpu.memory_space<vmem>>, vector<16xf32>,
    %broadcast_in_dim3A_775 = arith.constant 10 : i32
    %broadcast_in_dim3A_776 = vector.broadcast %broadcast_in_dim3A_775 : i32 to vector<16xi32>
    %gather3A_777 = tpu.vector_load_idx %arg6[%broadcast_in_dim3A_776, %add3A_704] : memref<16x6144xf32, #tpu.memory_space<vmem>>[vector<16xi32>, vector<16xi32>], vector<16xf32>,
    %swap3A_778 = arith.constant 10 : i32
    %swap3A_779 = arith.index_cast %swap3A_778 : i32 to index
    %swap3A_780 = arith.constant 496 : index
    %swap3A_781 = tpu.vector_load %arg7[%swap3A_779, %swap3A_780] {strides = array<i32>} : memref<16x512xf32, #tpu.memory_space<vmem>>, vector<16xf32>,
    tpu.vector_store %arg7[%swap3A_779, %swap3A_780], %gather3A_777 {strides = array<i32>} : memref<16x512xf32, #tpu.memory_space<vmem>>, vector<16xf32>,
    %broadcast_in_dim3A_782 = arith.constant 11 : i32
    %broadcast_in_dim3A_783 = vector.broadcast %broadcast_in_dim3A_782 : i32 to vector<16xi32>
    %gather3A_784 = tpu.vector_load_idx %arg6[%broadcast_in_dim3A_783, %add3A_704] : memref<16x6144xf32, #tpu.memory_space<vmem>>[vector<16xi32>, vector<16xi32>], vector<16xf32>,
    %swap3A_785 = arith.constant 11 : i32
    %swap3A_786 = arith.index_cast %swap3A_785 : i32 to index
    %swap3A_787 = arith.constant 496 : index
    %swap3A_788 = tpu.vector_load %arg7[%swap3A_786, %swap3A_787] {strides = array<i32>} : memref<16x512xf32, #tpu.memory_space<vmem>>, vector<16xf32>,
    tpu.vector_store %arg7[%swap3A_786, %swap3A_787], %gather3A_784 {strides = array<i32>} : memref<16x512xf32, #tpu.memory_space<vmem>>, vector<16xf32>,
    %broadcast_in_dim3A_789 = arith.constant 12 : i32
    %broadcast_in_dim3A_790 = vector.broadcast %broadcast_in_dim3A_789 : i32 to vector<16xi32>
    %gather3A_791 = tpu.vector_load_idx %arg6[%broadcast_in_dim3A_790, %add3A_704] : memref<16x6144xf32, #tpu.memory_space<vmem>>[vector<16xi32>, vector<16xi32>], vector<16xf32>,
    %swap3A_792 = arith.constant 12 : i32
    %swap3A_793 = arith.index_cast %swap3A_792 : i32 to index
    %swap3A_794 = arith.constant 496 : index
    %swap3A_795 = tpu.vector_load %arg7[%swap3A_793, %swap3A_794] {strides = array<i32>} : memref<16x512xf32, #tpu.memory_space<vmem>>, vector<16xf32>,
    tpu.vector_store %arg7[%swap3A_793, %swap3A_794], %gather3A_791 {strides = array<i32>} : memref<16x512xf32, #tpu.memory_space<vmem>>, vector<16xf32>,
    %broadcast_in_dim3A_796 = arith.constant 13 : i32
    %broadcast_in_dim3A_797 = vector.broadcast %broadcast_in_dim3A_796 : i32 to vector<16xi32>
    %gather3A_798 = tpu.vector_load_idx %arg6[%broadcast_in_dim3A_797, %add3A_704] : memref<16x6144xf32, #tpu.memory_space<vmem>>[vector<16xi32>, vector<16xi32>], vector<16xf32>,
    %swap3A_799 = arith.constant 13 : i32
    %swap3A_800 = arith.index_cast %swap3A_799 : i32 to index
    %swap3A_801 = arith.constant 496 : index
    %swap3A_802 = tpu.vector_load %arg7[%swap3A_800, %swap3A_801] {strides = array<i32>} : memref<16x512xf32, #tpu.memory_space<vmem>>, vector<16xf32>,
    tpu.vector_store %arg7[%swap3A_800, %swap3A_801], %gather3A_798 {strides = array<i32>} : memref<16x512xf32, #tpu.memory_space<vmem>>, vector<16xf32>,
    %broadcast_in_dim3A_803 = arith.constant 14 : i32
    %broadcast_in_dim3A_804 = vector.broadcast %broadcast_in_dim3A_803 : i32 to vector<16xi32>
    %gather3A_805 = tpu.vector_load_idx %arg6[%broadcast_in_dim3A_804, %add3A_704] : memref<16x6144xf32, #tpu.memory_space<vmem>>[vector<16xi32>, vector<16xi32>], vector<16xf32>,
    %swap3A_806 = arith.constant 14 : i32
    %swap3A_807 = arith.index_cast %swap3A_806 : i32 to index
    %swap3A_808 = arith.constant 496 : index
    %swap3A_809 = tpu.vector_load %arg7[%swap3A_807, %swap3A_808] {strides = array<i32>} : memref<16x512xf32, #tpu.memory_space<vmem>>, vector<16xf32>,
    tpu.vector_store %arg7[%swap3A_807, %swap3A_808], %gather3A_805 {strides = array<i32>} : memref<16x512xf32, #tpu.memory_space<vmem>>, vector<16xf32>,
    %broadcast_in_dim3A_810 = arith.constant 15 : i32
    %broadcast_in_dim3A_811 = vector.broadcast %broadcast_in_dim3A_810 : i32 to vector<16xi32>
    %gather3A_812 = tpu.vector_load_idx %arg6[%broadcast_in_dim3A_811, %add3A_704] : memref<16x6144xf32, #tpu.memory_space<vmem>>[vector<16xi32>, vector<16xi32>], vector<16xf32>,
    %swap3A_813 = arith.constant 15 : i32
    %swap3A_814 = arith.index_cast %swap3A_813 : i32 to index
    %swap3A_815 = arith.constant 496 : index
    %swap3A_816 = tpu.vector_load %arg7[%swap3A_814, %swap3A_815] {strides = array<i32>} : memref<16x512xf32, #tpu.memory_space<vmem>>, vector<16xf32>,
    tpu.vector_store %arg7[%swap3A_814, %swap3A_815], %gather3A_812 {strides = array<i32>} : memref<16x512xf32, #tpu.memory_space<vmem>>, vector<16xf32>,
    "tpu.region"() ({
      %run_scoped3A = tpu.sem_alloc : memref<!tpu.dma_semaphore, #tpu.memory_space<semaphore_mem>>
      %dma_start3A_817 = arith.constant 0 : i32
      %dma_start3A_818 = tpu.memref_slice %arg4[%dma_start3A_817, %multiple_of3A] : memref<16x16384xf32, #tpu.memory_space<hbm>> -> memref<16x512xf32, #tpu.memory_space<hbm>>
      %dma_start3A_819 = arith.constant 0 : i32
      %dma_start3A_820 = tpu.memref_slice %arg4[%dma_start3A_819, %multiple_of3A] : memref<16x16384xf32, #tpu.memory_space<hbm>> -> memref<16x512xf32, #tpu.memory_space<hbm>>
      tpu.enqueue_dma source(%arg7 : memref<16x512xf32, #tpu.memory_space<vmem>>) target(%dma_start3A_820 : memref<16x512xf32, #tpu.memory_space<hbm>>) target_semaphore(%run_scoped3A : memref<!tpu.dma_semaphore, #tpu.memory_space<semaphore_mem>>)
      %dma_wait3A_821 = arith.constant 0 : i32
      %dma_wait3A_822 = tpu.memref_slice %arg4[%dma_wait3A_821, %multiple_of3A] : memref<16x16384xf32, #tpu.memory_space<hbm>> -> memref<16x512xf32, #tpu.memory_space<hbm>>
      %dma_wait3A_823 = arith.constant 0 : i32
      %dma_wait3A_824 = tpu.memref_slice %arg4[%dma_wait3A_823, %multiple_of3A] : memref<16x16384xf32, #tpu.memory_space<hbm>> -> memref<16x512xf32, #tpu.memory_space<hbm>>
      tpu.wait_dma2 semaphore(%run_scoped3A : memref<!tpu.dma_semaphore, #tpu.memory_space<semaphore_mem>>) src(%arg7 : memref<16x512xf32, #tpu.memory_space<vmem>>) dst(%dma_wait3A_824 : memref<16x512xf32, #tpu.memory_space<hbm>>)
      tpu.yield
    }) : () -> ()
    return
  }
}

</mosaic_0001>

<sc_bundles>
// kernel: kernel.3.cloned.1.call-start
scs
__scs_entry_jumppad:
0x0: {  	(pc) =	sbr.rel $0x88, $3  }
0x1: {  	(tag) =	ssettag $0x0;
	lr =	simm.s32 $0x1  }
0x2: {  	[smem:$0x3F9F] =	sst lr;
	_ =	strace $0xD0000000  }
0x3: {  	_ = 	snop  }
0x4: {  	_ = 	snop  }
0x5: {  	_ = 	snop  }
0x6: {  	_ = 	snop  }
0x7: {  	_ = 	snop  }
__scs_overlays_trampoline_lowered:
0x8: {  	[smem:$0x3FAE] =	sst s0  }
0x9: {  	[smem:$0x3FAF] =	sst s1  }
0xa: {  	[smem:$0x3FB0] =	sst s2  }
0xb: {  	[smem:$0x3FB1] =	sst s3  }
0xc: {  	[smem:$0x3FB2] =	sst s4  }
0xd: {  	[smem:$0x3FB3] =	sst s5  }
0xe: {  	[smem:$0x3FB4] =	sst s6  }
0xf: {  	[smem:$0x3FB5] =	sst s7  }
0x10: {  	[smem:$0x3FB6] =	sst s8  }
0x11: {  	[smem:$0x3FB7] =	sst s9;
	s0 =	simm.s32 @!p0 $0x0  }
0x12: {  	s1 =	sld [smem:$0x3F9D];
	s0 =	simm.s32 @p0 $0x1  }
0x13: {  	[smem:$0x3FB8] =	sst s0;
	s0 =	simm.s32 @!p1 $0x0  }
0x14: {  	s2 =	sld [smem:$0x3F9C];
	s0 =	simm.s32 @p1 $0x1  }
0x15: {  	[smem:$0x3FB9] =	sst s0;
	s0 =	simm.s32 @!p2 $0x0  }
0x16: {  	s3 =	sld [smem:$0x3FDB];
	s0 =	simm.s32 @p2 $0x1  }
0x17: {  	s4 =	simm.s32 $0x1BF5;
	[smem:$0x3FBB] =	sst s0  }
0x18: {  	s0 =	sld [smem:$0x3F9E];
	_ =	swait.ge [sflag:s4], $0x0  }
0x19: {  	s7 =	sld [smem:$0x3F9F]  }
0x1a: {  	s8 =	sadd.s32 $0xFFFFE003, lr  }
0x1b: {  	s9 =	sadd.s32 $0xFFFFFEF7, lr;
	s5 =	simm.s32 $0xFFFFFFFF;
	p2 =	slt.u32 s8, $0xFFFFF086  }
0x1c: {  	p1 =	slt.u32 s9, $0xF7A;
	s5 =	simm.s32 @!p2 $0x0  }
0x1d: {  	s5 =	simm.s32 @p1 $0x1;
	p0 =	seq.s32 s7, s2  }
0x1e: {  	s7 =	smul.u32 @!p0 $0xF7A, s2;
	p2 =	seq.s32 @!p0 s5, $0x0  }
0x1f: {  	s9 =	smul.u32 $0xF7A, s1;
	s8 =	simm.s32 @!p0 $0x1BF5;
	p2 =	por !p2, p0  }
0x20: {  	[sflag:s8] =	ssyncset.s32 @!p0 $0xFFFFF086;
	s6 =	sadd.s32 @!p0 s3, s7;
	s7 =	simm.s32 @!p0 $0x108  }
0x21: {  	s3 =	sadd.s32 s3, s9;
	s6 =	sadd.s32 @!p0 $0x88, s6;
	s7 =	simm.s32 @p2 $0x1082  }
0x22: {  	[simem:s7], [sflag:s8] =	dma.local @!p0 [hbm:s6], $0xF7A  }
0x23: {  	s9 =	sor.u32 $0xD0000000, s2;
	s6 =	simm.s32 $0x108;
	_ =	swait.ge @!p0 [sflag:s8], $0x0  }
0x24: {  	s3 =	sadd.s32 $0x88, s3;
	s6 =	simm.s32 @!p1 $0x1082;
	[sflag:s4] =	ssyncset.s32 $0xFFFFF086  }
0x25: {  	[simem:s6], [sflag:s4] =	dma.local [hbm:s3], $0xF7A  }
0x26: {  	[smem:$0x3F9F] =	sst s1;
	(tag) =	ssettag s2;
	_ =	strace s9  }
0x27: {  	s1 =	sld [smem:$0x3FAF]  }
0x28: {  	s2 =	sld [smem:$0x3FB0]  }
0x29: {  	s4 =	sld [smem:$0x3FB2]  }
0x2a: {  	p0 =	seq.s32 s5, $0x0;
	s5 =	sld [smem:$0x3FB3]  }
0x2b: {  	s6 =	sld [smem:$0x3FB4]  }
0x2c: {  	s7 =	sld [smem:$0x3FB5]  }
0x2d: {  	s3 =	simm.s32 $0x108;
	s8 =	sld [smem:$0x3FB6]  }
0x2e: {  	s3 =	simm.s32 @!p0 $0x1082;
	s9 =	sld [smem:$0x3FB7]  }
0x2f: {  	lr =	sadd.s32 s0, s3;
	s0 =	sld [smem:$0x3FAE]  }
0x30: {  	s3 =	sld [smem:$0x3FB1]  }
0x31: {  	[smem:$0x3FBA] =	sst s10  }
0x32: {  	s10 =	sld [smem:$0x3FB8];
	_ =	sdelay $0x3  }
0x33: {  	p0 =	seq.s32 s10, $0x1;
	s10 =	sld [smem:$0x3FBA];
	_ =	sdelay $0x3  }
0x34: {  	[smem:$0x3FBA] =	sst s10  }
0x35: {  	s10 =	sld [smem:$0x3FB9];
	_ =	sdelay $0x3  }
0x36: {  	p1 =	seq.s32 s10, $0x1;
	s10 =	sld [smem:$0x3FBA];
	_ =	sdelay $0x3  }
0x37: {  	[smem:$0x3FBA] =	sst s10  }
0x38: {  	s10 =	sld [smem:$0x3FBB]  }
0x39: {  	_ = 	snop;
	(pc) =	sbr.ind lr, $3  }
0x3a: {  	_ = 	snop  }
0x3b: {  	_ = 	snop  }
0x3c: {  	p2 =	seq.s32 s10, $0x1;
	s10 =	sld [smem:$0x3FBA]  }
0x3d: {  	_ =	shalt  }
0x3e: {  	_ =	shalt  }
0x3f: {  	_ =	shalt  }
0x40: {  	_ =	shalt  }
0x41: {  	_ =	shalt  }
0x42: {  	_ =	shalt  }
0x43: {  	_ =	shalt  }
0x44: {  	_ =	shalt  }
0x45: {  	_ =	shalt  }
0x46: {  	_ =	shalt  }
0x47: {  	_ =	shalt  }
0x48: {  	_ =	shalt  }
0x49: {  	_ =	shalt  }
0x4a: {  	_ =	shalt  }
0x4b: {  	_ =	shalt  }
0x4c: {  	_ =	shalt  }
0x4d: {  	_ =	shalt  }
0x4e: {  	_ =	shalt  }
0x4f: {  	_ =	shalt  }
0x50: {  	_ =	shalt  }
0x51: {  	_ =	shalt  }
0x52: {  	_ =	shalt  }
0x53: {  	_ =	shalt  }
0x54: {  	_ =	shalt  }
0x55: {  	_ =	shalt  }
0x56: {  	_ =	shalt  }
0x57: {  	_ =	shalt  }
0x58: {  	_ =	shalt  }
0x59: {  	_ =	shalt  }
0x5a: {  	_ =	shalt  }
0x5b: {  	_ =	shalt  }
0x5c: {  	_ =	shalt  }
0x5d: {  	_ =	shalt  }
0x5e: {  	_ =	shalt  }
0x5f: {  	_ =	shalt  }
0x60: {  	_ =	shalt  }
0x61: {  	_ =	shalt  }
0x62: {  	_ =	shalt  }
0x63: {  	_ =	shalt  }
0x64: {  	_ =	shalt  }
0x65: {  	_ =	shalt  }
0x66: {  	_ =	shalt  }
0x67: {  	_ =	shalt  }
0x68: {  	_ =	shalt  }
0x69: {  	_ =	shalt  }
0x6a: {  	_ =	shalt  }
0x6b: {  	_ =	shalt  }
0x6c: {  	_ =	shalt  }
0x6d: {  	_ =	shalt  }
0x6e: {  	_ =	shalt  }
0x6f: {  	_ =	shalt  }
0x70: {  	_ =	shalt  }
0x71: {  	_ =	shalt  }
0x72: {  	_ =	shalt  }
0x73: {  	_ =	shalt  }
0x74: {  	_ =	shalt  }
0x75: {  	_ =	shalt  }
0x76: {  	_ =	shalt  }
0x77: {  	_ =	shalt  }
0x78: {  	_ =	shalt  }
0x79: {  	_ =	shalt  }
0x7a: {  	_ =	shalt  }
0x7b: {  	_ =	shalt  }
0x7c: {  	_ =	shalt  }
0x7d: {  	_ =	shalt  }
0x7e: {  	_ =	shalt  }
0x7f: {  	_ =	shalt  }
0x80: {  	_ =	shalt  }
0x81: {  	_ =	shalt  }
0x82: {  	_ =	shalt  }
0x83: {  	_ =	shalt  }
0x84: {  	_ =	shalt  }
0x85: {  	_ =	shalt  }
0x86: {  	_ =	shalt  }
0x87: {  	_ =	shalt  }
.Lfunc_end0:
.L_simem_size_0:
called_computation_lowered:
.L_overlay_start_0:
0x88: {  	s2 =	sld [smem:$0x3FD9]  }
0x89: {  	s3 =	sld [smem:$0x3FFE];
	_ =	sdelay $0x1  }
0x8a: {  	s1 =	srdreg.scid  }
0x8b: {  	s0 =	sand.u32 $0x1, s1  }
0x8c: {  	s18 =	sshll.u32 s0, $0xA;
	s2 =	sadd.s32 s3, s2  }
0x8d: {  	s2 =	sadd.s32 s2, s18  }
0x8e: {  	[smem:$0x3FC6] =	sst s2  }
0x8f: {  	_ = 	snop  }
0x90: {  	s2 =	sld [smem:$0x3FC9]  }
0x91: {  	s19 =	sld [smem:$0x3FC8]  }
0x92: {  	s4 =	sld [smem:$0x3FD0];
	(tm) =	ssettm $0x1  }
0x93: {  	s5 =	sld [smem:$0x3FFB];
	_ =	sdelay $0x3  }
0x94: {  	_ =	strace s5  }
0x95: {  	s5 =	sld [smem:$0x3FFC];
	_ =	sdelay $0x3  }
0x96: {  	_ =	strace s5  }
0x97: {  	s5 =	sld [smem:$0x3FFD];
	_ =	sdelay $0x3  }
0x98: {  	_ =	strace s5  }
0x99: {  	_ =	strace $0x8FFFFFFF  }
0x9a: {  	s20 =	sld [smem:$0x3FDB];
	_ =	sdelay $0x1  }
0x9b: {  	s6 =	simm.s32 $_scs_section_size  }
0x9c: {  	s7 =	simm.s32 $_size__tile_overlayer_lowered;
	s8 =	simm.s32 $_tile_overlayer_lowered  }
0x9d: {  	s23 =	simm.s32 $0x1BFF;
	s22 =	sshll.u32 s8, $0x1;
	s5 =	sadd.s32 s6, s20  }
0x9e: {  	s9 =	simm.s32 $0x0;
	s21 =	sshll.u32 s7, $0x1;
	s7 =	sadd.s32 s22, s5  }
0x9f: {  	[timem:s9], [sflag:s23] =	dma.local [hbm:s7], s21  }
0xa0: {  	_ =	swait.ge [sflag:s23], s21  }
0xa1: {  	s6 =	ssub.s32 $0x0, s21;
	[sflag:s23] =	ssyncset.done $0x0  }
0xa2: {  	[sflag:s23] =	ssyncadd.s32 s6;
	_ =	sdelay $0x1  }
0xa3: {  	s24 =	simm.s32 $0x1B8B  }
0xa4: {  	_ =	swait.ge [sflag:s24], $0x1  }
0xa5: {  	[sflag:s24] =	ssyncset.done $0x0  }
0xa6: {  	s25 =	simm.s32 $0x1B8E;
	[sflag:s24] =	ssyncadd.s32 $0xFFFFFFFF  }
0xa7: {  	s26 =	simm.s32 $execute0_lowered;
	[smem:$0x3FD2] =	sst s25  }
0xa8: {  	s6 =	sshll.u32 s26, $0x1;
	_ =	strace $0x80000046;
	[dreg:$0x1] =	wrdreg $0xFFFFFFFF  }
0xa9: {  	s28 =	simm.s32 $_size_execute0_lowered;
	s5 =	sadd.s32 s5, s6;
	[dreg:$0x0] =	wrdreg $0x0  }
0xaa: {  	s6 =	sshll.u32 s28, $0x1;
	[dreg:$0x2] =	wrdreg s5  }
0xab: {  	[dreg:$0x3] =	wrdreg s6  }
0xac: {  	[dreg:$0x4] =	wrdreg $0xC0  }
0xad: {  	_ =	task [dreg:s9], $0x5FFFF  }
0xae: {  	[dreg:$0x1] =	wrdreg $0xFFFFFFFF  }
0xaf: {  	[dreg:$0x0] =	wrdreg $0x60  }
0xb0: {  	[dreg:$0x2] =	wrdreg s2  }
0xb1: {  	[dreg:$0x3] =	wrdreg s19  }
0xb2: {  	[dreg:$0x4] =	wrdreg s4  }
0xb3: {  	[dreg:$0x5] =	wrdreg $0x9  }
0xb4: {  	_ =	task.clear_ibuf [dreg:s9], $0x6FFFF;
	_ =	strace $0x90000046  }
0xb5: {  	s29 =	simm.s32 $0x9;
	_ =	strace $0x80000048  }
0xb6: {  	_ =	swait.ge [sflag:s29], $0x1  }
0xb7: {  	[sflag:s29] =	ssyncadd.s32 $0xFFFFFFFF  }
0xb8: {  	_ =	strace $0x90000048  }
0xb9: {  	_ =	sfence  }
0xba: {  	s30 =	sld [smem:$0x0];
	_ =	sdelay $0x2  }
0xbb: {  	s31 =	sshll.u32 s1, $0xD;
	s1 =	sshrl.u32 s1, $0x2  }
0xbc: {  	s3 =	sand.u32 $0x4000, s31;
	s1 =	sadd.s32 s1, s30  }
0xbd: {  	s0 =	sor.u32 s3, s0;
	s1 =	sshll.u32 s1, $0x11  }
0xbe: {  	s0 =	sor.u32 s1, s0  }
0xbf: {  	s0 =	sadd.s32 $0x8F2B, s0  }
0xc0: {  	[sflag:s0] =	ssyncadd.remote.s32 $0x1  }
0xc1: {  	_ =	sfence.sel $0xFFFF  }
0xc2: {  	[dreg:$0x0] =	wrdreg $0xFFFFFFFF;
	(pc) =	sbr.abs _section_cstart, $3  }
0xc3: {  	[dreg:$0x1] =	wrdreg $0xFFFFFFFF  }
0xc4: {  	_ =	task.clear_ibuf [dreg:s9], $0x2FFFF;
	_ =	strace $0x9FFFFFFF  }
0xc5: {  	(tm) =	ssettm $0x7FFFFFFF  }
tec
execute0_lowered:
.L_overlay_start_1:
0x0: {  	(tag) =	ssettag $0x1  }
0x1: {  	s0 =	rddreg [dreg:$0x0]  }
0x2: {  	s1 =	rddreg [dreg:$0x1]  }
0x3: {  	s3 =	rddreg [dreg:$0x2];
	s2 =	simm.s32 $0x0  }
0x4: {  	s4 =	simm.s32 $0x8200;
	[smem:$0x7FF] =	sst s2  }
0x5: {  	s11 =	simm.s32 $0x14200;
	_ =	strace $0x80000047;
	[dreg:$0x4] =	wrdreg s4  }
0x6: {  	s12 =	simm.s32 $0x8600;
	[dreg:$0x5] =	wrdreg s11  }
0x7: {  	s5 =	srdreg.scid;
	s13 =	simm.s32 $0x14600;
	[dreg:$0x6] =	wrdreg s12  }
0x8: {  	s8 =	stileid.u32;
	s14 =	simm.s32 $0x8A00;
	[dreg:$0x7] =	wrdreg s13  }
0x9: {  	s15 =	simm.s32 $0x14A00;
	s16 =	simm.s32 $0x8E00;
	[dreg:$0x8] =	wrdreg s14  }
0xa: {  	s17 =	simm.s32 $0x14E00;
	s18 =	simm.s32 $0x9200;
	[dreg:$0x9] =	wrdreg s15  }
0xb: {  	s20 =	simm.s32 $0x15200;
	s21 =	simm.s32 $0x9600;
	[dreg:$0xa] =	wrdreg s16  }
0xc: {  	s22 =	simm.s32 $0x15600;
	s23 =	simm.s32 $0x9A00;
	[dreg:$0xb] =	wrdreg s17  }
0xd: {  	s24 =	simm.s32 $0x15A00;
	s25 =	simm.s32 $0x9E00;
	[dreg:$0xc] =	wrdreg s18  }
0xe: {  	s9 =	simm.s32 $0xAA00;
	s10 =	simm.s32 $0x16A00;
	[dreg:$0xd] =	wrdreg s20  }
0xf: {  	s28 =	simm.s32 $0x2A00;
	s29 =	simm.s32 $0xEA00;
	[dreg:$0xe] =	wrdreg s21  }
0x10: {  	s30 =	simm.s32 $0x2E00;
	s31 =	simm.s32 $0xEE00;
	[dreg:$0xf] =	wrdreg s22  }
0x11: {  	s5 =	sand.u32 $0x1, s5;
	s19 =	sshll.u32 s8, $0xA;
	[dreg:$0x10] =	wrdreg s23  }
0x12: {  	s8 =	simm.s32 $0x200;
	s6 =	ssub.s32 $0x2, s5;
	[dreg:$0x11] =	wrdreg s24  }
0x13: {  	s5 =	sshll.u32 s5, $0x9;
	[dreg:$0x12] =	wrdreg s25;
	s20 =	simm.s32 $0x4  }
0x14: {  	s4 =	simm.s32 $0xA200;
	s21 =	simm.s32 $0xC200;
	[dreg:$0x18] =	wrdreg s9  }
0x15: {  	s22 =	simm.s32 $0x600;
	s23 =	simm.s32 $0xC600;
	[dreg:$0x19] =	wrdreg s10  }
0x16: {  	s24 =	simm.s32 $0xA00;
	s11 =	simm.s32 $0xAE00;
	[dreg:$0x14] =	wrdreg s4  }
0x17: {  	v0 =	vlaneseq.u32;
	s25 =	simm.s32 $0xCA00;
	s12 =	simm.s32 $0x16E00;
	[dreg:$0x1a] =	wrdreg s11  }
0x18: {  	v0 =	vmul.u32 $0x400, v0;
	s13 =	simm.s32 $0xB200;
	s14 =	simm.s32 $0x17200;
	[dreg:$0x1b] =	wrdreg s12  }
0x19: {  	s15 =	simm.s32 $0xB600;
	s16 =	simm.s32 $0x17600;
	[dreg:$0x1c] =	wrdreg s13  }
0x1a: {  	s9 =	simm.s32 $0xD600;
	s17 =	simm.s32 $0xBA00;
	[dreg:$0x1d] =	wrdreg s14;
	v1 =	vor.u32 $0x80, v0;
	v2 =	vor.u32 $0x100, v0  }
0x1b: {  	s10 =	simm.s32 $0x1A00;
	s18 =	simm.s32 $0x17A00;
	[dreg:$0x1e] =	wrdreg s15;
	v3 =	vor.u32 $0x180, v0;
	v4 =	vor.u32 $0x200, v0;
	v5 =	vor.u32 $0x280, v0  }
0x1c: {  	s7 =	sshrl.u32 s6, $0x1;
	s5 =	sor.u32 s5, s19;
	[dreg:$0x1f] =	wrdreg s16;
	v6 =	vor.u32 $0x300, v0;
	v7 =	vor.u32 $0x380, v0;
	v8 =	vor.u32 $0xC000, v0  }
0x1d: {  	s4 =	simm.s32 $0xCE00;
	[smem:$0x7F9] =	sst s17;
	s11 =	simm.s32 $0xDA00;
	v9 =	vor.u32 $0xC080, v0;
	v10 =	vor.u32 $0xC100, v0;
	v11 =	vor.u32 $0xC180, v0  }
0x1e: {  	[smem:$0x7FA] =	sst s18;
	s19 =	simm.s32 $0xBE00;
	s12 =	simm.s32 $0x1E00;
	v12 =	vor.u32 $0xC200, v0;
	v13 =	vor.u32 $0xC280, v0;
	v14 =	vor.u32 $0xC300, v0  }
0x1f: {  	v15 =	vor.u32 $0xC380, v0;
	v16 =	vor.u32 $0x4000, v0;
	v17 =	vor.u32 $0x4080, v0;
	s6 =	ssub.s32 s6, s7;
	s3 =	sadd.s32 s3, s5;
	[smem:$0x7FB] =	sst s19  }
0x20: {  	v18 =	vor.u32 $0x4100, v0;
	v19 =	vor.u32 $0x4180, v0;
	v20 =	vor.u32 $0x4200, v0;
	s7 =	sshrl.u32 s5, $0x3;
	s5 =	simm.s32 $0x16200;
	[smem:$0x7F7] =	sst s3  }
0x21: {  	s13 =	simm.s32 $0xDE00;
	v21 =	vor.u32 $0x4280, v0;
	v22 =	vor.u32 $0x4300, v0;
	v23 =	vor.u32 $0x4380, v0;
	s19 =	simm.s32 $0x0;
	[dreg:$0x15] =	wrdreg s5  }
0x22: {  	s14 =	simm.s32 $0x2200;
	v24 =	vor.u32 $0x10000, v0;
	v25 =	vor.u32 $0x10080, v0;
	v26 =	vor.u32 $0x10100, v0;
	s0 =	sadd.s32 s0, s7;
	[smem:$0x7FD] =	sst s19  }
0x23: {  	s15 =	simm.s32 $0x2600;
	v27 =	vor.u32 $0x10180, v0;
	v28 =	vor.u32 $0x10200, v0;
	v29 =	vor.u32 $0x10280, v0;
	s26 =	smax.u32 s6, $0x1;
	[smem:$0x7F6] =	sst s0  }
0x24: {  	v30 =	vor.u32 $0x10300, v0;
	v31 =	vor.u32 $0x10380, v0;
	v32 =	vor.u32 $0x8000, v0;
	s16 =	simm.s32 $0x1;
	s3 =	simm.s32 $0x15E00;
	[smem:$0x7F8] =	sst s26  }
0x25: {  	v33 =	vor.u32 $0x8080, v0;
	v34 =	vor.u32 $0x8100, v0;
	v35 =	vor.u32 $0x8180, v0;
	s17 =	simm.s32 $0x2;
	s6 =	simm.s32 $0xA600;
	[dreg:$0x13] =	wrdreg s3  }
0x26: {  	v36 =	vor.u32 $0x8200, v0;
	v37 =	vor.u32 $0x8280, v0;
	v38 =	vor.u32 $0x8300, v0;
	s18 =	simm.s32 $0x3;
	s7 =	simm.s32 $0x16600;
	[dreg:$0x16] =	wrdreg s6  }
0x27: {  	v39 =	vor.u32 $0x8380, v0;
	v40 =	vor.u32 $0x14000, v0;
	v41 =	vor.u32 $0x14080, v0;
	s5 =	simm.s32 $0x1200;
	[dreg:$0x17] =	wrdreg s7;
	s3 =	simm.s32 $0xE00  }
0x28: {  	v42 =	vor.u32 $0x14100, v0;
	v43 =	vor.u32 $0x14180, v0;
	v44 =	vor.u32 $0x14200, v0;
	s6 =	simm.s32 $0xD200;
	s7 =	simm.s32 $0x1600;
	s26 =	simm.s32 $0x17E00  }
0x29: {  	v45 =	vor.u32 $0x14280, v0;
	v46 =	vor.u32 $0x14300, v0;
	v47 =	vor.u32 $0x14380, v0;
	s0 =	simm.s32 $0xE200;
	[smem:$0x7FC] =	sst s26;
	s26 =	simm.s32 $0xE600  }
.LBB2_1:
0x2a: {  	s19 =	sld [smem:$0x7F6];
	_ =	sdelay $0x2  }
0x2b: {  	[tilespmem:s2], [sflag:$0x4] =	stream.linear.gather [hbm4b:s19+s2], $0x200, $0x38;
	[tilespmem:$0x1A200] =	vst v63  }
0x2c: {  	_ =	swait.ge [sflag:s20], $0x200  }
0x2d: {  	[sflag:s20] =	ssyncset.done $0x0  }
0x2e: {  	[sflag:s20] =	ssyncadd.s32 $0xFFFFFE00  }
0x2f: {  	v48 =	vld [tilespmem:$0x0];
	_ =	sdelay $0x4  }
0x30: {  	(v2sf) =	vpush v48, $0x0;
	_ =	sdelay $0x5  }
0x31: {  	(v2sf) =	vpush v48, $0x1;
	_ =	sdelay $0x5  }
0x32: {  	(v2sf) =	vpush v48, $0x2;
	_ =	sdelay $0x2  }
0x33: {  	s20 =	spop (v2sf)  }
0x34: {  	s19 =	sand.u32 $0xFFFFF80, s20  }
0x35: {  	s19 =	sadd.s32 s1, s19  }
0x36: {  	(v2sf) =	vpush v48, $0x3;
	[tilespmem:s8], [sflag:$0x1] =	stream.linear.gather [hbm4b:s19+s2], $0x400, $0x38;
	[tilespmem:$0x1A200] =	vst v63  }
0x37: {  	s19 =	sadd.s32 $0xF4280, s19  }
0x38: {  	[tilespmem:s21], [sflag:$0x1] =	stream.linear.gather [hbm4b:s19+s2], $0x400, $0x38;
	[tilespmem:$0x1A200] =	vst v63  }
0x39: {  	s21 =	spop (v2sf)  }
0x3a: {  	s19 =	sand.u32 $0xFFFFF80, s21  }
0x3b: {  	s19 =	sadd.s32 s1, s19  }
0x3c: {  	(v2sf) =	vpush v48, $0x4;
	[tilespmem:s22], [sflag:$0x1] =	stream.linear.gather [hbm4b:s19+s2], $0x400, $0x38;
	[tilespmem:$0x1A200] =	vst v63  }
0x3d: {  	s19 =	sadd.s32 $0xF4280, s19  }
0x3e: {  	[tilespmem:s23], [sflag:$0x1] =	stream.linear.gather [hbm4b:s19+s2], $0x400, $0x38;
	[tilespmem:$0x1A200] =	vst v63  }
0x3f: {  	s23 =	spop (v2sf)  }
0x40: {  	s19 =	sand.u32 $0xFFFFF80, s23  }
0x41: {  	s19 =	sadd.s32 s1, s19  }
0x42: {  	(v2sf) =	vpush v48, $0x5;
	[tilespmem:s24], [sflag:$0x1] =	stream.linear.gather [hbm4b:s19+s2], $0x400, $0x38;
	[tilespmem:$0x1A200] =	vst v63  }
0x43: {  	s19 =	sadd.s32 $0xF4280, s19  }
0x44: {  	[tilespmem:s25], [sflag:$0x1] =	stream.linear.gather [hbm4b:s19+s2], $0x400, $0x38;
	[tilespmem:$0x1A200] =	vst v63  }
0x45: {  	s25 =	spop (v2sf)  }
0x46: {  	s19 =	sand.u32 $0xFFFFF80, s25  }
0x47: {  	s19 =	sadd.s32 s1, s19  }
0x48: {  	(v2sf) =	vpush v48, $0x6;
	[tilespmem:s3], [sflag:$0x1] =	stream.linear.gather [hbm4b:s19+s2], $0x400, $0x38;
	[tilespmem:$0x1A200] =	vst v63  }
0x49: {  	s19 =	sadd.s32 $0xF4280, s19  }
0x4a: {  	[tilespmem:s4], [sflag:$0x1] =	stream.linear.gather [hbm4b:s19+s2], $0x400, $0x38;
	[tilespmem:$0x1A200] =	vst v63  }
0x4b: {  	s4 =	spop (v2sf)  }
0x4c: {  	s19 =	sand.u32 $0xFFFFF80, s4  }
0x4d: {  	s19 =	sadd.s32 s1, s19  }
0x4e: {  	(v2sf) =	vpush v48, $0x7;
	[tilespmem:s5], [sflag:$0x1] =	stream.linear.gather [hbm4b:s19+s2], $0x400, $0x38;
	[tilespmem:$0x1A200] =	vst v63  }
0x4f: {  	s19 =	sadd.s32 $0xF4280, s19  }
0x50: {  	[tilespmem:s6], [sflag:$0x1] =	stream.linear.gather [hbm4b:s19+s2], $0x400, $0x38;
	[tilespmem:$0x1A200] =	vst v63  }
0x51: {  	s20 =	spop (v2sf)  }
0x52: {  	s19 =	sand.u32 $0xFFFFF80, s20  }
0x53: {  	s19 =	sadd.s32 s1, s19  }
0x54: {  	(v2sf) =	vpush v48, $0x8;
	[tilespmem:s7], [sflag:$0x1] =	stream.linear.gather [hbm4b:s19+s2], $0x400, $0x38;
	[tilespmem:$0x1A200] =	vst v63  }
0x55: {  	s19 =	sadd.s32 $0xF4280, s19  }
0x56: {  	[tilespmem:s9], [sflag:$0x1] =	stream.linear.gather [hbm4b:s19+s2], $0x400, $0x38;
	[tilespmem:$0x1A200] =	vst v63  }
0x57: {  	s21 =	spop (v2sf)  }
0x58: {  	s19 =	sand.u32 $0xFFFFF80, s21  }
0x59: {  	s19 =	sadd.s32 s1, s19  }
0x5a: {  	(v2sf) =	vpush v48, $0x9;
	[tilespmem:s10], [sflag:$0x1] =	stream.linear.gather [hbm4b:s19+s2], $0x400, $0x38;
	[tilespmem:$0x1A200] =	vst v63  }
0x5b: {  	s19 =	sadd.s32 $0xF4280, s19  }
0x5c: {  	[tilespmem:s11], [sflag:$0x1] =	stream.linear.gather [hbm4b:s19+s2], $0x400, $0x38;
	[tilespmem:$0x1A200] =	vst v63  }
0x5d: {  	s22 =	spop (v2sf)  }
0x5e: {  	s19 =	sand.u32 $0xFFFFF80, s22  }
0x5f: {  	s19 =	sadd.s32 s1, s19  }
0x60: {  	(v2sf) =	vpush v48, $0xA;
	[tilespmem:s12], [sflag:$0x1] =	stream.linear.gather [hbm4b:s19+s2], $0x400, $0x38;
	[tilespmem:$0x1A200] =	vst v63  }
0x61: {  	s19 =	sadd.s32 $0xF4280, s19  }
0x62: {  	[tilespmem:s13], [sflag:$0x1] =	stream.linear.gather [hbm4b:s19+s2], $0x400, $0x38;
	[tilespmem:$0x1A200] =	vst v63  }
0x63: {  	s23 =	spop (v2sf)  }
0x64: {  	s19 =	sand.u32 $0xFFFFF80, s23  }
0x65: {  	s19 =	sadd.s32 s1, s19  }
0x66: {  	(v2sf) =	vpush v48, $0xB;
	[tilespmem:s14], [sflag:$0x1] =	stream.linear.gather [hbm4b:s19+s2], $0x400, $0x38;
	[tilespmem:$0x1A200] =	vst v63  }
0x67: {  	s19 =	sadd.s32 $0xF4280, s19  }
0x68: {  	[tilespmem:s0], [sflag:$0x1] =	stream.linear.gather [hbm4b:s19+s2], $0x400, $0x38;
	[tilespmem:$0x1A200] =	vst v63  }
0x69: {  	s24 =	spop (v2sf)  }
0x6a: {  	s19 =	sand.u32 $0xFFFFF80, s24  }
0x6b: {  	s19 =	sadd.s32 s1, s19  }
0x6c: {  	(v2sf) =	vpush v48, $0xC;
	[tilespmem:s15], [sflag:$0x1] =	stream.linear.gather [hbm4b:s19+s2], $0x400, $0x38;
	[tilespmem:$0x1A200] =	vst v63  }
0x6d: {  	s19 =	sadd.s32 $0xF4280, s19  }
0x6e: {  	[tilespmem:s26], [sflag:$0x1] =	stream.linear.gather [hbm4b:s19+s2], $0x400, $0x38;
	[tilespmem:$0x1A200] =	vst v63  }
0x6f: {  	s25 =	spop (v2sf)  }
0x70: {  	s19 =	sand.u32 $0xFFFFF80, s25  }
0x71: {  	s19 =	sadd.s32 s1, s19  }
0x72: {  	(v2sf) =	vpush v48, $0xD;
	[tilespmem:s28], [sflag:$0x1] =	stream.linear.gather [hbm4b:s19+s2], $0x400, $0x38;
	[tilespmem:$0x1A200] =	vst v63  }
0x73: {  	s19 =	sadd.s32 $0xF4280, s19  }
0x74: {  	[tilespmem:s29], [sflag:$0x1] =	stream.linear.gather [hbm4b:s19+s2], $0x400, $0x38;
	[tilespmem:$0x1A200] =	vst v63  }
0x75: {  	s26 =	spop (v2sf)  }
0x76: {  	s19 =	sand.u32 $0xFFFFF80, s26  }
0x77: {  	s19 =	sadd.s32 s1, s19  }
0x78: {  	(v2sf) =	vpush v48, $0xE;
	[tilespmem:s30], [sflag:$0x1] =	stream.linear.gather [hbm4b:s19+s2], $0x400, $0x38;
	[tilespmem:$0x1A200] =	vst v63  }
0x79: {  	s19 =	sadd.s32 $0xF4280, s19  }
0x7a: {  	[tilespmem:s31], [sflag:$0x1] =	stream.linear.gather [hbm4b:s19+s2], $0x400, $0x38;
	[tilespmem:$0x1A200] =	vst v63  }
0x7b: {  	s0 =	spop (v2sf)  }
0x7c: {  	s19 =	sand.u32 $0xFFFFF80, s0  }
0x7d: {  	s3 =	simm.s32 $0x3200;
	s19 =	sadd.s32 s1, s19  }
0x7e: {  	(v2sf) =	vpush v48, $0xF;
	[tilespmem:s3], [sflag:$0x1] =	stream.linear.gather [hbm4b:s19+s2], $0x400, $0x38;
	[tilespmem:$0x1A200] =	vst v63  }
0x7f: {  	s4 =	simm.s32 $0xF200;
	s19 =	sadd.s32 $0xF4280, s19  }
0x80: {  	[tilespmem:s4], [sflag:$0x1] =	stream.linear.gather [hbm4b:s19+s2], $0x400, $0x38;
	[tilespmem:$0x1A200] =	vst v63  }
0x81: {  	s5 =	spop (v2sf)  }
0x82: {  	s19 =	sand.u32 $0xFFFFF80, s5  }
0x83: {  	s6 =	simm.s32 $0x3600;
	s19 =	sadd.s32 s1, s19  }
0x84: {  	[tilespmem:s6], [sflag:$0x1] =	stream.linear.gather [hbm4b:s19+s2], $0x400, $0x38;
	[tilespmem:$0x1A200] =	vst v63  }
0x85: {  	s7 =	simm.s32 $0xF600;
	s19 =	sadd.s32 $0xF4280, s19  }
0x86: {  	[tilespmem:s7], [sflag:$0x1] =	stream.linear.gather [hbm4b:s19+s2], $0x400, $0x38;
	[tilespmem:$0x1A200] =	vst v63  }
0x87: {  	s9 =	spop (v2sf)  }
0x88: {  	s19 =	sand.u32 $0xFFFFF80, s9  }
0x89: {  	s10 =	simm.s32 $0x3A00;
	s19 =	sadd.s32 s1, s19  }
0x8a: {  	[tilespmem:s10], [sflag:$0x1] =	stream.linear.gather [hbm4b:s19+s2], $0x400, $0x38;
	[tilespmem:$0x1A200] =	vst v63  }
0x8b: {  	s11 =	simm.s32 $0xFA00;
	s19 =	sadd.s32 $0xF4280, s19  }
0x8c: {  	[tilespmem:s11], [sflag:$0x1] =	stream.linear.gather [hbm4b:s19+s2], $0x400, $0x38;
	[tilespmem:$0x1A200] =	vst v63  }
0x8d: {  	s12 =	spop (v2sf)  }
0x8e: {  	s19 =	sand.u32 $0xFFFFF80, s12  }
0x8f: {  	s13 =	simm.s32 $0x3E00;
	s19 =	sadd.s32 s1, s19  }
0x90: {  	[tilespmem:s13], [sflag:$0x1] =	stream.linear.gather [hbm4b:s19+s2], $0x400, $0x38;
	[tilespmem:$0x1A200] =	vst v63  }
0x91: {  	s14 =	simm.s32 $0xFE00;
	s19 =	sadd.s32 $0xF4280, s19  }
0x92: {  	[tilespmem:s14], [sflag:$0x1] =	stream.linear.gather [hbm4b:s19+s2], $0x400, $0x38;
	[tilespmem:$0x1A200] =	vst v63  }
0x93: {  	v63 =	vld [tilespmem:$0x10];
	_ =	sdelay $0x4  }
0x94: {  	(v2sf) =	vpush v63, $0x0;
	_ =	sdelay $0x2  }
0x95: {  	(v2sf) =	vpush v63, $0x1;
	_ =	sdelay $0x3  }
0x96: {  	(v2sf) =	vpush v63, $0x2;
	_ =	sdelay $0x7  }
0x97: {  	s15 =	spop (v2sf);
	(v2sf) =	vpush v63, $0x3;
	_ =	sdelay $0x1  }
0x98: {  	s19 =	sand.u32 $0xFFFFF80, s15  }
0x99: {  	s20 =	simm.s32 $0x4200;
	s22 =	spop (v2sf);
	(v2sf) =	vpush v63, $0x4;
	s19 =	sadd.s32 s1, s19  }
0x9a: {  	[tilespmem:s20], [sflag:$0x2] =	stream.linear.gather [hbm4b:s19+s2], $0x400, $0x38;
	[tilespmem:$0x1A200] =	vst v63  }
0x9b: {  	s21 =	simm.s32 $0x10200;
	s19 =	sadd.s32 $0xF4280, s19  }
0x9c: {  	[tilespmem:s21], [sflag:$0x2] =	stream.linear.gather [hbm4b:s19+s2], $0x400, $0x38;
	[tilespmem:$0x1A200] =	vst v63  }
0x9d: {  	s25 =	spop (v2sf);
	(v2sf) =	vpush v63, $0x5;
	s19 =	sand.u32 $0xFFFFF80, s22  }
0x9e: {  	s23 =	simm.s32 $0x4600;
	s19 =	sadd.s32 s1, s19  }
0x9f: {  	[tilespmem:s23], [sflag:$0x2] =	stream.linear.gather [hbm4b:s19+s2], $0x400, $0x38;
	[tilespmem:$0x1A200] =	vst v63  }
0xa0: {  	s24 =	simm.s32 $0x10600;
	s19 =	sadd.s32 $0xF4280, s19  }
0xa1: {  	[tilespmem:s24], [sflag:$0x2] =	stream.linear.gather [hbm4b:s19+s2], $0x400, $0x38;
	[tilespmem:$0x1A200] =	vst v63  }
0xa2: {  	s19 =	sand.u32 $0xFFFFF80, s25  }
0xa3: {  	s26 =	simm.s32 $0x4A00;
	s19 =	sadd.s32 s1, s19  }
0xa4: {  	[tilespmem:s26], [sflag:$0x2] =	stream.linear.gather [hbm4b:s19+s2], $0x400, $0x38;
	[tilespmem:$0x1A200] =	vst v63  }
0xa5: {  	s3 =	simm.s32 $0x10A00;
	s19 =	sadd.s32 $0xF4280, s19;
	s4 =	spop (v2sf);
	(v2sf) =	vpush v63, $0x6  }
0xa6: {  	[tilespmem:s3], [sflag:$0x2] =	stream.linear.gather [hbm4b:s19+s2], $0x400, $0x38;
	[tilespmem:$0x1A200] =	vst v63  }
0xa7: {  	s19 =	sand.u32 $0xFFFFF80, s4  }
0xa8: {  	s5 =	simm.s32 $0x4E00;
	s7 =	spop (v2sf);
	(v2sf) =	vpush v63, $0x7;
	s19 =	sadd.s32 s1, s19  }
0xa9: {  	[tilespmem:s5], [sflag:$0x2] =	stream.linear.gather [hbm4b:s19+s2], $0x400, $0x38;
	[tilespmem:$0x1A200] =	vst v63  }
0xaa: {  	s6 =	simm.s32 $0x10E00;
	s19 =	sadd.s32 $0xF4280, s19  }
0xab: {  	[tilespmem:s6], [sflag:$0x2] =	stream.linear.gather [hbm4b:s19+s2], $0x400, $0x38;
	[tilespmem:$0x1A200] =	vst v63  }
0xac: {  	s11 =	spop (v2sf);
	(v2sf) =	vpush v63, $0x8;
	s19 =	sand.u32 $0xFFFFF80, s7  }
0xad: {  	s9 =	simm.s32 $0x5200;
	s19 =	sadd.s32 s1, s19  }
0xae: {  	[tilespmem:s9], [sflag:$0x2] =	stream.linear.gather [hbm4b:s19+s2], $0x400, $0x38;
	[tilespmem:$0x1A200] =	vst v63  }
0xaf: {  	s10 =	simm.s32 $0x11200;
	s19 =	sadd.s32 $0xF4280, s19  }
0xb0: {  	[tilespmem:s10], [sflag:$0x2] =	stream.linear.gather [hbm4b:s19+s2], $0x400, $0x38;
	[tilespmem:$0x1A200] =	vst v63  }
0xb1: {  	s19 =	sand.u32 $0xFFFFF80, s11  }
0xb2: {  	s12 =	simm.s32 $0x5600;
	s19 =	sadd.s32 s1, s19  }
0xb3: {  	[tilespmem:s12], [sflag:$0x2] =	stream.linear.gather [hbm4b:s19+s2], $0x400, $0x38;
	[tilespmem:$0x1A200] =	vst v63  }
0xb4: {  	s13 =	simm.s32 $0x11600;
	s19 =	sadd.s32 $0xF4280, s19;
	s14 =	spop (v2sf);
	(v2sf) =	vpush v63, $0x9  }
0xb5: {  	[tilespmem:s13], [sflag:$0x2] =	stream.linear.gather [hbm4b:s19+s2], $0x400, $0x38;
	[tilespmem:$0x1A200] =	vst v63  }
0xb6: {  	s19 =	sand.u32 $0xFFFFF80, s14  }
0xb7: {  	s15 =	simm.s32 $0x5A00;
	s21 =	spop (v2sf);
	(v2sf) =	vpush v63, $0xA;
	s19 =	sadd.s32 s1, s19  }
0xb8: {  	[tilespmem:s15], [sflag:$0x2] =	stream.linear.gather [hbm4b:s19+s2], $0x400, $0x38;
	[tilespmem:$0x1A200] =	vst v63  }
0xb9: {  	s20 =	simm.s32 $0x11A00;
	s19 =	sadd.s32 $0xF4280, s19  }
0xba: {  	[tilespmem:s20], [sflag:$0x2] =	stream.linear.gather [hbm4b:s19+s2], $0x400, $0x38;
	[tilespmem:$0x1A200] =	vst v63  }
0xbb: {  	s24 =	spop (v2sf);
	(v2sf) =	vpush v63, $0xB;
	s19 =	sand.u32 $0xFFFFF80, s21  }
0xbc: {  	s22 =	simm.s32 $0x5E00;
	s19 =	sadd.s32 s1, s19  }
0xbd: {  	[tilespmem:s22], [sflag:$0x2] =	stream.linear.gather [hbm4b:s19+s2], $0x400, $0x38;
	[tilespmem:$0x1A200] =	vst v63  }
0xbe: {  	s23 =	simm.s32 $0x11E00;
	s19 =	sadd.s32 $0xF4280, s19  }
0xbf: {  	[tilespmem:s23], [sflag:$0x2] =	stream.linear.gather [hbm4b:s19+s2], $0x400, $0x38;
	[tilespmem:$0x1A200] =	vst v63  }
0xc0: {  	s19 =	sand.u32 $0xFFFFF80, s24  }
0xc1: {  	s25 =	simm.s32 $0x6200;
	s19 =	sadd.s32 s1, s19  }
0xc2: {  	[tilespmem:s25], [sflag:$0x2] =	stream.linear.gather [hbm4b:s19+s2], $0x400, $0x38;
	[tilespmem:$0x1A200] =	vst v63  }
0xc3: {  	s26 =	simm.s32 $0x12200;
	s19 =	sadd.s32 $0xF4280, s19;
	s0 =	spop (v2sf);
	(v2sf) =	vpush v63, $0xC  }
0xc4: {  	[tilespmem:s26], [sflag:$0x2] =	stream.linear.gather [hbm4b:s19+s2], $0x400, $0x38;
	[tilespmem:$0x1A200] =	vst v63  }
0xc5: {  	s19 =	sand.u32 $0xFFFFF80, s0  }
0xc6: {  	s3 =	simm.s32 $0x6600;
	s5 =	spop (v2sf);
	(v2sf) =	vpush v63, $0xD;
	s19 =	sadd.s32 s1, s19  }
0xc7: {  	[tilespmem:s3], [sflag:$0x2] =	stream.linear.gather [hbm4b:s19+s2], $0x400, $0x38;
	[tilespmem:$0x1A200] =	vst v63  }
0xc8: {  	s4 =	simm.s32 $0x12600;
	s19 =	sadd.s32 $0xF4280, s19  }
0xc9: {  	[tilespmem:s4], [sflag:$0x2] =	stream.linear.gather [hbm4b:s19+s2], $0x400, $0x38;
	[tilespmem:$0x1A200] =	vst v63  }
0xca: {  	s9 =	spop (v2sf);
	(v2sf) =	vpush v63, $0xE;
	s19 =	sand.u32 $0xFFFFF80, s5  }
0xcb: {  	s28 =	simm.s32 $0x13E00;
	s6 =	simm.s32 $0x6A00;
	s19 =	sadd.s32 s1, s19  }
0xcc: {  	[tilespmem:s6], [sflag:$0x2] =	stream.linear.gather [hbm4b:s19+s2], $0x400, $0x38;
	[tilespmem:$0x1A200] =	vst v63  }
0xcd: {  	s29 =	simm.s32 $0xE600;
	s7 =	simm.s32 $0x12A00;
	s19 =	sadd.s32 $0xF4280, s19  }
0xce: {  	[tilespmem:s7], [sflag:$0x2] =	stream.linear.gather [hbm4b:s19+s2], $0x400, $0x38;
	[tilespmem:$0x1A200] =	vst v63  }
0xcf: {  	s30 =	simm.s32 $0x13A00;
	s31 =	simm.s32 $0xEA00;
	s19 =	sand.u32 $0xFFFFF80, s9  }
0xd0: {  	s10 =	simm.s32 $0x6E00;
	s11 =	simm.s32 $0x12E00;
	s19 =	sadd.s32 s1, s19  }
0xd1: {  	[tilespmem:s10], [sflag:$0x2] =	stream.linear.gather [hbm4b:s19+s2], $0x400, $0x38;
	[tilespmem:$0x1A200] =	vst v63  }
0xd2: {  	s13 =	simm.s32 $0x7200;
	s19 =	sadd.s32 $0xF4280, s19;
	s12 =	spop (v2sf);
	(v2sf) =	vpush v63, $0xF  }
0xd3: {  	[tilespmem:s11], [sflag:$0x2] =	stream.linear.gather [hbm4b:s19+s2], $0x400, $0x38;
	[tilespmem:$0x1A200] =	vst v63  }
0xd4: {  	s15 =	simm.s32 $0x13200;
	s20 =	simm.s32 $0x2;
	s19 =	sand.u32 $0xFFFFF80, s12  }
0xd5: {  	s22 =	simm.s32 $0x7600;
	s14 =	spop (v2sf);
	s19 =	sadd.s32 s1, s19  }
0xd6: {  	[tilespmem:s13], [sflag:$0x2] =	stream.linear.gather [hbm4b:s19+s2], $0x400, $0x38;
	[tilespmem:$0x1A200] =	vst v63  }
0xd7: {  	s24 =	simm.s32 $0x13600;
	s21 =	sand.u32 $0xFFFFF80, s14;
	s19 =	sadd.s32 $0xF4280, s19  }
0xd8: {  	[tilespmem:s15], [sflag:$0x2] =	stream.linear.gather [hbm4b:s19+s2], $0x400, $0x38;
	[tilespmem:$0x1A200] =	vst v63  }
0xd9: {  	s0 =	simm.s32 $0xEE00;
	s23 =	spop (v2sf);
	s19 =	sadd.s32 s1, s21  }
0xda: {  	[tilespmem:s22], [sflag:$0x2] =	stream.linear.gather [hbm4b:s19+s2], $0x400, $0x38;
	[tilespmem:$0x1A200] =	vst v63  }
0xdb: {  	s3 =	simm.s32 $0x7E00;
	s25 =	sand.u32 $0xFFFFF80, s23;
	s19 =	sadd.s32 $0xF4280, s19  }
0xdc: {  	[tilespmem:s24], [sflag:$0x2] =	stream.linear.gather [hbm4b:s19+s2], $0x400, $0x38;
	[tilespmem:$0x1A200] =	vst v63  }
0xdd: {  	s4 =	simm.s32 $0xCE00;
	s15 =	simm.s32 $0x7A00;
	s19 =	sadd.s32 s1, s25  }
0xde: {  	[tilespmem:s15], [sflag:$0x2] =	stream.linear.gather [hbm4b:s19+s2], $0x400, $0x38;
	[tilespmem:$0x1A200] =	vst v63  }
0xdf: {  	s5 =	simm.s32 $0x1200;
	s6 =	simm.s32 $0xD200;
	s19 =	sadd.s32 $0xF4280, s19  }
0xe0: {  	[tilespmem:s30], [sflag:$0x2] =	stream.linear.gather [hbm4b:s19+s2], $0x400, $0x38;
	[tilespmem:$0x1A200] =	vst v63  }
0xe1: {  	s7 =	simm.s32 $0x1600;
	s9 =	simm.s32 $0xD600;
	s26 =	spop (v2sf)  }
0xe2: {  	s10 =	simm.s32 $0x1A00;
	s11 =	simm.s32 $0xDA00;
	s19 =	sand.u32 $0xFFFFF80, s26  }
0xe3: {  	s12 =	simm.s32 $0x1E00;
	s14 =	simm.s32 $0x2200;
	s19 =	sadd.s32 s1, s19  }
0xe4: {  	[tilespmem:s3], [sflag:$0x2] =	stream.linear.gather [hbm4b:s19+s2], $0x400, $0x38;
	[tilespmem:$0x1A200] =	vst v63  }
0xe5: {  	s23 =	simm.s32 $0x0;
	s13 =	simm.s32 $0xDE00;
	s19 =	sadd.s32 $0xF4280, s19  }
0xe6: {  	[tilespmem:s28], [sflag:$0x2] =	stream.linear.gather [hbm4b:s19+s2], $0x400, $0x38;
	[tilespmem:$0x1A200] =	vst v63  }
0xe7: {  	s21 =	simm.s32 $0x1;
	s22 =	simm.s32 $0x0;
	s19 =	simm.s32 $0x20  }
.LBB2_2:
0xe8: {  	v48 =	vld [tilespmem:s19+$0x0];
	_ =	sdelay $0x4  }
0xe9: {  	(v2sf) =	vpush v48, $0x0;
	_ =	sdelay $0x5  }
0xea: {  	(v2sf) =	vpush v48, $0x1;
	_ =	sdelay $0x5  }
0xeb: {  	(v2sf) =	vpush v48, $0x2;
	_ =	sdelay $0x2  }
0xec: {  	s24 =	spop (v2sf)  }
0xed: {  	s24 =	sand.u32 $0xFFFFF80, s24  }
0xee: {  	s25 =	rddreg [dreg:$0x4];
	s24 =	sadd.s32 s1, s24  }
0xef: {  	(v2sf) =	vpush v48, $0x3;
	[tilespmem:s25], [sflag:$0x3] =	stream.linear.gather [hbm4b:s24+s2], $0x400, $0x38;
	[tilespmem:$0x1A200] =	vst v63  }
0xf0: {  	s26 =	rddreg [dreg:$0x5];
	s24 =	sadd.s32 $0xF4280, s24  }
0xf1: {  	[tilespmem:s26], [sflag:$0x3] =	stream.linear.gather [hbm4b:s24+s2], $0x400, $0x38;
	[tilespmem:$0x1A200] =	vst v63  }
0xf2: {  	s26 =	spop (v2sf)  }
0xf3: {  	s24 =	sand.u32 $0xFFFFF80, s26  }
0xf4: {  	s25 =	rddreg [dreg:$0x6];
	s24 =	sadd.s32 s1, s24  }
0xf5: {  	(v2sf) =	vpush v48, $0x4;
	[tilespmem:s25], [sflag:$0x3] =	stream.linear.gather [hbm4b:s24+s2], $0x400, $0x38;
	[tilespmem:$0x1A200] =	vst v63  }
0xf6: {  	s26 =	rddreg [dreg:$0x7];
	s24 =	sadd.s32 $0xF4280, s24  }
0xf7: {  	[tilespmem:s26], [sflag:$0x3] =	stream.linear.gather [hbm4b:s24+s2], $0x400, $0x38;
	[tilespmem:$0x1A200] =	vst v63  }
0xf8: {  	s26 =	spop (v2sf)  }
0xf9: {  	s24 =	sand.u32 $0xFFFFF80, s26  }
0xfa: {  	s25 =	rddreg [dreg:$0x8];
	s24 =	sadd.s32 s1, s24  }
0xfb: {  	(v2sf) =	vpush v48, $0x5;
	[tilespmem:s25], [sflag:$0x3] =	stream.linear.gather [hbm4b:s24+s2], $0x400, $0x38;
	[tilespmem:$0x1A200] =	vst v63  }
0xfc: {  	s26 =	rddreg [dreg:$0x9];
	s24 =	sadd.s32 $0xF4280, s24  }
0xfd: {  	[tilespmem:s26], [sflag:$0x3] =	stream.linear.gather [hbm4b:s24+s2], $0x400, $0x38;
	[tilespmem:$0x1A200] =	vst v63  }
0xfe: {  	s26 =	spop (v2sf)  }
0xff: {  	s24 =	sand.u32 $0xFFFFF80, s26  }
0x100: {  	s25 =	rddreg [dreg:$0xa];
	s24 =	sadd.s32 s1, s24  }
0x101: {  	(v2sf) =	vpush v48, $0x6;
	[tilespmem:s25], [sflag:$0x3] =	stream.linear.gather [hbm4b:s24+s2], $0x400, $0x38;
	[tilespmem:$0x1A200] =	vst v63  }
0x102: {  	s26 =	rddreg [dreg:$0xb];
	s24 =	sadd.s32 $0xF4280, s24  }
0x103: {  	[tilespmem:s26], [sflag:$0x3] =	stream.linear.gather [hbm4b:s24+s2], $0x400, $0x38;
	[tilespmem:$0x1A200] =	vst v63  }
0x104: {  	s26 =	spop (v2sf)  }
0x105: {  	s24 =	sand.u32 $0xFFFFF80, s26  }
0x106: {  	s25 =	rddreg [dreg:$0xc];
	s24 =	sadd.s32 s1, s24  }
0x107: {  	(v2sf) =	vpush v48, $0x7;
	[tilespmem:s25], [sflag:$0x3] =	stream.linear.gather [hbm4b:s24+s2], $0x400, $0x38;
	[tilespmem:$0x1A200] =	vst v63  }
0x108: {  	s26 =	rddreg [dreg:$0xd];
	s24 =	sadd.s32 $0xF4280, s24  }
0x109: {  	[tilespmem:s26], [sflag:$0x3] =	stream.linear.gather [hbm4b:s24+s2], $0x400, $0x38;
	[tilespmem:$0x1A200] =	vst v63  }
0x10a: {  	s26 =	spop (v2sf)  }
0x10b: {  	s24 =	sand.u32 $0xFFFFF80, s26  }
0x10c: {  	s25 =	rddreg [dreg:$0xe];
	s24 =	sadd.s32 s1, s24  }
0x10d: {  	(v2sf) =	vpush v48, $0x8;
	[tilespmem:s25], [sflag:$0x3] =	stream.linear.gather [hbm4b:s24+s2], $0x400, $0x38;
	[tilespmem:$0x1A200] =	vst v63  }
0x10e: {  	s26 =	rddreg [dreg:$0xf];
	s24 =	sadd.s32 $0xF4280, s24  }
0x10f: {  	[tilespmem:s26], [sflag:$0x3] =	stream.linear.gather [hbm4b:s24+s2], $0x400, $0x38;
	[tilespmem:$0x1A200] =	vst v63  }
0x110: {  	s26 =	spop (v2sf)  }
0x111: {  	s24 =	sand.u32 $0xFFFFF80, s26  }
0x112: {  	s25 =	rddreg [dreg:$0x10];
	s24 =	sadd.s32 s1, s24  }
0x113: {  	(v2sf) =	vpush v48, $0x9;
	[tilespmem:s25], [sflag:$0x3] =	stream.linear.gather [hbm4b:s24+s2], $0x400, $0x38;
	[tilespmem:$0x1A200] =	vst v63  }
0x114: {  	s26 =	rddreg [dreg:$0x11];
	s24 =	sadd.s32 $0xF4280, s24  }
0x115: {  	[tilespmem:s26], [sflag:$0x3] =	stream.linear.gather [hbm4b:s24+s2], $0x400, $0x38;
	[tilespmem:$0x1A200] =	vst v63  }
0x116: {  	s26 =	spop (v2sf)  }
0x117: {  	s24 =	sand.u32 $0xFFFFF80, s26  }
0x118: {  	s25 =	rddreg [dreg:$0x12];
	s24 =	sadd.s32 s1, s24  }
0x119: {  	(v2sf) =	vpush v48, $0xA;
	[tilespmem:s25], [sflag:$0x3] =	stream.linear.gather [hbm4b:s24+s2], $0x400, $0x38;
	[tilespmem:$0x1A200] =	vst v63  }
0x11a: {  	s26 =	rddreg [dreg:$0x13];
	s24 =	sadd.s32 $0xF4280, s24  }
0x11b: {  	[tilespmem:s26], [sflag:$0x3] =	stream.linear.gather [hbm4b:s24+s2], $0x400, $0x38;
	[tilespmem:$0x1A200] =	vst v63  }
0x11c: {  	s26 =	spop (v2sf)  }
0x11d: {  	s24 =	sand.u32 $0xFFFFF80, s26  }
0x11e: {  	s25 =	rddreg [dreg:$0x14];
	s24 =	sadd.s32 s1, s24  }
0x11f: {  	(v2sf) =	vpush v48, $0xB;
	[tilespmem:s25], [sflag:$0x3] =	stream.linear.gather [hbm4b:s24+s2], $0x400, $0x38;
	[tilespmem:$0x1A200] =	vst v63  }
0x120: {  	s26 =	rddreg [dreg:$0x15];
	s24 =	sadd.s32 $0xF4280, s24  }
0x121: {  	[tilespmem:s26], [sflag:$0x3] =	stream.linear.gather [hbm4b:s24+s2], $0x400, $0x38;
	[tilespmem:$0x1A200] =	vst v63  }
0x122: {  	s26 =	spop (v2sf)  }
0x123: {  	s24 =	sand.u32 $0xFFFFF80, s26  }
0x124: {  	s25 =	rddreg [dreg:$0x16];
	s24 =	sadd.s32 s1, s24  }
0x125: {  	(v2sf) =	vpush v48, $0xC;
	[tilespmem:s25], [sflag:$0x3] =	stream.linear.gather [hbm4b:s24+s2], $0x400, $0x38;
	[tilespmem:$0x1A200] =	vst v63  }
0x126: {  	s26 =	rddreg [dreg:$0x17];
	s24 =	sadd.s32 $0xF4280, s24  }
0x127: {  	[tilespmem:s26], [sflag:$0x3] =	stream.linear.gather [hbm4b:s24+s2], $0x400, $0x38;
	[tilespmem:$0x1A200] =	vst v63  }
0x128: {  	s26 =	spop (v2sf)  }
0x129: {  	s24 =	sand.u32 $0xFFFFF80, s26  }
0x12a: {  	s25 =	rddreg [dreg:$0x18];
	s24 =	sadd.s32 s1, s24  }
0x12b: {  	(v2sf) =	vpush v48, $0xD;
	[tilespmem:s25], [sflag:$0x3] =	stream.linear.gather [hbm4b:s24+s2], $0x400, $0x38;
	[tilespmem:$0x1A200] =	vst v63  }
0x12c: {  	s26 =	rddreg [dreg:$0x19];
	s24 =	sadd.s32 $0xF4280, s24  }
0x12d: {  	[tilespmem:s26], [sflag:$0x3] =	stream.linear.gather [hbm4b:s24+s2], $0x400, $0x38;
	[tilespmem:$0x1A200] =	vst v63  }
0x12e: {  	s26 =	spop (v2sf)  }
0x12f: {  	s24 =	sand.u32 $0xFFFFF80, s26  }
0x130: {  	s25 =	rddreg [dreg:$0x1a];
	s24 =	sadd.s32 s1, s24  }
0x131: {  	(v2sf) =	vpush v48, $0xE;
	[tilespmem:s25], [sflag:$0x3] =	stream.linear.gather [hbm4b:s24+s2], $0x400, $0x38;
	[tilespmem:$0x1A200] =	vst v63  }
0x132: {  	s26 =	rddreg [dreg:$0x1b];
	s24 =	sadd.s32 $0xF4280, s24  }
0x133: {  	[tilespmem:s26], [sflag:$0x3] =	stream.linear.gather [hbm4b:s24+s2], $0x400, $0x38;
	[tilespmem:$0x1A200] =	vst v63  }
0x134: {  	s26 =	spop (v2sf)  }
0x135: {  	s24 =	sand.u32 $0xFFFFF80, s26  }
0x136: {  	s25 =	rddreg [dreg:$0x1c];
	s24 =	sadd.s32 s1, s24  }
0x137: {  	(v2sf) =	vpush v48, $0xF;
	[tilespmem:s25], [sflag:$0x3] =	stream.linear.gather [hbm4b:s24+s2], $0x400, $0x38;
	[tilespmem:$0x1A200] =	vst v63  }
0x138: {  	s26 =	rddreg [dreg:$0x1d];
	s24 =	sadd.s32 $0xF4280, s24  }
0x139: {  	[tilespmem:s26], [sflag:$0x3] =	stream.linear.gather [hbm4b:s24+s2], $0x400, $0x38;
	[tilespmem:$0x1A200] =	vst v63  }
0x13a: {  	s26 =	spop (v2sf)  }
0x13b: {  	s24 =	sand.u32 $0xFFFFF80, s26  }
0x13c: {  	s25 =	rddreg [dreg:$0x1e];
	s24 =	sadd.s32 s1, s24  }
0x13d: {  	[tilespmem:s25], [sflag:$0x3] =	stream.linear.gather [hbm4b:s24+s2], $0x400, $0x38;
	[tilespmem:$0x1A200] =	vst v63  }
0x13e: {  	s26 =	rddreg [dreg:$0x1f];
	s24 =	sadd.s32 $0xF4280, s24  }
0x13f: {  	[tilespmem:s26], [sflag:$0x3] =	stream.linear.gather [hbm4b:s24+s2], $0x400, $0x38;
	[tilespmem:$0x1A200] =	vst v63  }
0x140: {  	s25 =	sld [smem:$0x7F9];
	s26 =	spop (v2sf)  }
0x141: {  	s24 =	sand.u32 $0xFFFFF80, s26  }
0x142: {  	s26 =	sld [smem:$0x7FA];
	s24 =	sadd.s32 s1, s24  }
0x143: {  	[tilespmem:s25], [sflag:$0x3] =	stream.linear.gather [hbm4b:s24+s2], $0x400, $0x38;
	[tilespmem:$0x1A200] =	vst v63  }
0x144: {  	s24 =	sadd.s32 $0xF4280, s24  }
0x145: {  	[tilespmem:s26], [sflag:$0x3] =	stream.linear.gather [hbm4b:s24+s2], $0x400, $0x38;
	[tilespmem:$0x1A200] =	vst v63  }
0x146: {  	s25 =	sld [smem:$0x7FB];
	s26 =	spop (v2sf)  }
0x147: {  	s24 =	sand.u32 $0xFFFFF80, s26  }
0x148: {  	s26 =	sld [smem:$0x7FC];
	s24 =	sadd.s32 s1, s24  }
0x149: {  	[tilespmem:s25], [sflag:$0x3] =	stream.linear.gather [hbm4b:s24+s2], $0x400, $0x38;
	[tilespmem:$0x1A200] =	vst v63  }
0x14a: {  	s24 =	sadd.s32 $0xF4280, s24  }
0x14b: {  	[tilespmem:s26], [sflag:$0x3] =	stream.linear.gather [hbm4b:s24+s2], $0x400, $0x38;
	[tilespmem:$0x1A200] =	vst v63  }
0x14c: {  	_ =	swait.ge [sflag:s16], $0x8000  }
0x14d: {  	[sflag:s16] =	ssyncset.done $0x0  }
0x14e: {  	[sflag:s16] =	ssyncadd.s32 $0xFFFF8000  }
0x14f: {  	v54 =	vld [tilespmem:s19+$0xFFFFFFE0];
	_ =	sdelay $0x4  }
0x150: {  	v48 =	vand.u32 $0x7F, v54  }
0x151: {  	v49 =	vor.u32 v0, v48;
	_ =	sdelay $0x4  }
0x152: {  	v49 =	vld.idx.msk [tilespmem:v49+s8+$0x0], $0xffff  }
0x153: {  	v50 =	vor.u32 v1, v48;
	_ =	sdelay $0x1  }
0x154: {  	s25 =	sand.u32 $0x70, s22;
	s26 =	sand.u32 $0x1C00, s23  }
0x155: {  	s24 =	sor.u32 s25, s26  }
0x156: {  	[tilespmem:s24+$0x18200] =	vst v49  }
0x157: {  	v49 =	vld.idx.msk [tilespmem:v50+s8+$0x0], $0xffff  }
0x158: {  	v55 =	vor.u32 v2, v48;
	_ =	sdelay $0x3  }
0x159: {  	[tilespmem:s24+$0x18280] =	vst v49  }
0x15a: {  	v49 =	vld.idx.msk [tilespmem:v55+s8+$0x0], $0xffff  }
0x15b: {  	v56 =	vor.u32 v3, v48;
	_ =	sdelay $0x3  }
0x15c: {  	[tilespmem:s24+$0x18300] =	vst v49  }
0x15d: {  	v49 =	vld.idx.msk [tilespmem:v56+s8+$0x0], $0xffff  }
0x15e: {  	v57 =	vor.u32 v4, v48;
	_ =	sdelay $0x3  }
0x15f: {  	[tilespmem:s24+$0x18380] =	vst v49  }
0x160: {  	v49 =	vld.idx.msk [tilespmem:v57+s8+$0x0], $0xffff  }
0x161: {  	v58 =	vor.u32 v5, v48;
	_ =	sdelay $0x3  }
0x162: {  	[tilespmem:s24+$0x18400] =	vst v49  }
0x163: {  	v49 =	vld.idx.msk [tilespmem:v58+s8+$0x0], $0xffff  }
0x164: {  	v59 =	vor.u32 v6, v48;
	_ =	sdelay $0x3  }
0x165: {  	[tilespmem:s24+$0x18480] =	vst v49  }
0x166: {  	v49 =	vld.idx.msk [tilespmem:v59+s8+$0x0], $0xffff  }
0x167: {  	v60 =	vor.u32 v7, v48;
	_ =	sdelay $0x3  }
0x168: {  	[tilespmem:s24+$0x18500] =	vst v49  }
0x169: {  	v49 =	vld.idx.msk [tilespmem:v60+s8+$0x0], $0xffff  }
0x16a: {  	v61 =	vor.u32 v8, v48;
	_ =	sdelay $0x1  }
0x16b: {  	s26 =	sor.u32 s23, s22  }
0x16c: {  	s25 =	sor.u32 $0x380, s26  }
0x16d: {  	[tilespmem:s25+$0x18200] =	vst v49  }
0x16e: {  	v49 =	vld.idx.msk [tilespmem:v61+s8+$0x0], $0xffff  }
0x16f: {  	v62 =	vor.u32 v9, v48;
	_ =	sdelay $0x3  }
0x170: {  	[tilespmem:s24+$0x19200] =	vst v49  }
0x171: {  	v49 =	vld.idx.msk [tilespmem:v62+s8+$0x0], $0xffff  }
0x172: {  	v63 =	vor.u32 v10, v48;
	_ =	sdelay $0x3  }
0x173: {  	[tilespmem:s24+$0x19280] =	vst v49  }
0x174: {  	v49 =	vld.idx.msk [tilespmem:v63+s8+$0x0], $0xffff  }
0x175: {  	v52 =	vor.u32 v11, v48;
	_ =	sdelay $0x3  }
0x176: {  	[tilespmem:s24+$0x19300] =	vst v49  }
0x177: {  	v49 =	vld.idx.msk [tilespmem:v52+s8+$0x0], $0xffff  }
0x178: {  	v53 =	vor.u32 v12, v48;
	_ =	sdelay $0x3  }
0x179: {  	[tilespmem:s24+$0x19380] =	vst v49  }
0x17a: {  	v49 =	vld.idx.msk [tilespmem:v53+s8+$0x0], $0xffff  }
0x17b: {  	v54 =	vor.u32 v13, v48;
	_ =	sdelay $0x3  }
0x17c: {  	[tilespmem:s24+$0x19400] =	vst v49  }
0x17d: {  	v49 =	vld.idx.msk [tilespmem:v54+s8+$0x0], $0xffff  }
0x17e: {  	v55 =	vor.u32 v14, v48;
	_ =	sdelay $0x3  }
0x17f: {  	[tilespmem:s24+$0x19480] =	vst v49  }
0x180: {  	v49 =	vld.idx.msk [tilespmem:v55+s8+$0x0], $0xffff  }
0x181: {  	v48 =	vor.u32 v15, v48;
	_ =	sdelay $0x3  }
0x182: {  	[tilespmem:s24+$0x19500] =	vst v49  }
0x183: {  	v48 =	vld.idx.msk [tilespmem:v48+s8+$0x0], $0xffff;
	_ =	sdelay $0x4  }
0x184: {  	[tilespmem:s24+$0x19580] =	vst v48  }
0x185: {  	v48 =	vld [tilespmem:s19+$0x10];
	_ =	sdelay $0x4  }
0x186: {  	(v2sf) =	vpush v48, $0x0;
	_ =	sdelay $0x3  }
0x187: {  	(v2sf) =	vpush v48, $0x1;
	_ =	sdelay $0x4  }
0x188: {  	(v2sf) =	vpush v48, $0x2;
	_ =	sdelay $0x5  }
0x189: {  	s25 =	spop (v2sf)  }
0x18a: {  	(v2sf) =	vpush v48, $0x3;
	s24 =	sand.u32 $0xFFFFF80, s25  }
0x18b: {  	s24 =	sadd.s32 s1, s24  }
0x18c: {  	[tilespmem:s8], [sflag:$0x1] =	stream.linear.gather [hbm4b:s24+s2], $0x400, $0x38;
	[tilespmem:$0x1A200] =	vst v63  }
0x18d: {  	s26 =	simm.s32 $0xC200;
	s25 =	spop (v2sf);
	s24 =	sadd.s32 $0xF4280, s24  }
0x18e: {  	(v2sf) =	vpush v48, $0x4;
	[tilespmem:s26], [sflag:$0x1] =	stream.linear.gather [hbm4b:s24+s2], $0x400, $0x38;
	[tilespmem:$0x1A200] =	vst v63  }
0x18f: {  	s24 =	sand.u32 $0xFFFFF80, s25  }
0x190: {  	s26 =	simm.s32 $0x600;
	s24 =	sadd.s32 s1, s24  }
0x191: {  	[tilespmem:s26], [sflag:$0x1] =	stream.linear.gather [hbm4b:s24+s2], $0x400, $0x38;
	[tilespmem:$0x1A200] =	vst v63  }
0x192: {  	s25 =	spop (v2sf);
	s24 =	sadd.s32 $0xF4280, s24;
	s26 =	simm.s32 $0xC600  }
0x193: {  	(v2sf) =	vpush v48, $0x5;
	[tilespmem:s26], [sflag:$0x1] =	stream.linear.gather [hbm4b:s24+s2], $0x400, $0x38;
	[tilespmem:$0x1A200] =	vst v63  }
0x194: {  	s24 =	sand.u32 $0xFFFFF80, s25  }
0x195: {  	s26 =	simm.s32 $0xA00;
	s24 =	sadd.s32 s1, s24  }
0x196: {  	[tilespmem:s26], [sflag:$0x1] =	stream.linear.gather [hbm4b:s24+s2], $0x400, $0x38;
	[tilespmem:$0x1A200] =	vst v63  }
0x197: {  	s24 =	sadd.s32 $0xF4280, s24;
	s26 =	simm.s32 $0xCA00  }
0x198: {  	[tilespmem:s26], [sflag:$0x1] =	stream.linear.gather [hbm4b:s24+s2], $0x400, $0x38;
	[tilespmem:$0x1A200] =	vst v63  }
0x199: {  	s25 =	spop (v2sf)  }
0x19a: {  	(v2sf) =	vpush v48, $0x6;
	s24 =	sand.u32 $0xFFFFF80, s25  }
0x19b: {  	s26 =	simm.s32 $0xE00;
	s24 =	sadd.s32 s1, s24  }
0x19c: {  	[tilespmem:s26], [sflag:$0x1] =	stream.linear.gather [hbm4b:s24+s2], $0x400, $0x38;
	[tilespmem:$0x1A200] =	vst v63  }
0x19d: {  	s25 =	spop (v2sf);
	s24 =	sadd.s32 $0xF4280, s24  }
0x19e: {  	(v2sf) =	vpush v48, $0x7;
	[tilespmem:s4], [sflag:$0x1] =	stream.linear.gather [hbm4b:s24+s2], $0x400, $0x38;
	[tilespmem:$0x1A200] =	vst v63  }
0x19f: {  	s24 =	sand.u32 $0xFFFFF80, s25  }
0x1a0: {  	s24 =	sadd.s32 s1, s24  }
0x1a1: {  	[tilespmem:s5], [sflag:$0x1] =	stream.linear.gather [hbm4b:s24+s2], $0x400, $0x38;
	[tilespmem:$0x1A200] =	vst v63  }
0x1a2: {  	s26 =	spop (v2sf);
	s24 =	sadd.s32 $0xF4280, s24  }
0x1a3: {  	(v2sf) =	vpush v48, $0x8;
	[tilespmem:s6], [sflag:$0x1] =	stream.linear.gather [hbm4b:s24+s2], $0x400, $0x38;
	[tilespmem:$0x1A200] =	vst v63  }
0x1a4: {  	s24 =	sand.u32 $0xFFFFF80, s26  }
0x1a5: {  	s24 =	sadd.s32 s1, s24  }
0x1a6: {  	[tilespmem:s7], [sflag:$0x1] =	stream.linear.gather [hbm4b:s24+s2], $0x400, $0x38;
	[tilespmem:$0x1A200] =	vst v63  }
0x1a7: {  	s24 =	sadd.s32 $0xF4280, s24  }
0x1a8: {  	[tilespmem:s9], [sflag:$0x1] =	stream.linear.gather [hbm4b:s24+s2], $0x400, $0x38;
	[tilespmem:$0x1A200] =	vst v63  }
0x1a9: {  	s25 =	spop (v2sf)  }
0x1aa: {  	(v2sf) =	vpush v48, $0x9;
	s24 =	sand.u32 $0xFFFFF80, s25  }
0x1ab: {  	s24 =	sadd.s32 s1, s24  }
0x1ac: {  	[tilespmem:s10], [sflag:$0x1] =	stream.linear.gather [hbm4b:s24+s2], $0x400, $0x38;
	[tilespmem:$0x1A200] =	vst v63  }
0x1ad: {  	s26 =	spop (v2sf);
	s24 =	sadd.s32 $0xF4280, s24  }
0x1ae: {  	(v2sf) =	vpush v48, $0xA;
	[tilespmem:s11], [sflag:$0x1] =	stream.linear.gather [hbm4b:s24+s2], $0x400, $0x38;
	[tilespmem:$0x1A200] =	vst v63  }
0x1af: {  	s24 =	sand.u32 $0xFFFFF80, s26  }
0x1b0: {  	s24 =	sadd.s32 s1, s24  }
0x1b1: {  	[tilespmem:s12], [sflag:$0x1] =	stream.linear.gather [hbm4b:s24+s2], $0x400, $0x38;
	[tilespmem:$0x1A200] =	vst v63  }
0x1b2: {  	s25 =	spop (v2sf);
	s24 =	sadd.s32 $0xF4280, s24  }
0x1b3: {  	(v2sf) =	vpush v48, $0xB;
	[tilespmem:s13], [sflag:$0x1] =	stream.linear.gather [hbm4b:s24+s2], $0x400, $0x38;
	[tilespmem:$0x1A200] =	vst v63  }
0x1b4: {  	s24 =	sand.u32 $0xFFFFF80, s25  }
0x1b5: {  	s24 =	sadd.s32 s1, s24  }
0x1b6: {  	[tilespmem:s14], [sflag:$0x1] =	stream.linear.gather [hbm4b:s24+s2], $0x400, $0x38;
	[tilespmem:$0x1A200] =	vst v63  }
0x1b7: {  	s26 =	simm.s32 $0xE200;
	s24 =	sadd.s32 $0xF4280, s24  }
0x1b8: {  	[tilespmem:s26], [sflag:$0x1] =	stream.linear.gather [hbm4b:s24+s2], $0x400, $0x38;
	[tilespmem:$0x1A200] =	vst v63  }
0x1b9: {  	s25 =	spop (v2sf)  }
0x1ba: {  	(v2sf) =	vpush v48, $0xC;
	s24 =	sand.u32 $0xFFFFF80, s25  }
0x1bb: {  	s26 =	simm.s32 $0x2600;
	s24 =	sadd.s32 s1, s24  }
0x1bc: {  	[tilespmem:s26], [sflag:$0x1] =	stream.linear.gather [hbm4b:s24+s2], $0x400, $0x38;
	[tilespmem:$0x1A200] =	vst v63  }
0x1bd: {  	s25 =	spop (v2sf);
	s24 =	sadd.s32 $0xF4280, s24  }
0x1be: {  	(v2sf) =	vpush v48, $0xD;
	[tilespmem:s29], [sflag:$0x1] =	stream.linear.gather [hbm4b:s24+s2], $0x400, $0x38;
	[tilespmem:$0x1A200] =	vst v63  }
0x1bf: {  	s24 =	sand.u32 $0xFFFFF80, s25  }
0x1c0: {  	s26 =	simm.s32 $0x2A00;
	s24 =	sadd.s32 s1, s24  }
0x1c1: {  	[tilespmem:s26], [sflag:$0x1] =	stream.linear.gather [hbm4b:s24+s2], $0x400, $0x38;
	[tilespmem:$0x1A200] =	vst v63  }
0x1c2: {  	s25 =	spop (v2sf);
	s24 =	sadd.s32 $0xF4280, s24  }
0x1c3: {  	(v2sf) =	vpush v48, $0xE;
	[tilespmem:s31], [sflag:$0x1] =	stream.linear.gather [hbm4b:s24+s2], $0x400, $0x38;
	[tilespmem:$0x1A200] =	vst v63  }
0x1c4: {  	s24 =	sand.u32 $0xFFFFF80, s25  }
0x1c5: {  	s26 =	simm.s32 $0x2E00;
	s24 =	sadd.s32 s1, s24  }
0x1c6: {  	[tilespmem:s26], [sflag:$0x1] =	stream.linear.gather [hbm4b:s24+s2], $0x400, $0x38;
	[tilespmem:$0x1A200] =	vst v63  }
0x1c7: {  	s24 =	sadd.s32 $0xF4280, s24  }
0x1c8: {  	[tilespmem:s0], [sflag:$0x1] =	stream.linear.gather [hbm4b:s24+s2], $0x400, $0x38;
	[tilespmem:$0x1A200] =	vst v63  }
0x1c9: {  	s25 =	spop (v2sf)  }
0x1ca: {  	(v2sf) =	vpush v48, $0xF;
	s24 =	sand.u32 $0xFFFFF80, s25  }
0x1cb: {  	s26 =	simm.s32 $0x3200;
	s24 =	sadd.s32 s1, s24  }
0x1cc: {  	[tilespmem:s26], [sflag:$0x1] =	stream.linear.gather [hbm4b:s24+s2], $0x400, $0x38;
	[tilespmem:$0x1A200] =	vst v63  }
0x1cd: {  	s25 =	spop (v2sf);
	s24 =	sadd.s32 $0xF4280, s24;
	s26 =	simm.s32 $0xF200  }
0x1ce: {  	[tilespmem:s26], [sflag:$0x1] =	stream.linear.gather [hbm4b:s24+s2], $0x400, $0x38;
	[tilespmem:$0x1A200] =	vst v63  }
0x1cf: {  	s24 =	sand.u32 $0xFFFFF80, s25  }
0x1d0: {  	s26 =	simm.s32 $0x3600;
	s24 =	sadd.s32 s1, s24  }
0x1d1: {  	[tilespmem:s26], [sflag:$0x1] =	stream.linear.gather [hbm4b:s24+s2], $0x400, $0x38;
	[tilespmem:$0x1A200] =	vst v63  }
0x1d2: {  	s25 =	spop (v2sf);
	s24 =	sadd.s32 $0xF4280, s24;
	s26 =	simm.s32 $0xF600  }
0x1d3: {  	[tilespmem:s26], [sflag:$0x1] =	stream.linear.gather [hbm4b:s24+s2], $0x400, $0x38;
	[tilespmem:$0x1A200] =	vst v63  }
0x1d4: {  	s24 =	sand.u32 $0xFFFFF80, s25  }
0x1d5: {  	s26 =	simm.s32 $0x3A00;
	s24 =	sadd.s32 s1, s24  }
0x1d6: {  	[tilespmem:s26], [sflag:$0x1] =	stream.linear.gather [hbm4b:s24+s2], $0x400, $0x38;
	[tilespmem:$0x1A200] =	vst v63  }
0x1d7: {  	s24 =	sadd.s32 $0xF4280, s24;
	s26 =	simm.s32 $0xFA00  }
0x1d8: {  	[tilespmem:s26], [sflag:$0x1] =	stream.linear.gather [hbm4b:s24+s2], $0x400, $0x38;
	[tilespmem:$0x1A200] =	vst v63  }
0x1d9: {  	s25 =	spop (v2sf)  }
0x1da: {  	s24 =	sand.u32 $0xFFFFF80, s25  }
0x1db: {  	s26 =	simm.s32 $0x3E00;
	s24 =	sadd.s32 s1, s24  }
0x1dc: {  	[tilespmem:s26], [sflag:$0x1] =	stream.linear.gather [hbm4b:s24+s2], $0x400, $0x38;
	[tilespmem:$0x1A200] =	vst v63  }
0x1dd: {  	s24 =	sadd.s32 $0xF4280, s24;
	s26 =	simm.s32 $0xFE00  }
0x1de: {  	[tilespmem:s26], [sflag:$0x1] =	stream.linear.gather [hbm4b:s24+s2], $0x400, $0x38;
	[tilespmem:$0x1A200] =	vst v63  }
0x1df: {  	_ =	swait.ge [sflag:s17], $0x8000  }
0x1e0: {  	[sflag:s17] =	ssyncset.done $0x0  }
0x1e1: {  	[sflag:s17] =	ssyncadd.s32 $0xFFFF8000  }
0x1e2: {  	v56 =	vld [tilespmem:s19+$0xFFFFFFF0];
	_ =	sdelay $0x4  }
0x1e3: {  	v48 =	vand.u32 $0x7F, v56  }
0x1e4: {  	v57 =	vor.u32 v16, v48;
	_ =	sdelay $0x4  }
0x1e5: {  	v49 =	vld.idx.msk [tilespmem:v57+s8+$0x0], $0xffff  }
0x1e6: {  	v58 =	vor.u32 v17, v48  }
0x1e7: {  	s25 =	sadd.s32 $0x80, s23;
	s26 =	sadd.s32 $0x10, s22  }
0x1e8: {  	s24 =	sand.u32 $0x70, s26;
	s26 =	sand.u32 $0x3C00, s25  }
0x1e9: {  	s24 =	sor.u32 s24, s26  }
0x1ea: {  	[tilespmem:s24+$0x18200] =	vst v49  }
0x1eb: {  	v49 =	vld.idx.msk [tilespmem:v58+s8+$0x0], $0xffff  }
0x1ec: {  	v59 =	vor.u32 v18, v48;
	_ =	sdelay $0x3  }
0x1ed: {  	[tilespmem:s24+$0x18280] =	vst v49  }
0x1ee: {  	v49 =	vld.idx.msk [tilespmem:v59+s8+$0x0], $0xffff  }
0x1ef: {  	v60 =	vor.u32 v19, v48;
	_ =	sdelay $0x3  }
0x1f0: {  	[tilespmem:s24+$0x18300] =	vst v49  }
0x1f1: {  	v49 =	vld.idx.msk [tilespmem:v60+s8+$0x0], $0xffff  }
0x1f2: {  	v61 =	vor.u32 v20, v48;
	_ =	sdelay $0x3  }
0x1f3: {  	[tilespmem:s24+$0x18380] =	vst v49  }
0x1f4: {  	v49 =	vld.idx.msk [tilespmem:v61+s8+$0x0], $0xffff  }
0x1f5: {  	v62 =	vor.u32 v21, v48;
	_ =	sdelay $0x3  }
0x1f6: {  	[tilespmem:s24+$0x18400] =	vst v49  }
0x1f7: {  	v49 =	vld.idx.msk [tilespmem:v62+s8+$0x0], $0xffff  }
0x1f8: {  	v63 =	vor.u32 v22, v48;
	_ =	sdelay $0x3  }
0x1f9: {  	[tilespmem:s24+$0x18480] =	vst v49  }
0x1fa: {  	v49 =	vld.idx.msk [tilespmem:v63+s8+$0x0], $0xffff  }
0x1fb: {  	v52 =	vor.u32 v23, v48;
	_ =	sdelay $0x3  }
0x1fc: {  	[tilespmem:s24+$0x18500] =	vst v49  }
0x1fd: {  	v49 =	vld.idx.msk [tilespmem:v52+s8+$0x0], $0xffff  }
0x1fe: {  	s26 =	sand.u32 $0x7, s21;
	v53 =	vor.u32 v24, v48  }
0x1ff: {  	s26 =	sshll.u32 s26, $0x4  }
0x200: {  	s25 =	sadd.s32 s26, s25  }
0x201: {  	s25 =	sor.u32 $0x380, s25  }
0x202: {  	[tilespmem:s25+$0x18200] =	vst v49  }
0x203: {  	v49 =	vld.idx.msk [tilespmem:v53+s8+$0x0], $0xffff  }
0x204: {  	v54 =	vor.u32 v25, v48;
	_ =	sdelay $0x3  }
0x205: {  	[tilespmem:s24+$0x19200] =	vst v49  }
0x206: {  	v49 =	vld.idx.msk [tilespmem:v54+s8+$0x0], $0xffff  }
0x207: {  	v55 =	vor.u32 v26, v48;
	_ =	sdelay $0x3  }
0x208: {  	[tilespmem:s24+$0x19280] =	vst v49  }
0x209: {  	v49 =	vld.idx.msk [tilespmem:v55+s8+$0x0], $0xffff  }
0x20a: {  	v56 =	vor.u32 v27, v48;
	_ =	sdelay $0x3  }
0x20b: {  	[tilespmem:s24+$0x19300] =	vst v49  }
0x20c: {  	v49 =	vld.idx.msk [tilespmem:v56+s8+$0x0], $0xffff  }
0x20d: {  	v57 =	vor.u32 v28, v48;
	_ =	sdelay $0x3  }
0x20e: {  	[tilespmem:s24+$0x19380] =	vst v49  }
0x20f: {  	v49 =	vld.idx.msk [tilespmem:v57+s8+$0x0], $0xffff  }
0x210: {  	v58 =	vor.u32 v29, v48;
	_ =	sdelay $0x3  }
0x211: {  	[tilespmem:s24+$0x19400] =	vst v49  }
0x212: {  	v49 =	vld.idx.msk [tilespmem:v58+s8+$0x0], $0xffff  }
0x213: {  	v59 =	vor.u32 v30, v48;
	_ =	sdelay $0x3  }
0x214: {  	[tilespmem:s24+$0x19480] =	vst v49  }
0x215: {  	v49 =	vld.idx.msk [tilespmem:v59+s8+$0x0], $0xffff  }
0x216: {  	v48 =	vor.u32 v31, v48;
	_ =	sdelay $0x3  }
0x217: {  	[tilespmem:s24+$0x19500] =	vst v49  }
0x218: {  	v48 =	vld.idx.msk [tilespmem:v48+s8+$0x0], $0xffff;
	_ =	sdelay $0x4  }
0x219: {  	[tilespmem:s24+$0x19580] =	vst v48  }
0x21a: {  	v48 =	vld [tilespmem:s19+$0x20];
	_ =	sdelay $0x4  }
0x21b: {  	(v2sf) =	vpush v48, $0x0;
	_ =	sdelay $0x1  }
0x21c: {  	(v2sf) =	vpush v48, $0x1;
	_ =	sdelay $0x6  }
0x21d: {  	(v2sf) =	vpush v48, $0x2;
	_ =	sdelay $0x5  }
0x21e: {  	s25 =	spop (v2sf)  }
0x21f: {  	(v2sf) =	vpush v48, $0x3;
	s24 =	sand.u32 $0xFFFFF80, s25  }
0x220: {  	s26 =	simm.s32 $0x4200;
	s25 =	spop (v2sf);
	s24 =	sadd.s32 s1, s24  }
0x221: {  	(v2sf) =	vpush v48, $0x4;
	[tilespmem:s26], [sflag:$0x2] =	stream.linear.gather [hbm4b:s24+s2], $0x400, $0x38;
	[tilespmem:$0x1A200] =	vst v63  }
0x222: {  	s24 =	sadd.s32 $0xF4280, s24;
	s26 =	simm.s32 $0x10200  }
0x223: {  	[tilespmem:s26], [sflag:$0x2] =	stream.linear.gather [hbm4b:s24+s2], $0x400, $0x38;
	[tilespmem:$0x1A200] =	vst v63  }
0x224: {  	s24 =	sand.u32 $0xFFFFF80, s25  }
0x225: {  	s26 =	simm.s32 $0x4600;
	s24 =	sadd.s32 s1, s24  }
0x226: {  	[tilespmem:s26], [sflag:$0x2] =	stream.linear.gather [hbm4b:s24+s2], $0x400, $0x38;
	[tilespmem:$0x1A200] =	vst v63  }
0x227: {  	s25 =	spop (v2sf);
	s24 =	sadd.s32 $0xF4280, s24;
	s26 =	simm.s32 $0x10600  }
0x228: {  	(v2sf) =	vpush v48, $0x5;
	[tilespmem:s26], [sflag:$0x2] =	stream.linear.gather [hbm4b:s24+s2], $0x400, $0x38;
	[tilespmem:$0x1A200] =	vst v63  }
0x229: {  	s24 =	sand.u32 $0xFFFFF80, s25  }
0x22a: {  	s26 =	simm.s32 $0x4A00;
	s24 =	sadd.s32 s1, s24  }
0x22b: {  	[tilespmem:s26], [sflag:$0x2] =	stream.linear.gather [hbm4b:s24+s2], $0x400, $0x38;
	[tilespmem:$0x1A200] =	vst v63  }
0x22c: {  	s24 =	sadd.s32 $0xF4280, s24;
	s26 =	simm.s32 $0x10A00  }
0x22d: {  	[tilespmem:s26], [sflag:$0x2] =	stream.linear.gather [hbm4b:s24+s2], $0x400, $0x38;
	[tilespmem:$0x1A200] =	vst v63  }
0x22e: {  	s25 =	spop (v2sf)  }
0x22f: {  	(v2sf) =	vpush v48, $0x6;
	s24 =	sand.u32 $0xFFFFF80, s25  }
0x230: {  	s26 =	simm.s32 $0x4E00;
	s25 =	spop (v2sf);
	s24 =	sadd.s32 s1, s24  }
0x231: {  	(v2sf) =	vpush v48, $0x7;
	[tilespmem:s26], [sflag:$0x2] =	stream.linear.gather [hbm4b:s24+s2], $0x400, $0x38;
	[tilespmem:$0x1A200] =	vst v63  }
0x232: {  	s24 =	sadd.s32 $0xF4280, s24;
	s26 =	simm.s32 $0x10E00  }
0x233: {  	[tilespmem:s26], [sflag:$0x2] =	stream.linear.gather [hbm4b:s24+s2], $0x400, $0x38;
	[tilespmem:$0x1A200] =	vst v63  }
0x234: {  	s24 =	sand.u32 $0xFFFFF80, s25  }
0x235: {  	s26 =	simm.s32 $0x5200;
	s24 =	sadd.s32 s1, s24  }
0x236: {  	[tilespmem:s26], [sflag:$0x2] =	stream.linear.gather [hbm4b:s24+s2], $0x400, $0x38;
	[tilespmem:$0x1A200] =	vst v63  }
0x237: {  	s25 =	spop (v2sf);
	s24 =	sadd.s32 $0xF4280, s24;
	s26 =	simm.s32 $0x11200  }
0x238: {  	(v2sf) =	vpush v48, $0x8;
	[tilespmem:s26], [sflag:$0x2] =	stream.linear.gather [hbm4b:s24+s2], $0x400, $0x38;
	[tilespmem:$0x1A200] =	vst v63  }
0x239: {  	s24 =	sand.u32 $0xFFFFF80, s25  }
0x23a: {  	s26 =	simm.s32 $0x5600;
	s24 =	sadd.s32 s1, s24  }
0x23b: {  	[tilespmem:s26], [sflag:$0x2] =	stream.linear.gather [hbm4b:s24+s2], $0x400, $0x38;
	[tilespmem:$0x1A200] =	vst v63  }
0x23c: {  	s24 =	sadd.s32 $0xF4280, s24;
	s26 =	simm.s32 $0x11600  }
0x23d: {  	[tilespmem:s26], [sflag:$0x2] =	stream.linear.gather [hbm4b:s24+s2], $0x400, $0x38;
	[tilespmem:$0x1A200] =	vst v63  }
0x23e: {  	s25 =	spop (v2sf)  }
0x23f: {  	(v2sf) =	vpush v48, $0x9;
	s24 =	sand.u32 $0xFFFFF80, s25  }
0x240: {  	s26 =	simm.s32 $0x5A00;
	s25 =	spop (v2sf);
	s24 =	sadd.s32 s1, s24  }
0x241: {  	(v2sf) =	vpush v48, $0xA;
	[tilespmem:s26], [sflag:$0x2] =	stream.linear.gather [hbm4b:s24+s2], $0x400, $0x38;
	[tilespmem:$0x1A200] =	vst v63  }
0x242: {  	s24 =	sadd.s32 $0xF4280, s24;
	s26 =	simm.s32 $0x11A00  }
0x243: {  	[tilespmem:s26], [sflag:$0x2] =	stream.linear.gather [hbm4b:s24+s2], $0x400, $0x38;
	[tilespmem:$0x1A200] =	vst v63  }
0x244: {  	s24 =	sand.u32 $0xFFFFF80, s25  }
0x245: {  	s26 =	simm.s32 $0x5E00;
	s24 =	sadd.s32 s1, s24  }
0x246: {  	[tilespmem:s26], [sflag:$0x2] =	stream.linear.gather [hbm4b:s24+s2], $0x400, $0x38;
	[tilespmem:$0x1A200] =	vst v63  }
0x247: {  	s25 =	spop (v2sf);
	s24 =	sadd.s32 $0xF4280, s24;
	s26 =	simm.s32 $0x11E00  }
0x248: {  	(v2sf) =	vpush v48, $0xB;
	[tilespmem:s26], [sflag:$0x2] =	stream.linear.gather [hbm4b:s24+s2], $0x400, $0x38;
	[tilespmem:$0x1A200] =	vst v63  }
0x249: {  	s24 =	sand.u32 $0xFFFFF80, s25  }
0x24a: {  	s26 =	simm.s32 $0x6200;
	s24 =	sadd.s32 s1, s24  }
0x24b: {  	[tilespmem:s26], [sflag:$0x2] =	stream.linear.gather [hbm4b:s24+s2], $0x400, $0x38;
	[tilespmem:$0x1A200] =	vst v63  }
0x24c: {  	s24 =	sadd.s32 $0xF4280, s24;
	s26 =	simm.s32 $0x12200  }
0x24d: {  	[tilespmem:s26], [sflag:$0x2] =	stream.linear.gather [hbm4b:s24+s2], $0x400, $0x38;
	[tilespmem:$0x1A200] =	vst v63  }
0x24e: {  	s25 =	spop (v2sf)  }
0x24f: {  	(v2sf) =	vpush v48, $0xC;
	s24 =	sand.u32 $0xFFFFF80, s25  }
0x250: {  	s26 =	simm.s32 $0x6600;
	s25 =	spop (v2sf);
	s24 =	sadd.s32 s1, s24  }
0x251: {  	(v2sf) =	vpush v48, $0xD;
	[tilespmem:s26], [sflag:$0x2] =	stream.linear.gather [hbm4b:s24+s2], $0x400, $0x38;
	[tilespmem:$0x1A200] =	vst v63  }
0x252: {  	s24 =	sadd.s32 $0xF4280, s24;
	s26 =	simm.s32 $0x12600  }
0x253: {  	[tilespmem:s26], [sflag:$0x2] =	stream.linear.gather [hbm4b:s24+s2], $0x400, $0x38;
	[tilespmem:$0x1A200] =	vst v63  }
0x254: {  	s24 =	sand.u32 $0xFFFFF80, s25  }
0x255: {  	s26 =	simm.s32 $0x6A00;
	s24 =	sadd.s32 s1, s24  }
0x256: {  	[tilespmem:s26], [sflag:$0x2] =	stream.linear.gather [hbm4b:s24+s2], $0x400, $0x38;
	[tilespmem:$0x1A200] =	vst v63  }
0x257: {  	s25 =	spop (v2sf);
	(v2sf) =	vpush v48, $0xE;
	s24 =	sadd.s32 $0xF4280, s24;
	s26 =	simm.s32 $0x12A00  }
0x258: {  	[tilespmem:s26], [sflag:$0x2] =	stream.linear.gather [hbm4b:s24+s2], $0x400, $0x38;
	[tilespmem:$0x1A200] =	vst v63  }
0x259: {  	s24 =	sand.u32 $0xFFFFF80, s25  }
0x25a: {  	s26 =	simm.s32 $0x6E00;
	s24 =	sadd.s32 s1, s24  }
0x25b: {  	[tilespmem:s26], [sflag:$0x2] =	stream.linear.gather [hbm4b:s24+s2], $0x400, $0x38;
	[tilespmem:$0x1A200] =	vst v63  }
0x25c: {  	s24 =	sadd.s32 $0xF4280, s24;
	s26 =	simm.s32 $0x12E00  }
0x25d: {  	[tilespmem:s26], [sflag:$0x2] =	stream.linear.gather [hbm4b:s24+s2], $0x400, $0x38;
	[tilespmem:$0x1A200] =	vst v63  }
0x25e: {  	s25 =	spop (v2sf);
	(v2sf) =	vpush v48, $0xF  }
0x25f: {  	s24 =	sand.u32 $0xFFFFF80, s25  }
0x260: {  	s26 =	simm.s32 $0x7200;
	s25 =	spop (v2sf);
	s24 =	sadd.s32 s1, s24  }
0x261: {  	[tilespmem:s26], [sflag:$0x2] =	stream.linear.gather [hbm4b:s24+s2], $0x400, $0x38;
	[tilespmem:$0x1A200] =	vst v63  }
0x262: {  	s25 =	sand.u32 $0xFFFFF80, s25;
	s24 =	sadd.s32 $0xF4280, s24;
	s26 =	simm.s32 $0x13200  }
0x263: {  	[tilespmem:s26], [sflag:$0x2] =	stream.linear.gather [hbm4b:s24+s2], $0x400, $0x38;
	[tilespmem:$0x1A200] =	vst v63  }
0x264: {  	s24 =	sadd.s32 s1, s25;
	s26 =	simm.s32 $0x7600  }
0x265: {  	[tilespmem:s26], [sflag:$0x2] =	stream.linear.gather [hbm4b:s24+s2], $0x400, $0x38;
	[tilespmem:$0x1A200] =	vst v63  }
0x266: {  	s25 =	spop (v2sf);
	s24 =	sadd.s32 $0xF4280, s24;
	s26 =	simm.s32 $0x13600  }
0x267: {  	[tilespmem:s26], [sflag:$0x2] =	stream.linear.gather [hbm4b:s24+s2], $0x400, $0x38;
	[tilespmem:$0x1A200] =	vst v63  }
0x268: {  	s26 =	sand.u32 $0xFFFFF80, s25  }
0x269: {  	s24 =	sadd.s32 s1, s26  }
0x26a: {  	[tilespmem:s15], [sflag:$0x2] =	stream.linear.gather [hbm4b:s24+s2], $0x400, $0x38;
	[tilespmem:$0x1A200] =	vst v63  }
0x26b: {  	s24 =	sadd.s32 $0xF4280, s24  }
0x26c: {  	[tilespmem:s30], [sflag:$0x2] =	stream.linear.gather [hbm4b:s24+s2], $0x400, $0x38;
	[tilespmem:$0x1A200] =	vst v63  }
0x26d: {  	s25 =	spop (v2sf)  }
0x26e: {  	s24 =	sand.u32 $0xFFFFF80, s25  }
0x26f: {  	s24 =	sadd.s32 s1, s24  }
0x270: {  	[tilespmem:s3], [sflag:$0x2] =	stream.linear.gather [hbm4b:s24+s2], $0x400, $0x38;
	[tilespmem:$0x1A200] =	vst v63  }
0x271: {  	s24 =	sadd.s32 $0xF4280, s24  }
0x272: {  	[tilespmem:s28], [sflag:$0x2] =	stream.linear.gather [hbm4b:s24+s2], $0x400, $0x38;
	[tilespmem:$0x1A200] =	vst v63  }
0x273: {  	_ =	swait.ge [sflag:s18], $0x8000  }
0x274: {  	[sflag:s18] =	ssyncset.done $0x0  }
0x275: {  	[sflag:s18] =	ssyncadd.s32 $0xFFFF8000  }
0x276: {  	v60 =	vld [tilespmem:s19+$0x0];
	_ =	sdelay $0x4  }
0x277: {  	v48 =	vand.u32 $0x7F, v60  }
0x278: {  	v61 =	vor.u32 v32, v48;
	_ =	sdelay $0x4  }
0x279: {  	v49 =	vld.idx.msk [tilespmem:v61+s8+$0x0], $0xffff  }
0x27a: {  	v62 =	vor.u32 v33, v48  }
0x27b: {  	s26 =	sadd.s32 $0x20, s22;
	s25 =	sadd.s32 $0x100, s23  }
0x27c: {  	s24 =	sand.u32 $0x70, s26;
	s26 =	sand.u32 $0x3C00, s25  }
0x27d: {  	s24 =	sor.u32 s24, s26  }
0x27e: {  	[tilespmem:s24+$0x18200] =	vst v49  }
0x27f: {  	v49 =	vld.idx.msk [tilespmem:v62+s8+$0x0], $0xffff  }
0x280: {  	v63 =	vor.u32 v34, v48;
	_ =	sdelay $0x3  }
0x281: {  	[tilespmem:s24+$0x18280] =	vst v49  }
0x282: {  	v49 =	vld.idx.msk [tilespmem:v63+s8+$0x0], $0xffff  }
0x283: {  	v52 =	vor.u32 v35, v48;
	_ =	sdelay $0x3  }
0x284: {  	[tilespmem:s24+$0x18300] =	vst v49  }
0x285: {  	v49 =	vld.idx.msk [tilespmem:v52+s8+$0x0], $0xffff  }
0x286: {  	v53 =	vor.u32 v36, v48;
	_ =	sdelay $0x3  }
0x287: {  	[tilespmem:s24+$0x18380] =	vst v49  }
0x288: {  	v49 =	vld.idx.msk [tilespmem:v53+s8+$0x0], $0xffff  }
0x289: {  	v54 =	vor.u32 v37, v48;
	_ =	sdelay $0x3  }
0x28a: {  	[tilespmem:s24+$0x18400] =	vst v49  }
0x28b: {  	v49 =	vld.idx.msk [tilespmem:v54+s8+$0x0], $0xffff  }
0x28c: {  	v55 =	vor.u32 v38, v48;
	_ =	sdelay $0x3  }
0x28d: {  	[tilespmem:s24+$0x18480] =	vst v49  }
0x28e: {  	v49 =	vld.idx.msk [tilespmem:v55+s8+$0x0], $0xffff  }
0x28f: {  	v56 =	vor.u32 v39, v48;
	_ =	sdelay $0x3  }
0x290: {  	[tilespmem:s24+$0x18500] =	vst v49  }
0x291: {  	v49 =	vld.idx.msk [tilespmem:v56+s8+$0x0], $0xffff  }
0x292: {  	s26 =	sand.u32 $0x7, s20;
	v57 =	vor.u32 v40, v48  }
0x293: {  	s26 =	sshll.u32 s26, $0x4  }
0x294: {  	s25 =	sadd.s32 s26, s25  }
0x295: {  	s25 =	sor.u32 $0x380, s25  }
0x296: {  	[tilespmem:s25+$0x18200] =	vst v49  }
0x297: {  	v49 =	vld.idx.msk [tilespmem:v57+s8+$0x0], $0xffff  }
0x298: {  	v58 =	vor.u32 v41, v48;
	_ =	sdelay $0x3  }
0x299: {  	[tilespmem:s24+$0x19200] =	vst v49  }
0x29a: {  	v49 =	vld.idx.msk [tilespmem:v58+s8+$0x0], $0xffff  }
0x29b: {  	v59 =	vor.u32 v42, v48;
	_ =	sdelay $0x3  }
0x29c: {  	[tilespmem:s24+$0x19280] =	vst v49  }
0x29d: {  	v49 =	vld.idx.msk [tilespmem:v59+s8+$0x0], $0xffff  }
0x29e: {  	v60 =	vor.u32 v43, v48;
	_ =	sdelay $0x3  }
0x29f: {  	[tilespmem:s24+$0x19300] =	vst v49  }
0x2a0: {  	v49 =	vld.idx.msk [tilespmem:v60+s8+$0x0], $0xffff  }
0x2a1: {  	v61 =	vor.u32 v44, v48;
	_ =	sdelay $0x3  }
0x2a2: {  	[tilespmem:s24+$0x19380] =	vst v49  }
0x2a3: {  	v49 =	vld.idx.msk [tilespmem:v61+s8+$0x0], $0xffff  }
0x2a4: {  	v62 =	vor.u32 v45, v48;
	_ =	sdelay $0x3  }
0x2a5: {  	[tilespmem:s24+$0x19400] =	vst v49  }
0x2a6: {  	v49 =	vld.idx.msk [tilespmem:v62+s8+$0x0], $0xffff  }
0x2a7: {  	v63 =	vor.u32 v46, v48;
	_ =	sdelay $0x3  }
0x2a8: {  	[tilespmem:s24+$0x19480] =	vst v49  }
0x2a9: {  	v49 =	vld.idx.msk [tilespmem:v63+s8+$0x0], $0xffff  }
0x2aa: {  	v48 =	vor.u32 v47, v48;
	_ =	sdelay $0x3  }
0x2ab: {  	[tilespmem:s24+$0x19500] =	vst v49  }
0x2ac: {  	p0 =	sne.s32 s23, $0xD80;
	v48 =	vld.idx.msk [tilespmem:v48+s8+$0x0], $0xffff  }
.Ltmp0:
0x2ad: {  	_ = 	snop;
	(pc) =	sbr.rel @p0 .LBB2_2-.Ltmp0, $3  }
0x2ae: {  	_ =	sdelay $0x1  }
0x2af: {  	s21 =	sadd.s32 $0x3, s21;
	s22 =	sadd.s32 $0x30, s22  }
0x2b0: {  	s23 =	sadd.s32 $0x180, s23;
	s20 =	sadd.s32 $0x3, s20;
	s19 =	sadd.s32 $0x30, s19;
	[tilespmem:s24+$0x19580] =	vst v48  }
0x2b1: {  	_ =	swait.ge [sflag:s16], $0x8000  }
0x2b2: {  	[sflag:s16] =	ssyncset.done $0x0  }
0x2b3: {  	[sflag:s16] =	ssyncadd.s32 $0xFFFF8000  }
0x2b4: {  	v48 =	vld [tilespmem:$0x1E0];
	_ =	sdelay $0x4  }
0x2b5: {  	v48 =	vand.u32 $0x7F, v48  }
0x2b6: {  	v49 =	vor.u32 v0, v48;
	_ =	sdelay $0x4  }
0x2b7: {  	v49 =	vld.idx.msk [tilespmem:v49+s8+$0x0], $0xffff  }
0x2b8: {  	v50 =	vor.u32 v1, v48;
	_ =	sdelay $0x3  }
0x2b9: {  	[tilespmem:$0x18E60] =	vst v49  }
0x2ba: {  	v49 =	vld.idx.msk [tilespmem:v50+s8+$0x0], $0xffff  }
0x2bb: {  	v59 =	vor.u32 v2, v48;
	_ =	sdelay $0x3  }
0x2bc: {  	[tilespmem:$0x18EE0] =	vst v49  }
0x2bd: {  	v49 =	vld.idx.msk [tilespmem:v59+s8+$0x0], $0xffff  }
0x2be: {  	v60 =	vor.u32 v3, v48;
	_ =	sdelay $0x3  }
0x2bf: {  	[tilespmem:$0x18F60] =	vst v49  }
0x2c0: {  	v49 =	vld.idx.msk [tilespmem:v60+s8+$0x0], $0xffff  }
0x2c1: {  	v61 =	vor.u32 v4, v48;
	_ =	sdelay $0x3  }
0x2c2: {  	[tilespmem:$0x18FE0] =	vst v49  }
0x2c3: {  	v49 =	vld.idx.msk [tilespmem:v61+s8+$0x0], $0xffff  }
0x2c4: {  	v62 =	vor.u32 v5, v48;
	_ =	sdelay $0x3  }
0x2c5: {  	[tilespmem:$0x19060] =	vst v49  }
0x2c6: {  	v49 =	vld.idx.msk [tilespmem:v62+s8+$0x0], $0xffff  }
0x2c7: {  	v63 =	vor.u32 v6, v48;
	_ =	sdelay $0x3  }
0x2c8: {  	[tilespmem:$0x190E0] =	vst v49  }
0x2c9: {  	v49 =	vld.idx.msk [tilespmem:v63+s8+$0x0], $0xffff  }
0x2ca: {  	v52 =	vor.u32 v7, v48;
	_ =	sdelay $0x3  }
0x2cb: {  	[tilespmem:$0x19160] =	vst v49  }
0x2cc: {  	v49 =	vld.idx.msk [tilespmem:v52+s8+$0x0], $0xffff  }
0x2cd: {  	v53 =	vor.u32 v8, v48;
	_ =	sdelay $0x3  }
0x2ce: {  	[tilespmem:$0x191E0] =	vst v49  }
0x2cf: {  	v49 =	vld.idx.msk [tilespmem:v53+s8+$0x0], $0xffff  }
0x2d0: {  	v54 =	vor.u32 v9, v48;
	_ =	sdelay $0x3  }
0x2d1: {  	[tilespmem:$0x19E60] =	vst v49  }
0x2d2: {  	v49 =	vld.idx.msk [tilespmem:v54+s8+$0x0], $0xffff  }
0x2d3: {  	v55 =	vor.u32 v10, v48;
	_ =	sdelay $0x3  }
0x2d4: {  	[tilespmem:$0x19EE0] =	vst v49  }
0x2d5: {  	v49 =	vld.idx.msk [tilespmem:v55+s8+$0x0], $0xffff  }
0x2d6: {  	v56 =	vor.u32 v11, v48;
	_ =	sdelay $0x3  }
0x2d7: {  	[tilespmem:$0x19F60] =	vst v49  }
0x2d8: {  	v49 =	vld.idx.msk [tilespmem:v56+s8+$0x0], $0xffff  }
0x2d9: {  	v57 =	vor.u32 v12, v48;
	_ =	sdelay $0x3  }
0x2da: {  	[tilespmem:$0x19FE0] =	vst v49  }
0x2db: {  	v49 =	vld.idx.msk [tilespmem:v57+s8+$0x0], $0xffff  }
0x2dc: {  	v58 =	vor.u32 v13, v48;
	_ =	sdelay $0x3  }
0x2dd: {  	[tilespmem:$0x1A060] =	vst v49  }
0x2de: {  	v49 =	vld.idx.msk [tilespmem:v58+s8+$0x0], $0xffff  }
0x2df: {  	v59 =	vor.u32 v14, v48;
	_ =	sdelay $0x3  }
0x2e0: {  	[tilespmem:$0x1A0E0] =	vst v49  }
0x2e1: {  	v49 =	vld.idx.msk [tilespmem:v59+s8+$0x0], $0xffff  }
0x2e2: {  	v48 =	vor.u32 v15, v48;
	_ =	sdelay $0x3  }
0x2e3: {  	[tilespmem:$0x1A160] =	vst v49  }
0x2e4: {  	v48 =	vld.idx.msk [tilespmem:v48+s8+$0x0], $0xffff;
	_ =	sdelay $0x4  }
0x2e5: {  	[tilespmem:$0x1A1E0] =	vst v48  }
0x2e6: {  	_ =	swait.ge [sflag:s17], $0x8000  }
0x2e7: {  	[sflag:s17] =	ssyncset.done $0x0  }
0x2e8: {  	[sflag:s17] =	ssyncadd.s32 $0xFFFF8000  }
0x2e9: {  	v60 =	vld [tilespmem:$0x1F0];
	_ =	sdelay $0x4  }
0x2ea: {  	v48 =	vand.u32 $0x7F, v60  }
0x2eb: {  	v61 =	vor.u32 v16, v48;
	_ =	sdelay $0x4  }
0x2ec: {  	v49 =	vld.idx.msk [tilespmem:v61+s8+$0x0], $0xffff  }
0x2ed: {  	v62 =	vor.u32 v17, v48;
	_ =	sdelay $0x3  }
0x2ee: {  	[tilespmem:$0x18E70] =	vst v49  }
0x2ef: {  	v49 =	vld.idx.msk [tilespmem:v62+s8+$0x0], $0xffff  }
0x2f0: {  	v63 =	vor.u32 v18, v48;
	_ =	sdelay $0x3  }
0x2f1: {  	[tilespmem:$0x18EF0] =	vst v49  }
0x2f2: {  	v49 =	vld.idx.msk [tilespmem:v63+s8+$0x0], $0xffff  }
0x2f3: {  	v52 =	vor.u32 v19, v48;
	_ =	sdelay $0x3  }
0x2f4: {  	[tilespmem:$0x18F70] =	vst v49  }
0x2f5: {  	v49 =	vld.idx.msk [tilespmem:v52+s8+$0x0], $0xffff  }
0x2f6: {  	v53 =	vor.u32 v20, v48;
	_ =	sdelay $0x3  }
0x2f7: {  	[tilespmem:$0x18FF0] =	vst v49  }
0x2f8: {  	v49 =	vld.idx.msk [tilespmem:v53+s8+$0x0], $0xffff  }
0x2f9: {  	v54 =	vor.u32 v21, v48;
	_ =	sdelay $0x3  }
0x2fa: {  	[tilespmem:$0x19070] =	vst v49  }
0x2fb: {  	v49 =	vld.idx.msk [tilespmem:v54+s8+$0x0], $0xffff  }
0x2fc: {  	v55 =	vor.u32 v22, v48;
	_ =	sdelay $0x3  }
0x2fd: {  	[tilespmem:$0x190F0] =	vst v49  }
0x2fe: {  	v49 =	vld.idx.msk [tilespmem:v55+s8+$0x0], $0xffff  }
0x2ff: {  	v56 =	vor.u32 v23, v48;
	_ =	sdelay $0x3  }
0x300: {  	[tilespmem:$0x19170] =	vst v49  }
0x301: {  	v49 =	vld.idx.msk [tilespmem:v56+s8+$0x0], $0xffff  }
0x302: {  	v57 =	vor.u32 v24, v48;
	_ =	sdelay $0x3  }
0x303: {  	[tilespmem:$0x191F0] =	vst v49  }
0x304: {  	v49 =	vld.idx.msk [tilespmem:v57+s8+$0x0], $0xffff  }
0x305: {  	v58 =	vor.u32 v25, v48;
	_ =	sdelay $0x3  }
0x306: {  	[tilespmem:$0x19E70] =	vst v49  }
0x307: {  	v49 =	vld.idx.msk [tilespmem:v58+s8+$0x0], $0xffff  }
0x308: {  	v59 =	vor.u32 v26, v48;
	_ =	sdelay $0x3  }
0x309: {  	[tilespmem:$0x19EF0] =	vst v49  }
0x30a: {  	v49 =	vld.idx.msk [tilespmem:v59+s8+$0x0], $0xffff  }
0x30b: {  	v60 =	vor.u32 v27, v48;
	_ =	sdelay $0x3  }
0x30c: {  	[tilespmem:$0x19F70] =	vst v49  }
0x30d: {  	v49 =	vld.idx.msk [tilespmem:v60+s8+$0x0], $0xffff  }
0x30e: {  	v61 =	vor.u32 v28, v48;
	_ =	sdelay $0x3  }
0x30f: {  	[tilespmem:$0x19FF0] =	vst v49  }
0x310: {  	v49 =	vld.idx.msk [tilespmem:v61+s8+$0x0], $0xffff  }
0x311: {  	v62 =	vor.u32 v29, v48;
	_ =	sdelay $0x3  }
0x312: {  	[tilespmem:$0x1A070] =	vst v49  }
0x313: {  	v49 =	vld.idx.msk [tilespmem:v62+s8+$0x0], $0xffff  }
0x314: {  	v63 =	vor.u32 v30, v48;
	_ =	sdelay $0x3  }
0x315: {  	[tilespmem:$0x1A0F0] =	vst v49  }
0x316: {  	v49 =	vld.idx.msk [tilespmem:v63+s8+$0x0], $0xffff  }
0x317: {  	v48 =	vor.u32 v31, v48;
	_ =	sdelay $0x3  }
0x318: {  	[tilespmem:$0x1A170] =	vst v49  }
0x319: {  	v48 =	vld.idx.msk [tilespmem:v48+s8+$0x0], $0xffff;
	_ =	sdelay $0x2  }
0x31a: {  	s19 =	sld [smem:$0x7F7]  }
0x31b: {  	s0 =	simm.s32 $0x1000  }
0x31c: {  	s3 =	simm.s32 $0x20000;
	s4 =	simm.s32 $0x18200;
	s20 =	simm.s32 $0x4;
	[tilespmem:$0x1A1F0] =	vst v48  }
0x31d: {  	[hbm4b:s19+s0] =	stream.strided.scatter [tilespmem:s4], [sflag:$0x4], $0x2000, s3, s0, $0x38;
	[tilespmem:$0x1A200] =	vst v63  }
0x31e: {  	s21 =	simm.s32 $0xC200;
	_ =	swait.ge [sflag:s20], $0x2000  }
0x31f: {  	s22 =	simm.s32 $0x600;
	s23 =	simm.s32 $0xC600;
	s25 =	sld [smem:$0x7FD]  }
0x320: {  	s24 =	simm.s32 $0xA00;
	s5 =	simm.s32 $0x1200;
	s26 =	sld [smem:$0x7F8]  }
0x321: {  	s6 =	simm.s32 $0xD200;
	s7 =	simm.s32 $0x1600;
	s9 =	simm.s32 $0xD600  }
0x322: {  	s10 =	simm.s32 $0x1A00;
	s11 =	simm.s32 $0xDA00;
	s0 =	sadd.s32 $0x1, s25  }
0x323: {  	s12 =	simm.s32 $0x1E00;
	s13 =	simm.s32 $0xDE00;
	p0 =	sne.s32 s0, s26  }
.Ltmp1:
0x324: {  	s14 =	simm.s32 $0x2200;
	s15 =	simm.s32 $0x2600;
	(pc) =	sbr.rel @p0 .LBB2_1-.Ltmp1, $4  }
0x325: {  	s28 =	simm.s32 $0x2A00;
	s29 =	simm.s32 $0xEA00;
	s30 =	simm.s32 $0x2E00  }
0x326: {  	s31 =	simm.s32 $0xEE00;
	s3 =	simm.s32 $0xE00;
	[sflag:s20] =	ssyncset.done $0x0  }
0x327: {  	s4 =	simm.s32 $0xCE00;
	[sflag:s20] =	ssyncadd.s32 $0xFFFFE000;
	s25 =	simm.s32 $0xCA00  }
0x328: {  	[smem:$0x7FD] =	sst s0;
	s0 =	simm.s32 $0xE200;
	s26 =	simm.s32 $0xE600  }
0x329: {  	_ =	sfence.sel $0x180000  }
0x32a: {  	[bflag:$0x0] =	sbarrier.arrive $0xFFFF  }
0x32b: {  	_ =	strace $0x90000047  }
0x32c: {  	s0 =	stileid.u32;
	[bflag:$0x2] =	sbarrier.arrive $0xFFFF  }
0x32d: {  	p0 =	sne.s32 s0, $0x0;
	s0 =	rddreg [dreg:$0x3]  }
0x32e: {  	s0 =	sadd.s32 @!p0 $0x100000, s0  }
0x32f: {  	[sflag:s0] =	ssyncadd.tile.s32 @!p0 $0x1;
	_ =	shalt  }
.Lfunc_end2:
_tile_overlayer_lowered:
.L_overlay_start_2:
0x330: {  	(tag) =	ssettag $0x2  }
0x331: {  	s0 =	rddreg [dreg:$0x0];
	s2 =	stileid.u32  }
0x332: {  	s1 =	rddreg [dreg:$0x1];
	p0 =	sne.s32 s2, $0x0  }
0x333: {  	s3 =	rddreg [dreg:$0x2];
	[bflag:$0x3] =	sbarrier.arrive $0xFFFF;
	s2 =	simm.s32 @!p0 $0x1C04  }
0x334: {  	[timem:s3], [sflag:s2] =	dma.local @!p0 [hbm:s0], s1  }
0x335: {  	s0 =	simm.s32 @!p0 $0x4  }
0x336: {  	_ =	swait.ge @!p0 [sflag:s0], s1  }
0x337: {  	s1 =	ssub.s32 @!p0 $0x0, s1;
	[sflag:s0] =	ssyncset.done @!p0 $0x0  }
0x338: {  	[sflag:s0] =	ssyncadd.s32 @!p0 s1  }
0x339: {  	[bflag:$0x3] =	sbarrier.arrive $0xFFFF  }
0x33a: {  	_ =	shalt  }

</sc_bundles>
